<compile_context>
chip_gen: v7x
topology: tpu7x:2x2x1
jax: 0.10.2.dev20260603
libtpu: 0.0.44.dev20260713+nightly
codegen_flags: <defaults>
</compile_context>

<pallas_src>
import jax
import jax.numpy as jnp
from jax import lax
from jax.experimental import pallas as pl
from jax.experimental.pallas import tpu as pltpu
from jax.experimental.pallas import tpu_sc as plsc

N = 10000
NPAD = 10240
C = 128
E = 320000
NC = 2
NS = 16
NW = NC * NS
EPW = 10240
K = 64
NCH = EPW // K
RPT = NPAD // NS
NRCH = RPT // K
L = 16
NB = 3
IMAX = 2147483647


def _sc_body(rows_hbm, cols_hbm, wt_hbm, parts_hbm,
             row_v, col_v,
             ridx0_v, cidx0_v, ridx1_v, cidx1_v, ridx2_v, cidx2_v,
             grow0_v, grow1_v, grow2_v,
             minvec_v, minsall_v, mins_sh, acc_sh,
             g0sem, g1sem, g2sem, s0sem, s1sem, s2sem):
    c = lax.axis_index("c")
    s = lax.axis_index("s")
    wid = c * NS + s
    mirror = (1 - c) * NS + s

    pltpu.sync_copy(rows_hbm.at[pl.ds(wid * EPW, EPW)], row_v)
    pltpu.sync_copy(rows_hbm.at[pl.ds(mirror * EPW, EPW)], col_v)

    def minbody(i, mv):
        for u in range(4):
            a = row_v[pl.ds((4 * i + u) * L, L)]
            b2 = col_v[pl.ds((4 * i + u) * L, L)]
            mv = jnp.minimum(mv, jnp.minimum(a, b2))
        return mv

    mv = lax.fori_loop(0, EPW // (4 * L), minbody,
                       jnp.full((L,), IMAX, jnp.int32))
    minvec_v[...] = mv
    pltpu.sync_copy(minvec_v, mins_sh.at[s])
    colcp = pltpu.async_copy(cols_hbm.at[pl.ds(wid * EPW, EPW)], col_v, g1sem)

    for j in range(K // L):
        cidx0_v[pl.ds(j * L, L)] = lax.iota(jnp.int32, L) + (N + j * L)
    pltpu.async_copy(wt_hbm.at[cidx0_v], grow0_v, g0sem).wait()
    r0 = s * RPT
    for k in range(NRCH):
        pltpu.async_copy(grow0_v, acc_sh.at[pl.ds(r0 + k * K, K)], s0sem)
    for k in range(NRCH):
        pltpu.make_async_copy(
            grow0_v, acc_sh.at[pl.ds(r0 + k * K, K)], s0sem).wait()

    plsc.subcore_barrier()

    pltpu.sync_copy(mins_sh, minsall_v)
    mv2 = minsall_v[0]
    for t in range(1, NS):
        mv2 = jnp.minimum(mv2, minsall_v[t])
    m = mv2[0]
    for t in range(1, L):
        m = jnp.minimum(m, mv2[t])

    colcp.wait()

    bufs = [(cidx0_v, ridx0_v, grow0_v, g0sem, s0sem),
            (cidx1_v, ridx1_v, grow1_v, g1sem, s1sem),
            (cidx2_v, ridx2_v, grow2_v, g2sem, s2sem)]

    def stage(b, cc):
        cidx, ridx = bufs[b][0], bufs[b][1]
        base = cc * K
        for j in range(K // L):
            off = j * L
            ridx[pl.ds(off, L)] = row_v[pl.ds(base + off, L)] - m
            cidx[pl.ds(off, L)] = col_v[pl.ds(base + off, L)]

    def gstart(b):
        cidx, _, grow, gsem, _ = bufs[b]
        pltpu.async_copy(wt_hbm.at[cidx], grow, gsem)

    def gwait(b):
        cidx, _, grow, gsem, _ = bufs[b]
        pltpu.make_async_copy(wt_hbm.at[cidx], grow, gsem).wait()

    def sstart(b):
        _, ridx, grow, _, ssem = bufs[b]
        pltpu.async_copy(grow, acc_sh.at[ridx], ssem, add=True)

    def swait(b):
        _, ridx, grow, _, ssem = bufs[b]
        pltpu.make_async_copy(grow, acc_sh.at[ridx], ssem).wait()

    stage(0, 0)
    gstart(0)
    stage(1, 1)
    gstart(1)
    stage(2, 2)
    gstart(2)
    gwait(0)
    sstart(0)
    swait(0)
    stage(0, 3)
    gstart(0)
    gwait(1)
    sstart(1)

    def triple_body(g, _):
        for k in range(NB):
            cc = NB * g + 4 + k
            b = (1 + k) % NB
            swait(b)
            stage(b, cc)
            gstart(b)
            gwait((b + 1) % NB)
            sstart((b + 1) % NB)
        return 0

    lax.fori_loop(0, (NCH - 4) // NB, triple_body, 0)

    gwait(2)
    sstart(2)
    gwait(0)
    sstart(0)
    swait(1)
    swait(2)
    swait(0)

    plsc.subcore_barrier()

    wbufs = [(grow0_v, g0sem, s0sem), (grow1_v, g1sem, s1sem)]

    def rd(k):
        gb, gs, _ = wbufs[k % 2]
        pltpu.async_copy(acc_sh.at[pl.ds(r0 + k * K, K)], gb, gs)

    def rdwait(k):
        gb, gs, _ = wbufs[k % 2]
        pltpu.make_async_copy(acc_sh.at[pl.ds(r0 + k * K, K)], gb, gs).wait()

    def wr(k):
        gb, _, ss = wbufs[k % 2]
        pltpu.async_copy(gb, parts_hbm.at[c, pl.ds(r0 + k * K, K)], ss)

    def wrwait(k):
        gb, _, ss = wbufs[k % 2]
        pltpu.make_async_copy(
            gb, parts_hbm.at[c, pl.ds(r0 + k * K, K)], ss).wait()

    rd(0)
    for k in range(NRCH):
        if k >= 1:
            wrwait(k - 1)
        if k + 1 < NRCH:
            rd(k + 1)
        rdwait(k)
        wr(k)
    wrwait(NRCH - 1)


_sc_call = pl.kernel(
    _sc_body,
    out_type=jax.ShapeDtypeStruct((NC, NPAD, C), jnp.float32),
    mesh=plsc.VectorSubcoreMesh(core_axis_name="c", subcore_axis_name="s"),
    scratch_types=[
        pltpu.VMEM((EPW,), jnp.int32),
        pltpu.VMEM((EPW,), jnp.int32),
        pltpu.VMEM((K,), jnp.int32),
        pltpu.VMEM((K,), jnp.int32),
        pltpu.VMEM((K,), jnp.int32),
        pltpu.VMEM((K,), jnp.int32),
        pltpu.VMEM((K,), jnp.int32),
        pltpu.VMEM((K,), jnp.int32),
        pltpu.VMEM((K, C), jnp.float32),
        pltpu.VMEM((K, C), jnp.float32),
        pltpu.VMEM((K, C), jnp.float32),
        pltpu.VMEM((L,), jnp.int32),
        pltpu.VMEM((NS, L), jnp.int32),
        pltpu.VMEM_SHARED((NS, L), jnp.int32),
        pltpu.VMEM_SHARED((NPAD, C), jnp.float32),
        pltpu.SemaphoreType.DMA,
        pltpu.SemaphoreType.DMA,
        pltpu.SemaphoreType.DMA,
        pltpu.SemaphoreType.DMA,
        pltpu.SemaphoreType.DMA,
        pltpu.SemaphoreType.DMA,
    ],
)


def _merge_body(p_ref, b_ref, o_ref):
    o_ref[...] = p_ref[0] + p_ref[1] + b_ref[...]


def _merge(parts, b):
    rb = 2000
    return pl.pallas_call(
        _merge_body,
        grid=(N // rb,),
        in_specs=[
            pl.BlockSpec((NC, rb, C), lambda i: (0, i, 0)),
            pl.BlockSpec((1, C), lambda i: (0, 0)),
        ],
        out_specs=pl.BlockSpec((rb, C), lambda i: (i, 0)),
        out_shape=jax.ShapeDtypeStruct((N, C), jnp.float32),
    )(parts, b.reshape(1, C))


@jax.jit
def _impl(edge_index, W, b):
    row = edge_index[0].astype(jnp.int32).reshape(NW, E // NW)
    col = edge_index[1].astype(jnp.int32).reshape(NW, E // NW)
    npe = EPW - E // NW
    row = jnp.concatenate([row, row[:, :npe]], axis=1).reshape(-1)
    col = jnp.concatenate(
        [col, jnp.broadcast_to(jnp.arange(N, N + npe, dtype=jnp.int32),
                               (NW, npe))], axis=1).reshape(-1)
    wt = jnp.concatenate(
        [W.T.reshape(N, C), jnp.zeros((npe, C), jnp.float32)], axis=0)
    parts = _sc_call(row, col, wt)
    return _merge(parts, b)


def kernel(edge_index, W, b):
    return _impl(edge_index, W, b)

# --- scband reference (transcript-rebuilt; emitter-appended) ---
"""Pipeline reference for scband-link-7129645711831 (READ-ONLY COPY).

The authoritative reference and input builder live on the scoring server;
editing this copy changes nothing except your own understanding.
"""

import jax, jax.numpy as jnp
import numpy as np
import math

N = 10000
E = 320000
C = 128

def setup_inputs(seed: int = 0) -> dict:
    key = jax.random.key(seed)
    k_ei, k_w, k_b = jax.random.split(key, 3)
    edge_index = jax.random.randint(k_ei, (2, E), 0, N, dtype=jnp.int64)
    # nn.Linear(num_nodes, out_channels): weight [C, N], bias [C], kaiming-uniform-ish init
    bound = 1.0 / math.sqrt(N)
    W = jax.random.uniform(k_w, (C, N), minval=-bound, maxval=bound, dtype=jnp.float32)
    b = jax.random.uniform(k_b, (C,), minval=-bound, maxval=bound, dtype=jnp.float32)
    return {"edge_index": edge_index, "W": W, "b": b}

def reference(edge_index, W, b):
    # Build sparse adjacency A[N, N] with ones at (row, col), then logits = A @ W.T + b.
    # Faithful translation: row shifted by its min (as in original), duplicates accumulate
    # (sparse spmm semantics), implemented as gather + segment-sum.
    row = edge_index[0]
    col = edge_index[1]
    row = row - jnp.min(row)
    gathered = jnp.take(W.T, col, axis=0)  # [E, C] = W[:, col].T
    agg = jax.ops.segment_sum(gathered, row, num_segments=N)  # [N, C]
    logits = agg + b[None, :]
    return logits

if False:  # reference __main__ guard neutralized (emitter)
    out = reference(**setup_inputs())
    print(out.shape, out.dtype)

if __name__ == "__main__":
    import jax
    _d = setup_inputs()
    print(jax.jit(kernel)(*tuple(_d.values())))

</pallas_src>

<mosaic_0001>
#map = affine_map<(d0, d1) -> (0)>
#map1 = affine_map<(d0, d1) -> (0, 0)>
#map2 = affine_map<(d0, d1) -> (0, 0, 0)>
module attributes {stable_mosaic.version = 14 : i64} {
  func.func @_sc_body(%arg0: i32, %arg1: i32, %arg2: memref<327680xi32, #tpu.memory_space<hbm>>, %arg3: memref<327680xi32, #tpu.memory_space<hbm>>, %arg4: memref<10240x128xf32, #tpu.memory_space<hbm>>, %arg5: memref<2x10240x128xf32, #tpu.memory_space<hbm>>, %arg6: memref<10240xi32, #tpu.memory_space<vmem>>, %arg7: memref<10240xi32, #tpu.memory_space<vmem>>, %arg8: memref<64xi32, #tpu.memory_space<vmem>>, %arg9: memref<64xi32, #tpu.memory_space<vmem>>, %arg10: memref<64xi32, #tpu.memory_space<vmem>>, %arg11: memref<64xi32, #tpu.memory_space<vmem>>, %arg12: memref<64xi32, #tpu.memory_space<vmem>>, %arg13: memref<64xi32, #tpu.memory_space<vmem>>, %arg14: memref<64x128xf32, #tpu.memory_space<vmem>>, %arg15: memref<64x128xf32, #tpu.memory_space<vmem>>, %arg16: memref<64x128xf32, #tpu.memory_space<vmem>>, %arg17: memref<16xi32, #tpu.memory_space<vmem>>, %arg18: memref<16x16xi32, #tpu.memory_space<vmem>>, %arg19: memref<16x16xi32, #tpu.memory_space<vmem_shared>>, %arg20: memref<10240x128xf32, #tpu.memory_space<vmem_shared>>, %arg21: memref<!tpu.dma_semaphore, #tpu.memory_space<semaphore_mem>>, %arg22: memref<!tpu.dma_semaphore, #tpu.memory_space<semaphore_mem>>, %arg23: memref<!tpu.dma_semaphore, #tpu.memory_space<semaphore_mem>>, %arg24: memref<!tpu.dma_semaphore, #tpu.memory_space<semaphore_mem>>, %arg25: memref<!tpu.dma_semaphore, #tpu.memory_space<semaphore_mem>>, %arg26: memref<!tpu.dma_semaphore, #tpu.memory_space<semaphore_mem>>) attributes {dimension_semantics = [#tpu.dimension_semantics<core_parallel>, #tpu.dimension_semantics<subcore_parallel>], iteration_bounds = array<i64: 2, 16>, scalar_prefetch = 0 : i64, scratch_operands = 21 : i64, tpu.core_type = #tpu.core_type<sc_vector_subcore>, window_params = [{transform_indices = #map}, {transform_indices = #map}, {transform_indices = #map1}, {transform_indices = #map2}]} {
    %mul3A = arith.constant 16 : i32
    %mul3A_0 = arith.muli %arg0, %mul3A : i32
    %add3A = arith.addi %mul3A_0, %arg1 : i32
    %sub3A = arith.constant 1 : i32
    %sub3A_1 = arith.subi %sub3A, %arg0 : i32
    %mul3A_2 = arith.constant 16 : i32
    %mul3A_3 = arith.muli %sub3A_1, %mul3A_2 : i32
    %add3A_4 = arith.addi %mul3A_3, %arg1 : i32
    %mul3A_5 = arith.constant 10240 : i32
    %mul3A_6 = arith.muli %add3A, %mul3A_5 : i32
    "tpu.region"() ({
      %run_scoped3A = tpu.sem_alloc : memref<!tpu.dma_semaphore, #tpu.memory_space<semaphore_mem>>
      %dma_start3A_911 = tpu.memref_slice %arg2[%mul3A_6] : memref<327680xi32, #tpu.memory_space<hbm>> -> memref<10240xi32, #tpu.memory_space<hbm>>
      %dma_start3A_912 = tpu.memref_slice %arg2[%mul3A_6] : memref<327680xi32, #tpu.memory_space<hbm>> -> memref<10240xi32, #tpu.memory_space<hbm>>
      tpu.enqueue_dma source(%dma_start3A_912 : memref<10240xi32, #tpu.memory_space<hbm>>) target(%arg6 : memref<10240xi32, #tpu.memory_space<vmem>>) target_semaphore(%run_scoped3A : memref<!tpu.dma_semaphore, #tpu.memory_space<semaphore_mem>>)
      %dma_wait3A_913 = tpu.memref_slice %arg2[%mul3A_6] : memref<327680xi32, #tpu.memory_space<hbm>> -> memref<10240xi32, #tpu.memory_space<hbm>>
      %dma_wait3A_914 = tpu.memref_slice %arg2[%mul3A_6] : memref<327680xi32, #tpu.memory_space<hbm>> -> memref<10240xi32, #tpu.memory_space<hbm>>
      tpu.wait_dma2 semaphore(%run_scoped3A : memref<!tpu.dma_semaphore, #tpu.memory_space<semaphore_mem>>) src(%dma_wait3A_914 : memref<10240xi32, #tpu.memory_space<hbm>>) dst(%arg6 : memref<10240xi32, #tpu.memory_space<vmem>>)
      tpu.yield
    }) : () -> ()
    %mul3A_7 = arith.constant 10240 : i32
    %mul3A_8 = arith.muli %add3A_4, %mul3A_7 : i32
    "tpu.region"() ({
      %run_scoped3A = tpu.sem_alloc : memref<!tpu.dma_semaphore, #tpu.memory_space<semaphore_mem>>
      %dma_start3A_911 = tpu.memref_slice %arg2[%mul3A_8] : memref<327680xi32, #tpu.memory_space<hbm>> -> memref<10240xi32, #tpu.memory_space<hbm>>
      %dma_start3A_912 = tpu.memref_slice %arg2[%mul3A_8] : memref<327680xi32, #tpu.memory_space<hbm>> -> memref<10240xi32, #tpu.memory_space<hbm>>
      tpu.enqueue_dma source(%dma_start3A_912 : memref<10240xi32, #tpu.memory_space<hbm>>) target(%arg7 : memref<10240xi32, #tpu.memory_space<vmem>>) target_semaphore(%run_scoped3A : memref<!tpu.dma_semaphore, #tpu.memory_space<semaphore_mem>>)
      %dma_wait3A_913 = tpu.memref_slice %arg2[%mul3A_8] : memref<327680xi32, #tpu.memory_space<hbm>> -> memref<10240xi32, #tpu.memory_space<hbm>>
      %dma_wait3A_914 = tpu.memref_slice %arg2[%mul3A_8] : memref<327680xi32, #tpu.memory_space<hbm>> -> memref<10240xi32, #tpu.memory_space<hbm>>
      tpu.wait_dma2 semaphore(%run_scoped3A : memref<!tpu.dma_semaphore, #tpu.memory_space<semaphore_mem>>) src(%dma_wait3A_914 : memref<10240xi32, #tpu.memory_space<hbm>>) dst(%arg7 : memref<10240xi32, #tpu.memory_space<vmem>>)
      tpu.yield
    }) : () -> ()
    %broadcast_in_dim3A = arith.constant 2147483647 : i32
    %broadcast_in_dim3A_9 = vector.broadcast %broadcast_in_dim3A : i32 to vector<16xi32>
    %scan3A = arith.constant 0 : i32
    %scan3A_10 = arith.constant 160 : i32
    %scan3A_11 = arith.addi %scan3A, %scan3A_10 : i32
    %scan3A_12 = arith.constant 1 : i32
    %scan3A_13 = scf.for %scan3A_911 = %scan3A to %scan3A_11 step %scan3A_12 iter_args(%scan3A_912 = %broadcast_in_dim3A_9) -> (vector<16xi32>)  : i32 {
      %mul3A_913 = arith.constant 4 : i32
      %mul3A_914 = arith.muli %mul3A_913, %scan3A_911 : i32
      %add3A_915 = arith.constant 0 : i32
      %add3A_916 = arith.addi %mul3A_914, %add3A_915 : i32
      %mul3A_917 = arith.constant 16 : i32
      %mul3A_918 = arith.muli %add3A_916, %mul3A_917 : i32
      %get3A_919 = arith.index_cast %mul3A_918 : i32 to index
      %get3A_920 = tpu.vector_load %arg6[%get3A_919] {strides = array<i32>} : memref<10240xi32, #tpu.memory_space<vmem>>, vector<16xi32>,
      %get3A_921 = vector.shape_cast %get3A_920 : vector<16xi32> to vector<16xi32>
      %mul3A_922 = arith.constant 4 : i32
      %mul3A_923 = arith.muli %mul3A_922, %scan3A_911 : i32
      %add3A_924 = arith.constant 0 : i32
      %add3A_925 = arith.addi %mul3A_923, %add3A_924 : i32
      %mul3A_926 = arith.constant 16 : i32
      %mul3A_927 = arith.muli %add3A_925, %mul3A_926 : i32
      %get3A_928 = arith.index_cast %mul3A_927 : i32 to index
      %get3A_929 = tpu.vector_load %arg7[%get3A_928] {strides = array<i32>} : memref<10240xi32, #tpu.memory_space<vmem>>, vector<16xi32>,
      %get3A_930 = vector.shape_cast %get3A_929 : vector<16xi32> to vector<16xi32>
      %min3A_931 = arith.minsi %get3A_921, %get3A_930 : vector<16xi32>
      %min3A_932 = arith.minsi %scan3A_912, %min3A_931 : vector<16xi32>
      %mul3A_933 = arith.constant 4 : i32
      %mul3A_934 = arith.muli %mul3A_933, %scan3A_911 : i32
      %add3A_935 = arith.constant 1 : i32
      %add3A_936 = arith.addi %mul3A_934, %add3A_935 : i32
      %mul3A_937 = arith.constant 16 : i32
      %mul3A_938 = arith.muli %add3A_936, %mul3A_937 : i32
      %get3A_939 = arith.index_cast %mul3A_938 : i32 to index
      %get3A_940 = tpu.vector_load %arg6[%get3A_939] {strides = array<i32>} : memref<10240xi32, #tpu.memory_space<vmem>>, vector<16xi32>,
      %get3A_941 = vector.shape_cast %get3A_940 : vector<16xi32> to vector<16xi32>
      %mul3A_942 = arith.constant 4 : i32
      %mul3A_943 = arith.muli %mul3A_942, %scan3A_911 : i32
      %add3A_944 = arith.constant 1 : i32
      %add3A_945 = arith.addi %mul3A_943, %add3A_944 : i32
      %mul3A_946 = arith.constant 16 : i32
      %mul3A_947 = arith.muli %add3A_945, %mul3A_946 : i32
      %get3A_948 = arith.index_cast %mul3A_947 : i32 to index
      %get3A_949 = tpu.vector_load %arg7[%get3A_948] {strides = array<i32>} : memref<10240xi32, #tpu.memory_space<vmem>>, vector<16xi32>,
      %get3A_950 = vector.shape_cast %get3A_949 : vector<16xi32> to vector<16xi32>
      %min3A_951 = arith.minsi %get3A_941, %get3A_950 : vector<16xi32>
      %min3A_952 = arith.minsi %min3A_932, %min3A_951 : vector<16xi32>
      %mul3A_953 = arith.constant 4 : i32
      %mul3A_954 = arith.muli %mul3A_953, %scan3A_911 : i32
      %add3A_955 = arith.constant 2 : i32
      %add3A_956 = arith.addi %mul3A_954, %add3A_955 : i32
      %mul3A_957 = arith.constant 16 : i32
      %mul3A_958 = arith.muli %add3A_956, %mul3A_957 : i32
      %get3A_959 = arith.index_cast %mul3A_958 : i32 to index
      %get3A_960 = tpu.vector_load %arg6[%get3A_959] {strides = array<i32>} : memref<10240xi32, #tpu.memory_space<vmem>>, vector<16xi32>,
      %get3A_961 = vector.shape_cast %get3A_960 : vector<16xi32> to vector<16xi32>
      %mul3A_962 = arith.constant 4 : i32
      %mul3A_963 = arith.muli %mul3A_962, %scan3A_911 : i32
      %add3A_964 = arith.constant 2 : i32
      %add3A_965 = arith.addi %mul3A_963, %add3A_964 : i32
      %mul3A_966 = arith.constant 16 : i32
      %mul3A_967 = arith.muli %add3A_965, %mul3A_966 : i32
      %get3A_968 = arith.index_cast %mul3A_967 : i32 to index
      %get3A_969 = tpu.vector_load %arg7[%get3A_968] {strides = array<i32>} : memref<10240xi32, #tpu.memory_space<vmem>>, vector<16xi32>,
      %get3A_970 = vector.shape_cast %get3A_969 : vector<16xi32> to vector<16xi32>
      %min3A_971 = arith.minsi %get3A_961, %get3A_970 : vector<16xi32>
      %min3A_972 = arith.minsi %min3A_952, %min3A_971 : vector<16xi32>
      %mul3A_973 = arith.constant 4 : i32
      %mul3A_974 = arith.muli %mul3A_973, %scan3A_911 : i32
      %add3A_975 = arith.constant 3 : i32
      %add3A_976 = arith.addi %mul3A_974, %add3A_975 : i32
      %mul3A_977 = arith.constant 16 : i32
      %mul3A_978 = arith.muli %add3A_976, %mul3A_977 : i32
      %get3A_979 = arith.index_cast %mul3A_978 : i32 to index
      %get3A_980 = tpu.vector_load %arg6[%get3A_979] {strides = array<i32>} : memref<10240xi32, #tpu.memory_space<vmem>>, vector<16xi32>,
      %get3A_981 = vector.shape_cast %get3A_980 : vector<16xi32> to vector<16xi32>
      %mul3A_982 = arith.constant 4 : i32
      %mul3A_983 = arith.muli %mul3A_982, %scan3A_911 : i32
      %add3A_984 = arith.constant 3 : i32
      %add3A_985 = arith.addi %mul3A_983, %add3A_984 : i32
      %mul3A_986 = arith.constant 16 : i32
      %mul3A_987 = arith.muli %add3A_985, %mul3A_986 : i32
      %get3A_988 = arith.index_cast %mul3A_987 : i32 to index
      %get3A_989 = tpu.vector_load %arg7[%get3A_988] {strides = array<i32>} : memref<10240xi32, #tpu.memory_space<vmem>>, vector<16xi32>,
      %get3A_990 = vector.shape_cast %get3A_989 : vector<16xi32> to vector<16xi32>
      %min3A_991 = arith.minsi %get3A_981, %get3A_990 : vector<16xi32>
      %min3A_992 = arith.minsi %min3A_972, %min3A_991 : vector<16xi32>
      scf.yield %min3A_992 : vector<16xi32>
    }
    %scan3A_14 = arith.constant 160 : i32
    %swap3A = arith.constant 0 : index
    %swap3A_15 = tpu.vector_load %arg17[%swap3A] {strides = array<i32>} : memref<16xi32, #tpu.memory_space<vmem>>, vector<16xi32>,
    %swap3A_16 = vector.shape_cast %swap3A_15 : vector<16xi32> to vector<16xi32>
    %swap3A_17 = vector.shape_cast %scan3A_13 : vector<16xi32> to vector<16xi32>
    tpu.vector_store %arg17[%swap3A], %swap3A_17 {strides = array<i32>} : memref<16xi32, #tpu.memory_space<vmem>>, vector<16xi32>,
    "tpu.region"() ({
      %run_scoped3A = tpu.sem_alloc : memref<!tpu.dma_semaphore, #tpu.memory_space<semaphore_mem>>
      %dma_start3A_911 = arith.constant 0 : i32
      %dma_start3A_912 = tpu.memref_slice %arg19[%arg1, %dma_start3A_911] : memref<16x16xi32, #tpu.memory_space<vmem_shared>> -> memref<1x16xi32, #tpu.memory_space<vmem_shared>>
      %dma_start3A_913 = tpu.memref_squeeze %dma_start3A_912 : memref<1x16xi32, #tpu.memory_space<vmem_shared>> -> memref<16xi32, #tpu.memory_space<vmem_shared>>
      %dma_start3A_914 = arith.constant 0 : i32
      %dma_start3A_915 = tpu.memref_slice %arg19[%arg1, %dma_start3A_914] : memref<16x16xi32, #tpu.memory_space<vmem_shared>> -> memref<1x16xi32, #tpu.memory_space<vmem_shared>>
      %dma_start3A_916 = tpu.memref_squeeze %dma_start3A_915 : memref<1x16xi32, #tpu.memory_space<vmem_shared>> -> memref<16xi32, #tpu.memory_space<vmem_shared>>
      tpu.enqueue_dma source(%arg17 : memref<16xi32, #tpu.memory_space<vmem>>) target(%dma_start3A_916 : memref<16xi32, #tpu.memory_space<vmem_shared>>) target_semaphore(%run_scoped3A : memref<!tpu.dma_semaphore, #tpu.memory_space<semaphore_mem>>)
      %dma_wait3A_917 = arith.constant 0 : i32
      %dma_wait3A_918 = tpu.memref_slice %arg19[%arg1, %dma_wait3A_917] : memref<16x16xi32, #tpu.memory_space<vmem_shared>> -> memref<1x16xi32, #tpu.memory_space<vmem_shared>>
      %dma_wait3A_919 = tpu.memref_squeeze %dma_wait3A_918 : memref<1x16xi32, #tpu.memory_space<vmem_shared>> -> memref<16xi32, #tpu.memory_space<vmem_shared>>
      %dma_wait3A_920 = arith.constant 0 : i32
      %dma_wait3A_921 = tpu.memref_slice %arg19[%arg1, %dma_wait3A_920] : memref<16x16xi32, #tpu.memory_space<vmem_shared>> -> memref<1x16xi32, #tpu.memory_space<vmem_shared>>
      %dma_wait3A_922 = tpu.memref_squeeze %dma_wait3A_921 : memref<1x16xi32, #tpu.memory_space<vmem_shared>> -> memref<16xi32, #tpu.memory_space<vmem_shared>>
      tpu.wait_dma2 semaphore(%run_scoped3A : memref<!tpu.dma_semaphore, #tpu.memory_space<semaphore_mem>>) src(%arg17 : memref<16xi32, #tpu.memory_space<vmem>>) dst(%dma_wait3A_922 : memref<16xi32, #tpu.memory_space<vmem_shared>>)
      tpu.yield
    }) : () -> ()
    %mul3A_18 = arith.constant 10240 : i32
    %mul3A_19 = arith.muli %add3A, %mul3A_18 : i32
    %dma_start3A = tpu.memref_slice %arg3[%mul3A_19] : memref<327680xi32, #tpu.memory_space<hbm>> -> memref<10240xi32, #tpu.memory_space<hbm>>
    %dma_start3A_20 = tpu.memref_slice %arg3[%mul3A_19] : memref<327680xi32, #tpu.memory_space<hbm>> -> memref<10240xi32, #tpu.memory_space<hbm>>
    tpu.enqueue_dma source(%dma_start3A_20 : memref<10240xi32, #tpu.memory_space<hbm>>) target(%arg7 : memref<10240xi32, #tpu.memory_space<vmem>>) target_semaphore(%arg22 : memref<!tpu.dma_semaphore, #tpu.memory_space<semaphore_mem>>)
    %iota3A = tpu.iota {dimensions = array<i32: 0>} : vector<16xi32>
    %add3A_21 = arith.constant 10000 : i32
    %add3A_22 = vector.broadcast %add3A_21 : i32 to vector<16xi32>
    %add3A_23 = arith.addi %iota3A, %add3A_22 : vector<16xi32>
    %swap3A_24 = arith.constant 0 : index
    %swap3A_25 = tpu.vector_load %arg9[%swap3A_24] {strides = array<i32>} : memref<64xi32, #tpu.memory_space<vmem>>, vector<16xi32>,
    %swap3A_26 = vector.shape_cast %swap3A_25 : vector<16xi32> to vector<16xi32>
    %swap3A_27 = vector.shape_cast %add3A_23 : vector<16xi32> to vector<16xi32>
    tpu.vector_store %arg9[%swap3A_24], %swap3A_27 {strides = array<i32>} : memref<64xi32, #tpu.memory_space<vmem>>, vector<16xi32>,
    %iota3A_28 = tpu.iota {dimensions = array<i32: 0>} : vector<16xi32>
    %add3A_29 = arith.constant 10016 : i32
    %add3A_30 = vector.broadcast %add3A_29 : i32 to vector<16xi32>
    %add3A_31 = arith.addi %iota3A_28, %add3A_30 : vector<16xi32>
    %swap3A_32 = arith.constant 16 : index
    %swap3A_33 = tpu.vector_load %arg9[%swap3A_32] {strides = array<i32>} : memref<64xi32, #tpu.memory_space<vmem>>, vector<16xi32>,
    %swap3A_34 = vector.shape_cast %swap3A_33 : vector<16xi32> to vector<16xi32>
    %swap3A_35 = vector.shape_cast %add3A_31 : vector<16xi32> to vector<16xi32>
    tpu.vector_store %arg9[%swap3A_32], %swap3A_35 {strides = array<i32>} : memref<64xi32, #tpu.memory_space<vmem>>, vector<16xi32>,
    %iota3A_36 = tpu.iota {dimensions = array<i32: 0>} : vector<16xi32>
    %add3A_37 = arith.constant 10032 : i32
    %add3A_38 = vector.broadcast %add3A_37 : i32 to vector<16xi32>
    %add3A_39 = arith.addi %iota3A_36, %add3A_38 : vector<16xi32>
    %swap3A_40 = arith.constant 32 : index
    %swap3A_41 = tpu.vector_load %arg9[%swap3A_40] {strides = array<i32>} : memref<64xi32, #tpu.memory_space<vmem>>, vector<16xi32>,
    %swap3A_42 = vector.shape_cast %swap3A_41 : vector<16xi32> to vector<16xi32>
    %swap3A_43 = vector.shape_cast %add3A_39 : vector<16xi32> to vector<16xi32>
    tpu.vector_store %arg9[%swap3A_40], %swap3A_43 {strides = array<i32>} : memref<64xi32, #tpu.memory_space<vmem>>, vector<16xi32>,
    %iota3A_44 = tpu.iota {dimensions = array<i32: 0>} : vector<16xi32>
    %add3A_45 = arith.constant 10048 : i32
    %add3A_46 = vector.broadcast %add3A_45 : i32 to vector<16xi32>
    %add3A_47 = arith.addi %iota3A_44, %add3A_46 : vector<16xi32>
    %swap3A_48 = arith.constant 48 : index
    %swap3A_49 = tpu.vector_load %arg9[%swap3A_48] {strides = array<i32>} : memref<64xi32, #tpu.memory_space<vmem>>, vector<16xi32>,
    %swap3A_50 = vector.shape_cast %swap3A_49 : vector<16xi32> to vector<16xi32>
    %swap3A_51 = vector.shape_cast %add3A_47 : vector<16xi32> to vector<16xi32>
    tpu.vector_store %arg9[%swap3A_48], %swap3A_51 {strides = array<i32>} : memref<64xi32, #tpu.memory_space<vmem>>, vector<16xi32>,
    %dma_start3A_52 = arith.constant 0 : i32
    %dma_start3A_53 = arith.constant 0 : i32
    %dma_start3A_54 = tpu.memref_slice %arg4[%dma_start3A_52, %dma_start3A_53] : memref<10240x128xf32, #tpu.memory_space<hbm>> -> memref<10240x128xf32, #tpu.memory_space<hbm>>
    tpu.enqueue_indirect_dma source(%dma_start3A_54 : memref<10240x128xf32, #tpu.memory_space<hbm>>) target(%arg14 : memref<64x128xf32, #tpu.memory_space<vmem>>) offsets(%arg9 : memref<64xi32, #tpu.memory_space<vmem>>) semaphore(%arg21 : memref<!tpu.dma_semaphore, #tpu.memory_space<semaphore_mem>>)
    %dma_wait3A = arith.constant 0 : i32
    %dma_wait3A_55 = arith.constant 0 : i32
    %dma_wait3A_56 = tpu.memref_slice %arg4[%dma_wait3A, %dma_wait3A_55] : memref<10240x128xf32, #tpu.memory_space<hbm>> -> memref<10240x128xf32, #tpu.memory_space<hbm>>
    tpu.wait_indirect_dma semaphore(%arg21 : memref<!tpu.dma_semaphore, #tpu.memory_space<semaphore_mem>>) src(%dma_wait3A_56 : memref<10240x128xf32, #tpu.memory_space<hbm>>) dst(%arg14 : memref<64x128xf32, #tpu.memory_space<vmem>>)
    %mul3A_57 = arith.constant 640 : i32
    %mul3A_58 = arith.muli %arg1, %mul3A_57 : i32
    %add3A_59 = arith.constant 0 : i32
    %add3A_60 = arith.addi %mul3A_58, %add3A_59 : i32
    %dma_start3A_61 = arith.constant 0 : i32
    %dma_start3A_62 = tpu.memref_slice %arg20[%add3A_60, %dma_start3A_61] : memref<10240x128xf32, #tpu.memory_space<vmem_shared>> -> memref<64x128xf32, #tpu.memory_space<vmem_shared>>
    %dma_start3A_63 = arith.constant 0 : i32
    %dma_start3A_64 = tpu.memref_slice %arg20[%add3A_60, %dma_start3A_63] : memref<10240x128xf32, #tpu.memory_space<vmem_shared>> -> memref<64x128xf32, #tpu.memory_space<vmem_shared>>
    tpu.enqueue_dma source(%arg14 : memref<64x128xf32, #tpu.memory_space<vmem>>) target(%dma_start3A_64 : memref<64x128xf32, #tpu.memory_space<vmem_shared>>) target_semaphore(%arg24 : memref<!tpu.dma_semaphore, #tpu.memory_space<semaphore_mem>>)
    %add3A_65 = arith.constant 64 : i32
    %add3A_66 = arith.addi %mul3A_58, %add3A_65 : i32
    %dma_start3A_67 = arith.constant 0 : i32
    %dma_start3A_68 = tpu.memref_slice %arg20[%add3A_66, %dma_start3A_67] : memref<10240x128xf32, #tpu.memory_space<vmem_shared>> -> memref<64x128xf32, #tpu.memory_space<vmem_shared>>
    %dma_start3A_69 = arith.constant 0 : i32
    %dma_start3A_70 = tpu.memref_slice %arg20[%add3A_66, %dma_start3A_69] : memref<10240x128xf32, #tpu.memory_space<vmem_shared>> -> memref<64x128xf32, #tpu.memory_space<vmem_shared>>
    tpu.enqueue_dma source(%arg14 : memref<64x128xf32, #tpu.memory_space<vmem>>) target(%dma_start3A_70 : memref<64x128xf32, #tpu.memory_space<vmem_shared>>) target_semaphore(%arg24 : memref<!tpu.dma_semaphore, #tpu.memory_space<semaphore_mem>>)
    %add3A_71 = arith.constant 128 : i32
    %add3A_72 = arith.addi %mul3A_58, %add3A_71 : i32
    %dma_start3A_73 = arith.constant 0 : i32
    %dma_start3A_74 = tpu.memref_slice %arg20[%add3A_72, %dma_start3A_73] : memref<10240x128xf32, #tpu.memory_space<vmem_shared>> -> memref<64x128xf32, #tpu.memory_space<vmem_shared>>
    %dma_start3A_75 = arith.constant 0 : i32
    %dma_start3A_76 = tpu.memref_slice %arg20[%add3A_72, %dma_start3A_75] : memref<10240x128xf32, #tpu.memory_space<vmem_shared>> -> memref<64x128xf32, #tpu.memory_space<vmem_shared>>
    tpu.enqueue_dma source(%arg14 : memref<64x128xf32, #tpu.memory_space<vmem>>) target(%dma_start3A_76 : memref<64x128xf32, #tpu.memory_space<vmem_shared>>) target_semaphore(%arg24 : memref<!tpu.dma_semaphore, #tpu.memory_space<semaphore_mem>>)
    %add3A_77 = arith.constant 192 : i32
    %add3A_78 = arith.addi %mul3A_58, %add3A_77 : i32
    %dma_start3A_79 = arith.constant 0 : i32
    %dma_start3A_80 = tpu.memref_slice %arg20[%add3A_78, %dma_start3A_79] : memref<10240x128xf32, #tpu.memory_space<vmem_shared>> -> memref<64x128xf32, #tpu.memory_space<vmem_shared>>
    %dma_start3A_81 = arith.constant 0 : i32
    %dma_start3A_82 = tpu.memref_slice %arg20[%add3A_78, %dma_start3A_81] : memref<10240x128xf32, #tpu.memory_space<vmem_shared>> -> memref<64x128xf32, #tpu.memory_space<vmem_shared>>
    tpu.enqueue_dma source(%arg14 : memref<64x128xf32, #tpu.memory_space<vmem>>) target(%dma_start3A_82 : memref<64x128xf32, #tpu.memory_space<vmem_shared>>) target_semaphore(%arg24 : memref<!tpu.dma_semaphore, #tpu.memory_space<semaphore_mem>>)
    %add3A_83 = arith.constant 256 : i32
    %add3A_84 = arith.addi %mul3A_58, %add3A_83 : i32
    %dma_start3A_85 = arith.constant 0 : i32
    %dma_start3A_86 = tpu.memref_slice %arg20[%add3A_84, %dma_start3A_85] : memref<10240x128xf32, #tpu.memory_space<vmem_shared>> -> memref<64x128xf32, #tpu.memory_space<vmem_shared>>
    %dma_start3A_87 = arith.constant 0 : i32
    %dma_start3A_88 = tpu.memref_slice %arg20[%add3A_84, %dma_start3A_87] : memref<10240x128xf32, #tpu.memory_space<vmem_shared>> -> memref<64x128xf32, #tpu.memory_space<vmem_shared>>
    tpu.enqueue_dma source(%arg14 : memref<64x128xf32, #tpu.memory_space<vmem>>) target(%dma_start3A_88 : memref<64x128xf32, #tpu.memory_space<vmem_shared>>) target_semaphore(%arg24 : memref<!tpu.dma_semaphore, #tpu.memory_space<semaphore_mem>>)
    %add3A_89 = arith.constant 320 : i32
    %add3A_90 = arith.addi %mul3A_58, %add3A_89 : i32
    %dma_start3A_91 = arith.constant 0 : i32
    %dma_start3A_92 = tpu.memref_slice %arg20[%add3A_90, %dma_start3A_91] : memref<10240x128xf32, #tpu.memory_space<vmem_shared>> -> memref<64x128xf32, #tpu.memory_space<vmem_shared>>
    %dma_start3A_93 = arith.constant 0 : i32
    %dma_start3A_94 = tpu.memref_slice %arg20[%add3A_90, %dma_start3A_93] : memref<10240x128xf32, #tpu.memory_space<vmem_shared>> -> memref<64x128xf32, #tpu.memory_space<vmem_shared>>
    tpu.enqueue_dma source(%arg14 : memref<64x128xf32, #tpu.memory_space<vmem>>) target(%dma_start3A_94 : memref<64x128xf32, #tpu.memory_space<vmem_shared>>) target_semaphore(%arg24 : memref<!tpu.dma_semaphore, #tpu.memory_space<semaphore_mem>>)
    %add3A_95 = arith.constant 384 : i32
    %add3A_96 = arith.addi %mul3A_58, %add3A_95 : i32
    %dma_start3A_97 = arith.constant 0 : i32
    %dma_start3A_98 = tpu.memref_slice %arg20[%add3A_96, %dma_start3A_97] : memref<10240x128xf32, #tpu.memory_space<vmem_shared>> -> memref<64x128xf32, #tpu.memory_space<vmem_shared>>
    %dma_start3A_99 = arith.constant 0 : i32
    %dma_start3A_100 = tpu.memref_slice %arg20[%add3A_96, %dma_start3A_99] : memref<10240x128xf32, #tpu.memory_space<vmem_shared>> -> memref<64x128xf32, #tpu.memory_space<vmem_shared>>
    tpu.enqueue_dma source(%arg14 : memref<64x128xf32, #tpu.memory_space<vmem>>) target(%dma_start3A_100 : memref<64x128xf32, #tpu.memory_space<vmem_shared>>) target_semaphore(%arg24 : memref<!tpu.dma_semaphore, #tpu.memory_space<semaphore_mem>>)
    %add3A_101 = arith.constant 448 : i32
    %add3A_102 = arith.addi %mul3A_58, %add3A_101 : i32
    %dma_start3A_103 = arith.constant 0 : i32
    %dma_start3A_104 = tpu.memref_slice %arg20[%add3A_102, %dma_start3A_103] : memref<10240x128xf32, #tpu.memory_space<vmem_shared>> -> memref<64x128xf32, #tpu.memory_space<vmem_shared>>
    %dma_start3A_105 = arith.constant 0 : i32
    %dma_start3A_106 = tpu.memref_slice %arg20[%add3A_102, %dma_start3A_105] : memref<10240x128xf32, #tpu.memory_space<vmem_shared>> -> memref<64x128xf32, #tpu.memory_space<vmem_shared>>
    tpu.enqueue_dma source(%arg14 : memref<64x128xf32, #tpu.memory_space<vmem>>) target(%dma_start3A_106 : memref<64x128xf32, #tpu.memory_space<vmem_shared>>) target_semaphore(%arg24 : memref<!tpu.dma_semaphore, #tpu.memory_space<semaphore_mem>>)
    %add3A_107 = arith.constant 512 : i32
    %add3A_108 = arith.addi %mul3A_58, %add3A_107 : i32
    %dma_start3A_109 = arith.constant 0 : i32
    %dma_start3A_110 = tpu.memref_slice %arg20[%add3A_108, %dma_start3A_109] : memref<10240x128xf32, #tpu.memory_space<vmem_shared>> -> memref<64x128xf32, #tpu.memory_space<vmem_shared>>
    %dma_start3A_111 = arith.constant 0 : i32
    %dma_start3A_112 = tpu.memref_slice %arg20[%add3A_108, %dma_start3A_111] : memref<10240x128xf32, #tpu.memory_space<vmem_shared>> -> memref<64x128xf32, #tpu.memory_space<vmem_shared>>
    tpu.enqueue_dma source(%arg14 : memref<64x128xf32, #tpu.memory_space<vmem>>) target(%dma_start3A_112 : memref<64x128xf32, #tpu.memory_space<vmem_shared>>) target_semaphore(%arg24 : memref<!tpu.dma_semaphore, #tpu.memory_space<semaphore_mem>>)
    %add3A_113 = arith.constant 576 : i32
    %add3A_114 = arith.addi %mul3A_58, %add3A_113 : i32
    %dma_start3A_115 = arith.constant 0 : i32
    %dma_start3A_116 = tpu.memref_slice %arg20[%add3A_114, %dma_start3A_115] : memref<10240x128xf32, #tpu.memory_space<vmem_shared>> -> memref<64x128xf32, #tpu.memory_space<vmem_shared>>
    %dma_start3A_117 = arith.constant 0 : i32
    %dma_start3A_118 = tpu.memref_slice %arg20[%add3A_114, %dma_start3A_117] : memref<10240x128xf32, #tpu.memory_space<vmem_shared>> -> memref<64x128xf32, #tpu.memory_space<vmem_shared>>
    tpu.enqueue_dma source(%arg14 : memref<64x128xf32, #tpu.memory_space<vmem>>) target(%dma_start3A_118 : memref<64x128xf32, #tpu.memory_space<vmem_shared>>) target_semaphore(%arg24 : memref<!tpu.dma_semaphore, #tpu.memory_space<semaphore_mem>>)
    %add3A_119 = arith.constant 0 : i32
    %add3A_120 = arith.addi %mul3A_58, %add3A_119 : i32
    %dma_wait3A_121 = arith.constant 0 : i32
    %dma_wait3A_122 = tpu.memref_slice %arg20[%add3A_120, %dma_wait3A_121] : memref<10240x128xf32, #tpu.memory_space<vmem_shared>> -> memref<64x128xf32, #tpu.memory_space<vmem_shared>>
    %dma_wait3A_123 = arith.constant 0 : i32
    %dma_wait3A_124 = tpu.memref_slice %arg20[%add3A_120, %dma_wait3A_123] : memref<10240x128xf32, #tpu.memory_space<vmem_shared>> -> memref<64x128xf32, #tpu.memory_space<vmem_shared>>
    tpu.wait_dma2 semaphore(%arg24 : memref<!tpu.dma_semaphore, #tpu.memory_space<semaphore_mem>>) src(%arg14 : memref<64x128xf32, #tpu.memory_space<vmem>>) dst(%dma_wait3A_124 : memref<64x128xf32, #tpu.memory_space<vmem_shared>>)
    %add3A_125 = arith.constant 64 : i32
    %add3A_126 = arith.addi %mul3A_58, %add3A_125 : i32
    %dma_wait3A_127 = arith.constant 0 : i32
    %dma_wait3A_128 = tpu.memref_slice %arg20[%add3A_126, %dma_wait3A_127] : memref<10240x128xf32, #tpu.memory_space<vmem_shared>> -> memref<64x128xf32, #tpu.memory_space<vmem_shared>>
    %dma_wait3A_129 = arith.constant 0 : i32
    %dma_wait3A_130 = tpu.memref_slice %arg20[%add3A_126, %dma_wait3A_129] : memref<10240x128xf32, #tpu.memory_space<vmem_shared>> -> memref<64x128xf32, #tpu.memory_space<vmem_shared>>
    tpu.wait_dma2 semaphore(%arg24 : memref<!tpu.dma_semaphore, #tpu.memory_space<semaphore_mem>>) src(%arg14 : memref<64x128xf32, #tpu.memory_space<vmem>>) dst(%dma_wait3A_130 : memref<64x128xf32, #tpu.memory_space<vmem_shared>>)
    %add3A_131 = arith.constant 128 : i32
    %add3A_132 = arith.addi %mul3A_58, %add3A_131 : i32
    %dma_wait3A_133 = arith.constant 0 : i32
    %dma_wait3A_134 = tpu.memref_slice %arg20[%add3A_132, %dma_wait3A_133] : memref<10240x128xf32, #tpu.memory_space<vmem_shared>> -> memref<64x128xf32, #tpu.memory_space<vmem_shared>>
    %dma_wait3A_135 = arith.constant 0 : i32
    %dma_wait3A_136 = tpu.memref_slice %arg20[%add3A_132, %dma_wait3A_135] : memref<10240x128xf32, #tpu.memory_space<vmem_shared>> -> memref<64x128xf32, #tpu.memory_space<vmem_shared>>
    tpu.wait_dma2 semaphore(%arg24 : memref<!tpu.dma_semaphore, #tpu.memory_space<semaphore_mem>>) src(%arg14 : memref<64x128xf32, #tpu.memory_space<vmem>>) dst(%dma_wait3A_136 : memref<64x128xf32, #tpu.memory_space<vmem_shared>>)
    %add3A_137 = arith.constant 192 : i32
    %add3A_138 = arith.addi %mul3A_58, %add3A_137 : i32
    %dma_wait3A_139 = arith.constant 0 : i32
    %dma_wait3A_140 = tpu.memref_slice %arg20[%add3A_138, %dma_wait3A_139] : memref<10240x128xf32, #tpu.memory_space<vmem_shared>> -> memref<64x128xf32, #tpu.memory_space<vmem_shared>>
    %dma_wait3A_141 = arith.constant 0 : i32
    %dma_wait3A_142 = tpu.memref_slice %arg20[%add3A_138, %dma_wait3A_141] : memref<10240x128xf32, #tpu.memory_space<vmem_shared>> -> memref<64x128xf32, #tpu.memory_space<vmem_shared>>
    tpu.wait_dma2 semaphore(%arg24 : memref<!tpu.dma_semaphore, #tpu.memory_space<semaphore_mem>>) src(%arg14 : memref<64x128xf32, #tpu.memory_space<vmem>>) dst(%dma_wait3A_142 : memref<64x128xf32, #tpu.memory_space<vmem_shared>>)
    %add3A_143 = arith.constant 256 : i32
    %add3A_144 = arith.addi %mul3A_58, %add3A_143 : i32
    %dma_wait3A_145 = arith.constant 0 : i32
    %dma_wait3A_146 = tpu.memref_slice %arg20[%add3A_144, %dma_wait3A_145] : memref<10240x128xf32, #tpu.memory_space<vmem_shared>> -> memref<64x128xf32, #tpu.memory_space<vmem_shared>>
    %dma_wait3A_147 = arith.constant 0 : i32
    %dma_wait3A_148 = tpu.memref_slice %arg20[%add3A_144, %dma_wait3A_147] : memref<10240x128xf32, #tpu.memory_space<vmem_shared>> -> memref<64x128xf32, #tpu.memory_space<vmem_shared>>
    tpu.wait_dma2 semaphore(%arg24 : memref<!tpu.dma_semaphore, #tpu.memory_space<semaphore_mem>>) src(%arg14 : memref<64x128xf32, #tpu.memory_space<vmem>>) dst(%dma_wait3A_148 : memref<64x128xf32, #tpu.memory_space<vmem_shared>>)
    %add3A_149 = arith.constant 320 : i32
    %add3A_150 = arith.addi %mul3A_58, %add3A_149 : i32
    %dma_wait3A_151 = arith.constant 0 : i32
    %dma_wait3A_152 = tpu.memref_slice %arg20[%add3A_150, %dma_wait3A_151] : memref<10240x128xf32, #tpu.memory_space<vmem_shared>> -> memref<64x128xf32, #tpu.memory_space<vmem_shared>>
    %dma_wait3A_153 = arith.constant 0 : i32
    %dma_wait3A_154 = tpu.memref_slice %arg20[%add3A_150, %dma_wait3A_153] : memref<10240x128xf32, #tpu.memory_space<vmem_shared>> -> memref<64x128xf32, #tpu.memory_space<vmem_shared>>
    tpu.wait_dma2 semaphore(%arg24 : memref<!tpu.dma_semaphore, #tpu.memory_space<semaphore_mem>>) src(%arg14 : memref<64x128xf32, #tpu.memory_space<vmem>>) dst(%dma_wait3A_154 : memref<64x128xf32, #tpu.memory_space<vmem_shared>>)
    %add3A_155 = arith.constant 384 : i32
    %add3A_156 = arith.addi %mul3A_58, %add3A_155 : i32
    %dma_wait3A_157 = arith.constant 0 : i32
    %dma_wait3A_158 = tpu.memref_slice %arg20[%add3A_156, %dma_wait3A_157] : memref<10240x128xf32, #tpu.memory_space<vmem_shared>> -> memref<64x128xf32, #tpu.memory_space<vmem_shared>>
    %dma_wait3A_159 = arith.constant 0 : i32
    %dma_wait3A_160 = tpu.memref_slice %arg20[%add3A_156, %dma_wait3A_159] : memref<10240x128xf32, #tpu.memory_space<vmem_shared>> -> memref<64x128xf32, #tpu.memory_space<vmem_shared>>
    tpu.wait_dma2 semaphore(%arg24 : memref<!tpu.dma_semaphore, #tpu.memory_space<semaphore_mem>>) src(%arg14 : memref<64x128xf32, #tpu.memory_space<vmem>>) dst(%dma_wait3A_160 : memref<64x128xf32, #tpu.memory_space<vmem_shared>>)
    %add3A_161 = arith.constant 448 : i32
    %add3A_162 = arith.addi %mul3A_58, %add3A_161 : i32
    %dma_wait3A_163 = arith.constant 0 : i32
    %dma_wait3A_164 = tpu.memref_slice %arg20[%add3A_162, %dma_wait3A_163] : memref<10240x128xf32, #tpu.memory_space<vmem_shared>> -> memref<64x128xf32, #tpu.memory_space<vmem_shared>>
    %dma_wait3A_165 = arith.constant 0 : i32
    %dma_wait3A_166 = tpu.memref_slice %arg20[%add3A_162, %dma_wait3A_165] : memref<10240x128xf32, #tpu.memory_space<vmem_shared>> -> memref<64x128xf32, #tpu.memory_space<vmem_shared>>
    tpu.wait_dma2 semaphore(%arg24 : memref<!tpu.dma_semaphore, #tpu.memory_space<semaphore_mem>>) src(%arg14 : memref<64x128xf32, #tpu.memory_space<vmem>>) dst(%dma_wait3A_166 : memref<64x128xf32, #tpu.memory_space<vmem_shared>>)
    %add3A_167 = arith.constant 512 : i32
    %add3A_168 = arith.addi %mul3A_58, %add3A_167 : i32
    %dma_wait3A_169 = arith.constant 0 : i32
    %dma_wait3A_170 = tpu.memref_slice %arg20[%add3A_168, %dma_wait3A_169] : memref<10240x128xf32, #tpu.memory_space<vmem_shared>> -> memref<64x128xf32, #tpu.memory_space<vmem_shared>>
    %dma_wait3A_171 = arith.constant 0 : i32
    %dma_wait3A_172 = tpu.memref_slice %arg20[%add3A_168, %dma_wait3A_171] : memref<10240x128xf32, #tpu.memory_space<vmem_shared>> -> memref<64x128xf32, #tpu.memory_space<vmem_shared>>
    tpu.wait_dma2 semaphore(%arg24 : memref<!tpu.dma_semaphore, #tpu.memory_space<semaphore_mem>>) src(%arg14 : memref<64x128xf32, #tpu.memory_space<vmem>>) dst(%dma_wait3A_172 : memref<64x128xf32, #tpu.memory_space<vmem_shared>>)
    %add3A_173 = arith.constant 576 : i32
    %add3A_174 = arith.addi %mul3A_58, %add3A_173 : i32
    %dma_wait3A_175 = arith.constant 0 : i32
    %dma_wait3A_176 = tpu.memref_slice %arg20[%add3A_174, %dma_wait3A_175] : memref<10240x128xf32, #tpu.memory_space<vmem_shared>> -> memref<64x128xf32, #tpu.memory_space<vmem_shared>>
    %dma_wait3A_177 = arith.constant 0 : i32
    %dma_wait3A_178 = tpu.memref_slice %arg20[%add3A_174, %dma_wait3A_177] : memref<10240x128xf32, #tpu.memory_space<vmem_shared>> -> memref<64x128xf32, #tpu.memory_space<vmem_shared>>
    tpu.wait_dma2 semaphore(%arg24 : memref<!tpu.dma_semaphore, #tpu.memory_space<semaphore_mem>>) src(%arg14 : memref<64x128xf32, #tpu.memory_space<vmem>>) dst(%dma_wait3A_178 : memref<64x128xf32, #tpu.memory_space<vmem_shared>>)
    %barrier3A = arith.constant 0 : index
    tpu.barrier barrier_id(%barrier3A)
    "tpu.region"() ({
      %run_scoped3A = tpu.sem_alloc : memref<!tpu.dma_semaphore, #tpu.memory_space<semaphore_mem>>
      tpu.enqueue_dma source(%arg19 : memref<16x16xi32, #tpu.memory_space<vmem_shared>>) target(%arg18 : memref<16x16xi32, #tpu.memory_space<vmem>>) target_semaphore(%run_scoped3A : memref<!tpu.dma_semaphore, #tpu.memory_space<semaphore_mem>>)
      tpu.wait_dma2 semaphore(%run_scoped3A : memref<!tpu.dma_semaphore, #tpu.memory_space<semaphore_mem>>) src(%arg19 : memref<16x16xi32, #tpu.memory_space<vmem_shared>>) dst(%arg18 : memref<16x16xi32, #tpu.memory_space<vmem>>)
      tpu.yield
    }) : () -> ()
    %get3A = arith.constant 0 : i32
    %get3A_179 = arith.index_cast %get3A : i32 to index
    %get3A_180 = arith.constant 0 : index
    %get3A_181 = tpu.vector_load %arg18[%get3A_179, %get3A_180] {strides = array<i32>} : memref<16x16xi32, #tpu.memory_space<vmem>>, vector<1x16xi32>,
    %get3A_182 = vector.shape_cast %get3A_181 : vector<1x16xi32> to vector<16xi32>
    %get3A_183 = arith.constant 1 : i32
    %get3A_184 = arith.index_cast %get3A_183 : i32 to index
    %get3A_185 = arith.constant 0 : index
    %get3A_186 = tpu.vector_load %arg18[%get3A_184, %get3A_185] {strides = array<i32>} : memref<16x16xi32, #tpu.memory_space<vmem>>, vector<1x16xi32>,
    %get3A_187 = vector.shape_cast %get3A_186 : vector<1x16xi32> to vector<16xi32>
    %min3A = arith.minsi %get3A_182, %get3A_187 : vector<16xi32>
    %get3A_188 = arith.constant 2 : i32
    %get3A_189 = arith.index_cast %get3A_188 : i32 to index
    %get3A_190 = arith.constant 0 : index
    %get3A_191 = tpu.vector_load %arg18[%get3A_189, %get3A_190] {strides = array<i32>} : memref<16x16xi32, #tpu.memory_space<vmem>>, vector<1x16xi32>,
    %get3A_192 = vector.shape_cast %get3A_191 : vector<1x16xi32> to vector<16xi32>
    %min3A_193 = arith.minsi %min3A, %get3A_192 : vector<16xi32>
    %get3A_194 = arith.constant 3 : i32
    %get3A_195 = arith.index_cast %get3A_194 : i32 to index
    %get3A_196 = arith.constant 0 : index
    %get3A_197 = tpu.vector_load %arg18[%get3A_195, %get3A_196] {strides = array<i32>} : memref<16x16xi32, #tpu.memory_space<vmem>>, vector<1x16xi32>,
    %get3A_198 = vector.shape_cast %get3A_197 : vector<1x16xi32> to vector<16xi32>
    %min3A_199 = arith.minsi %min3A_193, %get3A_198 : vector<16xi32>
    %get3A_200 = arith.constant 4 : i32
    %get3A_201 = arith.index_cast %get3A_200 : i32 to index
    %get3A_202 = arith.constant 0 : index
    %get3A_203 = tpu.vector_load %arg18[%get3A_201, %get3A_202] {strides = array<i32>} : memref<16x16xi32, #tpu.memory_space<vmem>>, vector<1x16xi32>,
    %get3A_204 = vector.shape_cast %get3A_203 : vector<1x16xi32> to vector<16xi32>
    %min3A_205 = arith.minsi %min3A_199, %get3A_204 : vector<16xi32>
    %get3A_206 = arith.constant 5 : i32
    %get3A_207 = arith.index_cast %get3A_206 : i32 to index
    %get3A_208 = arith.constant 0 : index
    %get3A_209 = tpu.vector_load %arg18[%get3A_207, %get3A_208] {strides = array<i32>} : memref<16x16xi32, #tpu.memory_space<vmem>>, vector<1x16xi32>,
    %get3A_210 = vector.shape_cast %get3A_209 : vector<1x16xi32> to vector<16xi32>
    %min3A_211 = arith.minsi %min3A_205, %get3A_210 : vector<16xi32>
    %get3A_212 = arith.constant 6 : i32
    %get3A_213 = arith.index_cast %get3A_212 : i32 to index
    %get3A_214 = arith.constant 0 : index
    %get3A_215 = tpu.vector_load %arg18[%get3A_213, %get3A_214] {strides = array<i32>} : memref<16x16xi32, #tpu.memory_space<vmem>>, vector<1x16xi32>,
    %get3A_216 = vector.shape_cast %get3A_215 : vector<1x16xi32> to vector<16xi32>
    %min3A_217 = arith.minsi %min3A_211, %get3A_216 : vector<16xi32>
    %get3A_218 = arith.constant 7 : i32
    %get3A_219 = arith.index_cast %get3A_218 : i32 to index
    %get3A_220 = arith.constant 0 : index
    %get3A_221 = tpu.vector_load %arg18[%get3A_219, %get3A_220] {strides = array<i32>} : memref<16x16xi32, #tpu.memory_space<vmem>>, vector<1x16xi32>,
    %get3A_222 = vector.shape_cast %get3A_221 : vector<1x16xi32> to vector<16xi32>
    %min3A_223 = arith.minsi %min3A_217, %get3A_222 : vector<16xi32>
    %get3A_224 = arith.constant 8 : i32
    %get3A_225 = arith.index_cast %get3A_224 : i32 to index
    %get3A_226 = arith.constant 0 : index
    %get3A_227 = tpu.vector_load %arg18[%get3A_225, %get3A_226] {strides = array<i32>} : memref<16x16xi32, #tpu.memory_space<vmem>>, vector<1x16xi32>,
    %get3A_228 = vector.shape_cast %get3A_227 : vector<1x16xi32> to vector<16xi32>
    %min3A_229 = arith.minsi %min3A_223, %get3A_228 : vector<16xi32>
    %get3A_230 = arith.constant 9 : i32
    %get3A_231 = arith.index_cast %get3A_230 : i32 to index
    %get3A_232 = arith.constant 0 : index
    %get3A_233 = tpu.vector_load %arg18[%get3A_231, %get3A_232] {strides = array<i32>} : memref<16x16xi32, #tpu.memory_space<vmem>>, vector<1x16xi32>,
    %get3A_234 = vector.shape_cast %get3A_233 : vector<1x16xi32> to vector<16xi32>
    %min3A_235 = arith.minsi %min3A_229, %get3A_234 : vector<16xi32>
    %get3A_236 = arith.constant 10 : i32
    %get3A_237 = arith.index_cast %get3A_236 : i32 to index
    %get3A_238 = arith.constant 0 : index
    %get3A_239 = tpu.vector_load %arg18[%get3A_237, %get3A_238] {strides = array<i32>} : memref<16x16xi32, #tpu.memory_space<vmem>>, vector<1x16xi32>,
    %get3A_240 = vector.shape_cast %get3A_239 : vector<1x16xi32> to vector<16xi32>
    %min3A_241 = arith.minsi %min3A_235, %get3A_240 : vector<16xi32>
    %get3A_242 = arith.constant 11 : i32
    %get3A_243 = arith.index_cast %get3A_242 : i32 to index
    %get3A_244 = arith.constant 0 : index
    %get3A_245 = tpu.vector_load %arg18[%get3A_243, %get3A_244] {strides = array<i32>} : memref<16x16xi32, #tpu.memory_space<vmem>>, vector<1x16xi32>,
    %get3A_246 = vector.shape_cast %get3A_245 : vector<1x16xi32> to vector<16xi32>
    %min3A_247 = arith.minsi %min3A_241, %get3A_246 : vector<16xi32>
    %get3A_248 = arith.constant 12 : i32
    %get3A_249 = arith.index_cast %get3A_248 : i32 to index
    %get3A_250 = arith.constant 0 : index
    %get3A_251 = tpu.vector_load %arg18[%get3A_249, %get3A_250] {strides = array<i32>} : memref<16x16xi32, #tpu.memory_space<vmem>>, vector<1x16xi32>,
    %get3A_252 = vector.shape_cast %get3A_251 : vector<1x16xi32> to vector<16xi32>
    %min3A_253 = arith.minsi %min3A_247, %get3A_252 : vector<16xi32>
    %get3A_254 = arith.constant 13 : i32
    %get3A_255 = arith.index_cast %get3A_254 : i32 to index
    %get3A_256 = arith.constant 0 : index
    %get3A_257 = tpu.vector_load %arg18[%get3A_255, %get3A_256] {strides = array<i32>} : memref<16x16xi32, #tpu.memory_space<vmem>>, vector<1x16xi32>,
    %get3A_258 = vector.shape_cast %get3A_257 : vector<1x16xi32> to vector<16xi32>
    %min3A_259 = arith.minsi %min3A_253, %get3A_258 : vector<16xi32>
    %get3A_260 = arith.constant 14 : i32
    %get3A_261 = arith.index_cast %get3A_260 : i32 to index
    %get3A_262 = arith.constant 0 : index
    %get3A_263 = tpu.vector_load %arg18[%get3A_261, %get3A_262] {strides = array<i32>} : memref<16x16xi32, #tpu.memory_space<vmem>>, vector<1x16xi32>,
    %get3A_264 = vector.shape_cast %get3A_263 : vector<1x16xi32> to vector<16xi32>
    %min3A_265 = arith.minsi %min3A_259, %get3A_264 : vector<16xi32>
    %get3A_266 = arith.constant 15 : i32
    %get3A_267 = arith.index_cast %get3A_266 : i32 to index
    %get3A_268 = arith.constant 0 : index
    %get3A_269 = tpu.vector_load %arg18[%get3A_267, %get3A_268] {strides = array<i32>} : memref<16x16xi32, #tpu.memory_space<vmem>>, vector<1x16xi32>,
    %get3A_270 = vector.shape_cast %get3A_269 : vector<1x16xi32> to vector<16xi32>
    %min3A_271 = arith.minsi %min3A_265, %get3A_270 : vector<16xi32>
    %slice3A = vector.extract_strided_slice %min3A_271 {offsets = [0], sizes = [1], strides = [1]} : vector<16xi32> to vector<1xi32>
    %squeeze3A = vector.extract %slice3A[0] : i32 from vector<1xi32>
    %slice3A_272 = vector.extract_strided_slice %min3A_271 {offsets = [1], sizes = [1], strides = [1]} : vector<16xi32> to vector<1xi32>
    %squeeze3A_273 = vector.extract %slice3A_272[0] : i32 from vector<1xi32>
    %min3A_274 = arith.minsi %squeeze3A, %squeeze3A_273 : i32
    %slice3A_275 = vector.extract_strided_slice %min3A_271 {offsets = [2], sizes = [1], strides = [1]} : vector<16xi32> to vector<1xi32>
    %squeeze3A_276 = vector.extract %slice3A_275[0] : i32 from vector<1xi32>
    %min3A_277 = arith.minsi %min3A_274, %squeeze3A_276 : i32
    %slice3A_278 = vector.extract_strided_slice %min3A_271 {offsets = [3], sizes = [1], strides = [1]} : vector<16xi32> to vector<1xi32>
    %squeeze3A_279 = vector.extract %slice3A_278[0] : i32 from vector<1xi32>
    %min3A_280 = arith.minsi %min3A_277, %squeeze3A_279 : i32
    %slice3A_281 = vector.extract_strided_slice %min3A_271 {offsets = [4], sizes = [1], strides = [1]} : vector<16xi32> to vector<1xi32>
    %squeeze3A_282 = vector.extract %slice3A_281[0] : i32 from vector<1xi32>
    %min3A_283 = arith.minsi %min3A_280, %squeeze3A_282 : i32
    %slice3A_284 = vector.extract_strided_slice %min3A_271 {offsets = [5], sizes = [1], strides = [1]} : vector<16xi32> to vector<1xi32>
    %squeeze3A_285 = vector.extract %slice3A_284[0] : i32 from vector<1xi32>
    %min3A_286 = arith.minsi %min3A_283, %squeeze3A_285 : i32
    %slice3A_287 = vector.extract_strided_slice %min3A_271 {offsets = [6], sizes = [1], strides = [1]} : vector<16xi32> to vector<1xi32>
    %squeeze3A_288 = vector.extract %slice3A_287[0] : i32 from vector<1xi32>
    %min3A_289 = arith.minsi %min3A_286, %squeeze3A_288 : i32
    %slice3A_290 = vector.extract_strided_slice %min3A_271 {offsets = [7], sizes = [1], strides = [1]} : vector<16xi32> to vector<1xi32>
    %squeeze3A_291 = vector.extract %slice3A_290[0] : i32 from vector<1xi32>
    %min3A_292 = arith.minsi %min3A_289, %squeeze3A_291 : i32
    %slice3A_293 = vector.extract_strided_slice %min3A_271 {offsets = [8], sizes = [1], strides = [1]} : vector<16xi32> to vector<1xi32>
    %squeeze3A_294 = vector.extract %slice3A_293[0] : i32 from vector<1xi32>
    %min3A_295 = arith.minsi %min3A_292, %squeeze3A_294 : i32
    %slice3A_296 = vector.extract_strided_slice %min3A_271 {offsets = [9], sizes = [1], strides = [1]} : vector<16xi32> to vector<1xi32>
    %squeeze3A_297 = vector.extract %slice3A_296[0] : i32 from vector<1xi32>
    %min3A_298 = arith.minsi %min3A_295, %squeeze3A_297 : i32
    %slice3A_299 = vector.extract_strided_slice %min3A_271 {offsets = [10], sizes = [1], strides = [1]} : vector<16xi32> to vector<1xi32>
    %squeeze3A_300 = vector.extract %slice3A_299[0] : i32 from vector<1xi32>
    %min3A_301 = arith.minsi %min3A_298, %squeeze3A_300 : i32
    %slice3A_302 = vector.extract_strided_slice %min3A_271 {offsets = [11], sizes = [1], strides = [1]} : vector<16xi32> to vector<1xi32>
    %squeeze3A_303 = vector.extract %slice3A_302[0] : i32 from vector<1xi32>
    %min3A_304 = arith.minsi %min3A_301, %squeeze3A_303 : i32
    %slice3A_305 = vector.extract_strided_slice %min3A_271 {offsets = [12], sizes = [1], strides = [1]} : vector<16xi32> to vector<1xi32>
    %squeeze3A_306 = vector.extract %slice3A_305[0] : i32 from vector<1xi32>
    %min3A_307 = arith.minsi %min3A_304, %squeeze3A_306 : i32
    %slice3A_308 = vector.extract_strided_slice %min3A_271 {offsets = [13], sizes = [1], strides = [1]} : vector<16xi32> to vector<1xi32>
    %squeeze3A_309 = vector.extract %slice3A_308[0] : i32 from vector<1xi32>
    %min3A_310 = arith.minsi %min3A_307, %squeeze3A_309 : i32
    %slice3A_311 = vector.extract_strided_slice %min3A_271 {offsets = [14], sizes = [1], strides = [1]} : vector<16xi32> to vector<1xi32>
    %squeeze3A_312 = vector.extract %slice3A_311[0] : i32 from vector<1xi32>
    %min3A_313 = arith.minsi %min3A_310, %squeeze3A_312 : i32
    %slice3A_314 = vector.extract_strided_slice %min3A_271 {offsets = [15], sizes = [1], strides = [1]} : vector<16xi32> to vector<1xi32>
    %squeeze3A_315 = vector.extract %slice3A_314[0] : i32 from vector<1xi32>
    %min3A_316 = arith.minsi %min3A_313, %squeeze3A_315 : i32
    %dma_wait3A_317 = tpu.memref_slice %arg3[%mul3A_19] : memref<327680xi32, #tpu.memory_space<hbm>> -> memref<10240xi32, #tpu.memory_space<hbm>>
    %dma_wait3A_318 = tpu.memref_slice %arg3[%mul3A_19] : memref<327680xi32, #tpu.memory_space<hbm>> -> memref<10240xi32, #tpu.memory_space<hbm>>
    tpu.wait_dma2 semaphore(%arg22 : memref<!tpu.dma_semaphore, #tpu.memory_space<semaphore_mem>>) src(%dma_wait3A_318 : memref<10240xi32, #tpu.memory_space<hbm>>) dst(%arg7 : memref<10240xi32, #tpu.memory_space<vmem>>)
    %get3A_319 = arith.constant 0 : index
    %get3A_320 = tpu.vector_load %arg6[%get3A_319] {strides = array<i32>} : memref<10240xi32, #tpu.memory_space<vmem>>, vector<16xi32>,
    %get3A_321 = vector.shape_cast %get3A_320 : vector<16xi32> to vector<16xi32>
    %sub3A_322 = vector.broadcast %min3A_316 : i32 to vector<16xi32>
    %sub3A_323 = arith.subi %get3A_321, %sub3A_322 : vector<16xi32>
    %swap3A_324 = arith.constant 0 : index
    %swap3A_325 = tpu.vector_load %arg8[%swap3A_324] {strides = array<i32>} : memref<64xi32, #tpu.memory_space<vmem>>, vector<16xi32>,
    %swap3A_326 = vector.shape_cast %swap3A_325 : vector<16xi32> to vector<16xi32>
    %swap3A_327 = vector.shape_cast %sub3A_323 : vector<16xi32> to vector<16xi32>
    tpu.vector_store %arg8[%swap3A_324], %swap3A_327 {strides = array<i32>} : memref<64xi32, #tpu.memory_space<vmem>>, vector<16xi32>,
    %get3A_328 = arith.constant 0 : index
    %get3A_329 = tpu.vector_load %arg7[%get3A_328] {strides = array<i32>} : memref<10240xi32, #tpu.memory_space<vmem>>, vector<16xi32>,
    %get3A_330 = vector.shape_cast %get3A_329 : vector<16xi32> to vector<16xi32>
    %swap3A_331 = arith.constant 0 : index
    %swap3A_332 = tpu.vector_load %arg9[%swap3A_331] {strides = array<i32>} : memref<64xi32, #tpu.memory_space<vmem>>, vector<16xi32>,
    %swap3A_333 = vector.shape_cast %swap3A_332 : vector<16xi32> to vector<16xi32>
    %swap3A_334 = vector.shape_cast %get3A_330 : vector<16xi32> to vector<16xi32>
    tpu.vector_store %arg9[%swap3A_331], %swap3A_334 {strides = array<i32>} : memref<64xi32, #tpu.memory_space<vmem>>, vector<16xi32>,
    %get3A_335 = arith.constant 16 : index
    %get3A_336 = tpu.vector_load %arg6[%get3A_335] {strides = array<i32>} : memref<10240xi32, #tpu.memory_space<vmem>>, vector<16xi32>,
    %get3A_337 = vector.shape_cast %get3A_336 : vector<16xi32> to vector<16xi32>
    %sub3A_338 = vector.broadcast %min3A_316 : i32 to vector<16xi32>
    %sub3A_339 = arith.subi %get3A_337, %sub3A_338 : vector<16xi32>
    %swap3A_340 = arith.constant 16 : index
    %swap3A_341 = tpu.vector_load %arg8[%swap3A_340] {strides = array<i32>} : memref<64xi32, #tpu.memory_space<vmem>>, vector<16xi32>,
    %swap3A_342 = vector.shape_cast %swap3A_341 : vector<16xi32> to vector<16xi32>
    %swap3A_343 = vector.shape_cast %sub3A_339 : vector<16xi32> to vector<16xi32>
    tpu.vector_store %arg8[%swap3A_340], %swap3A_343 {strides = array<i32>} : memref<64xi32, #tpu.memory_space<vmem>>, vector<16xi32>,
    %get3A_344 = arith.constant 16 : index
    %get3A_345 = tpu.vector_load %arg7[%get3A_344] {strides = array<i32>} : memref<10240xi32, #tpu.memory_space<vmem>>, vector<16xi32>,
    %get3A_346 = vector.shape_cast %get3A_345 : vector<16xi32> to vector<16xi32>
    %swap3A_347 = arith.constant 16 : index
    %swap3A_348 = tpu.vector_load %arg9[%swap3A_347] {strides = array<i32>} : memref<64xi32, #tpu.memory_space<vmem>>, vector<16xi32>,
    %swap3A_349 = vector.shape_cast %swap3A_348 : vector<16xi32> to vector<16xi32>
    %swap3A_350 = vector.shape_cast %get3A_346 : vector<16xi32> to vector<16xi32>
    tpu.vector_store %arg9[%swap3A_347], %swap3A_350 {strides = array<i32>} : memref<64xi32, #tpu.memory_space<vmem>>, vector<16xi32>,
    %get3A_351 = arith.constant 32 : index
    %get3A_352 = tpu.vector_load %arg6[%get3A_351] {strides = array<i32>} : memref<10240xi32, #tpu.memory_space<vmem>>, vector<16xi32>,
    %get3A_353 = vector.shape_cast %get3A_352 : vector<16xi32> to vector<16xi32>
    %sub3A_354 = vector.broadcast %min3A_316 : i32 to vector<16xi32>
    %sub3A_355 = arith.subi %get3A_353, %sub3A_354 : vector<16xi32>
    %swap3A_356 = arith.constant 32 : index
    %swap3A_357 = tpu.vector_load %arg8[%swap3A_356] {strides = array<i32>} : memref<64xi32, #tpu.memory_space<vmem>>, vector<16xi32>,
    %swap3A_358 = vector.shape_cast %swap3A_357 : vector<16xi32> to vector<16xi32>
    %swap3A_359 = vector.shape_cast %sub3A_355 : vector<16xi32> to vector<16xi32>
    tpu.vector_store %arg8[%swap3A_356], %swap3A_359 {strides = array<i32>} : memref<64xi32, #tpu.memory_space<vmem>>, vector<16xi32>,
    %get3A_360 = arith.constant 32 : index
    %get3A_361 = tpu.vector_load %arg7[%get3A_360] {strides = array<i32>} : memref<10240xi32, #tpu.memory_space<vmem>>, vector<16xi32>,
    %get3A_362 = vector.shape_cast %get3A_361 : vector<16xi32> to vector<16xi32>
    %swap3A_363 = arith.constant 32 : index
    %swap3A_364 = tpu.vector_load %arg9[%swap3A_363] {strides = array<i32>} : memref<64xi32, #tpu.memory_space<vmem>>, vector<16xi32>,
    %swap3A_365 = vector.shape_cast %swap3A_364 : vector<16xi32> to vector<16xi32>
    %swap3A_366 = vector.shape_cast %get3A_362 : vector<16xi32> to vector<16xi32>
    tpu.vector_store %arg9[%swap3A_363], %swap3A_366 {strides = array<i32>} : memref<64xi32, #tpu.memory_space<vmem>>, vector<16xi32>,
    %get3A_367 = arith.constant 48 : index
    %get3A_368 = tpu.vector_load %arg6[%get3A_367] {strides = array<i32>} : memref<10240xi32, #tpu.memory_space<vmem>>, vector<16xi32>,
    %get3A_369 = vector.shape_cast %get3A_368 : vector<16xi32> to vector<16xi32>
    %sub3A_370 = vector.broadcast %min3A_316 : i32 to vector<16xi32>
    %sub3A_371 = arith.subi %get3A_369, %sub3A_370 : vector<16xi32>
    %swap3A_372 = arith.constant 48 : index
    %swap3A_373 = tpu.vector_load %arg8[%swap3A_372] {strides = array<i32>} : memref<64xi32, #tpu.memory_space<vmem>>, vector<16xi32>,
    %swap3A_374 = vector.shape_cast %swap3A_373 : vector<16xi32> to vector<16xi32>
    %swap3A_375 = vector.shape_cast %sub3A_371 : vector<16xi32> to vector<16xi32>
    tpu.vector_store %arg8[%swap3A_372], %swap3A_375 {strides = array<i32>} : memref<64xi32, #tpu.memory_space<vmem>>, vector<16xi32>,
    %get3A_376 = arith.constant 48 : index
    %get3A_377 = tpu.vector_load %arg7[%get3A_376] {strides = array<i32>} : memref<10240xi32, #tpu.memory_space<vmem>>, vector<16xi32>,
    %get3A_378 = vector.shape_cast %get3A_377 : vector<16xi32> to vector<16xi32>
    %swap3A_379 = arith.constant 48 : index
    %swap3A_380 = tpu.vector_load %arg9[%swap3A_379] {strides = array<i32>} : memref<64xi32, #tpu.memory_space<vmem>>, vector<16xi32>,
    %swap3A_381 = vector.shape_cast %swap3A_380 : vector<16xi32> to vector<16xi32>
    %swap3A_382 = vector.shape_cast %get3A_378 : vector<16xi32> to vector<16xi32>
    tpu.vector_store %arg9[%swap3A_379], %swap3A_382 {strides = array<i32>} : memref<64xi32, #tpu.memory_space<vmem>>, vector<16xi32>,
    %dma_start3A_383 = arith.constant 0 : i32
    %dma_start3A_384 = arith.constant 0 : i32
    %dma_start3A_385 = tpu.memref_slice %arg4[%dma_start3A_383, %dma_start3A_384] : memref<10240x128xf32, #tpu.memory_space<hbm>> -> memref<10240x128xf32, #tpu.memory_space<hbm>>
    tpu.enqueue_indirect_dma source(%dma_start3A_385 : memref<10240x128xf32, #tpu.memory_space<hbm>>) target(%arg14 : memref<64x128xf32, #tpu.memory_space<vmem>>) offsets(%arg9 : memref<64xi32, #tpu.memory_space<vmem>>) semaphore(%arg21 : memref<!tpu.dma_semaphore, #tpu.memory_space<semaphore_mem>>)
    %get3A_386 = arith.constant 64 : index
    %get3A_387 = tpu.vector_load %arg6[%get3A_386] {strides = array<i32>} : memref<10240xi32, #tpu.memory_space<vmem>>, vector<16xi32>,
    %get3A_388 = vector.shape_cast %get3A_387 : vector<16xi32> to vector<16xi32>
    %sub3A_389 = vector.broadcast %min3A_316 : i32 to vector<16xi32>
    %sub3A_390 = arith.subi %get3A_388, %sub3A_389 : vector<16xi32>
    %swap3A_391 = arith.constant 0 : index
    %swap3A_392 = tpu.vector_load %arg10[%swap3A_391] {strides = array<i32>} : memref<64xi32, #tpu.memory_space<vmem>>, vector<16xi32>,
    %swap3A_393 = vector.shape_cast %swap3A_392 : vector<16xi32> to vector<16xi32>
    %swap3A_394 = vector.shape_cast %sub3A_390 : vector<16xi32> to vector<16xi32>
    tpu.vector_store %arg10[%swap3A_391], %swap3A_394 {strides = array<i32>} : memref<64xi32, #tpu.memory_space<vmem>>, vector<16xi32>,
    %get3A_395 = arith.constant 64 : index
    %get3A_396 = tpu.vector_load %arg7[%get3A_395] {strides = array<i32>} : memref<10240xi32, #tpu.memory_space<vmem>>, vector<16xi32>,
    %get3A_397 = vector.shape_cast %get3A_396 : vector<16xi32> to vector<16xi32>
    %swap3A_398 = arith.constant 0 : index
    %swap3A_399 = tpu.vector_load %arg11[%swap3A_398] {strides = array<i32>} : memref<64xi32, #tpu.memory_space<vmem>>, vector<16xi32>,
    %swap3A_400 = vector.shape_cast %swap3A_399 : vector<16xi32> to vector<16xi32>
    %swap3A_401 = vector.shape_cast %get3A_397 : vector<16xi32> to vector<16xi32>
    tpu.vector_store %arg11[%swap3A_398], %swap3A_401 {strides = array<i32>} : memref<64xi32, #tpu.memory_space<vmem>>, vector<16xi32>,
    %get3A_402 = arith.constant 80 : index
    %get3A_403 = tpu.vector_load %arg6[%get3A_402] {strides = array<i32>} : memref<10240xi32, #tpu.memory_space<vmem>>, vector<16xi32>,
    %get3A_404 = vector.shape_cast %get3A_403 : vector<16xi32> to vector<16xi32>
    %sub3A_405 = vector.broadcast %min3A_316 : i32 to vector<16xi32>
    %sub3A_406 = arith.subi %get3A_404, %sub3A_405 : vector<16xi32>
    %swap3A_407 = arith.constant 16 : index
    %swap3A_408 = tpu.vector_load %arg10[%swap3A_407] {strides = array<i32>} : memref<64xi32, #tpu.memory_space<vmem>>, vector<16xi32>,
    %swap3A_409 = vector.shape_cast %swap3A_408 : vector<16xi32> to vector<16xi32>
    %swap3A_410 = vector.shape_cast %sub3A_406 : vector<16xi32> to vector<16xi32>
    tpu.vector_store %arg10[%swap3A_407], %swap3A_410 {strides = array<i32>} : memref<64xi32, #tpu.memory_space<vmem>>, vector<16xi32>,
    %get3A_411 = arith.constant 80 : index
    %get3A_412 = tpu.vector_load %arg7[%get3A_411] {strides = array<i32>} : memref<10240xi32, #tpu.memory_space<vmem>>, vector<16xi32>,
    %get3A_413 = vector.shape_cast %get3A_412 : vector<16xi32> to vector<16xi32>
    %swap3A_414 = arith.constant 16 : index
    %swap3A_415 = tpu.vector_load %arg11[%swap3A_414] {strides = array<i32>} : memref<64xi32, #tpu.memory_space<vmem>>, vector<16xi32>,
    %swap3A_416 = vector.shape_cast %swap3A_415 : vector<16xi32> to vector<16xi32>
    %swap3A_417 = vector.shape_cast %get3A_413 : vector<16xi32> to vector<16xi32>
    tpu.vector_store %arg11[%swap3A_414], %swap3A_417 {strides = array<i32>} : memref<64xi32, #tpu.memory_space<vmem>>, vector<16xi32>,
    %get3A_418 = arith.constant 96 : index
    %get3A_419 = tpu.vector_load %arg6[%get3A_418] {strides = array<i32>} : memref<10240xi32, #tpu.memory_space<vmem>>, vector<16xi32>,
    %get3A_420 = vector.shape_cast %get3A_419 : vector<16xi32> to vector<16xi32>
    %sub3A_421 = vector.broadcast %min3A_316 : i32 to vector<16xi32>
    %sub3A_422 = arith.subi %get3A_420, %sub3A_421 : vector<16xi32>
    %swap3A_423 = arith.constant 32 : index
    %swap3A_424 = tpu.vector_load %arg10[%swap3A_423] {strides = array<i32>} : memref<64xi32, #tpu.memory_space<vmem>>, vector<16xi32>,
    %swap3A_425 = vector.shape_cast %swap3A_424 : vector<16xi32> to vector<16xi32>
    %swap3A_426 = vector.shape_cast %sub3A_422 : vector<16xi32> to vector<16xi32>
    tpu.vector_store %arg10[%swap3A_423], %swap3A_426 {strides = array<i32>} : memref<64xi32, #tpu.memory_space<vmem>>, vector<16xi32>,
    %get3A_427 = arith.constant 96 : index
    %get3A_428 = tpu.vector_load %arg7[%get3A_427] {strides = array<i32>} : memref<10240xi32, #tpu.memory_space<vmem>>, vector<16xi32>,
    %get3A_429 = vector.shape_cast %get3A_428 : vector<16xi32> to vector<16xi32>
    %swap3A_430 = arith.constant 32 : index
    %swap3A_431 = tpu.vector_load %arg11[%swap3A_430] {strides = array<i32>} : memref<64xi32, #tpu.memory_space<vmem>>, vector<16xi32>,
    %swap3A_432 = vector.shape_cast %swap3A_431 : vector<16xi32> to vector<16xi32>
    %swap3A_433 = vector.shape_cast %get3A_429 : vector<16xi32> to vector<16xi32>
    tpu.vector_store %arg11[%swap3A_430], %swap3A_433 {strides = array<i32>} : memref<64xi32, #tpu.memory_space<vmem>>, vector<16xi32>,
    %get3A_434 = arith.constant 112 : index
    %get3A_435 = tpu.vector_load %arg6[%get3A_434] {strides = array<i32>} : memref<10240xi32, #tpu.memory_space<vmem>>, vector<16xi32>,
    %get3A_436 = vector.shape_cast %get3A_435 : vector<16xi32> to vector<16xi32>
    %sub3A_437 = vector.broadcast %min3A_316 : i32 to vector<16xi32>
    %sub3A_438 = arith.subi %get3A_436, %sub3A_437 : vector<16xi32>
    %swap3A_439 = arith.constant 48 : index
    %swap3A_440 = tpu.vector_load %arg10[%swap3A_439] {strides = array<i32>} : memref<64xi32, #tpu.memory_space<vmem>>, vector<16xi32>,
    %swap3A_441 = vector.shape_cast %swap3A_440 : vector<16xi32> to vector<16xi32>
    %swap3A_442 = vector.shape_cast %sub3A_438 : vector<16xi32> to vector<16xi32>
    tpu.vector_store %arg10[%swap3A_439], %swap3A_442 {strides = array<i32>} : memref<64xi32, #tpu.memory_space<vmem>>, vector<16xi32>,
    %get3A_443 = arith.constant 112 : index
    %get3A_444 = tpu.vector_load %arg7[%get3A_443] {strides = array<i32>} : memref<10240xi32, #tpu.memory_space<vmem>>, vector<16xi32>,
    %get3A_445 = vector.shape_cast %get3A_444 : vector<16xi32> to vector<16xi32>
    %swap3A_446 = arith.constant 48 : index
    %swap3A_447 = tpu.vector_load %arg11[%swap3A_446] {strides = array<i32>} : memref<64xi32, #tpu.memory_space<vmem>>, vector<16xi32>,
    %swap3A_448 = vector.shape_cast %swap3A_447 : vector<16xi32> to vector<16xi32>
    %swap3A_449 = vector.shape_cast %get3A_445 : vector<16xi32> to vector<16xi32>
    tpu.vector_store %arg11[%swap3A_446], %swap3A_449 {strides = array<i32>} : memref<64xi32, #tpu.memory_space<vmem>>, vector<16xi32>,
    %dma_start3A_450 = arith.constant 0 : i32
    %dma_start3A_451 = arith.constant 0 : i32
    %dma_start3A_452 = tpu.memref_slice %arg4[%dma_start3A_450, %dma_start3A_451] : memref<10240x128xf32, #tpu.memory_space<hbm>> -> memref<10240x128xf32, #tpu.memory_space<hbm>>
    tpu.enqueue_indirect_dma source(%dma_start3A_452 : memref<10240x128xf32, #tpu.memory_space<hbm>>) target(%arg15 : memref<64x128xf32, #tpu.memory_space<vmem>>) offsets(%arg11 : memref<64xi32, #tpu.memory_space<vmem>>) semaphore(%arg22 : memref<!tpu.dma_semaphore, #tpu.memory_space<semaphore_mem>>)
    %get3A_453 = arith.constant 128 : index
    %get3A_454 = tpu.vector_load %arg6[%get3A_453] {strides = array<i32>} : memref<10240xi32, #tpu.memory_space<vmem>>, vector<16xi32>,
    %get3A_455 = vector.shape_cast %get3A_454 : vector<16xi32> to vector<16xi32>
    %sub3A_456 = vector.broadcast %min3A_316 : i32 to vector<16xi32>
    %sub3A_457 = arith.subi %get3A_455, %sub3A_456 : vector<16xi32>
    %swap3A_458 = arith.constant 0 : index
    %swap3A_459 = tpu.vector_load %arg12[%swap3A_458] {strides = array<i32>} : memref<64xi32, #tpu.memory_space<vmem>>, vector<16xi32>,
    %swap3A_460 = vector.shape_cast %swap3A_459 : vector<16xi32> to vector<16xi32>
    %swap3A_461 = vector.shape_cast %sub3A_457 : vector<16xi32> to vector<16xi32>
    tpu.vector_store %arg12[%swap3A_458], %swap3A_461 {strides = array<i32>} : memref<64xi32, #tpu.memory_space<vmem>>, vector<16xi32>,
    %get3A_462 = arith.constant 128 : index
    %get3A_463 = tpu.vector_load %arg7[%get3A_462] {strides = array<i32>} : memref<10240xi32, #tpu.memory_space<vmem>>, vector<16xi32>,
    %get3A_464 = vector.shape_cast %get3A_463 : vector<16xi32> to vector<16xi32>
    %swap3A_465 = arith.constant 0 : index
    %swap3A_466 = tpu.vector_load %arg13[%swap3A_465] {strides = array<i32>} : memref<64xi32, #tpu.memory_space<vmem>>, vector<16xi32>,
    %swap3A_467 = vector.shape_cast %swap3A_466 : vector<16xi32> to vector<16xi32>
    %swap3A_468 = vector.shape_cast %get3A_464 : vector<16xi32> to vector<16xi32>
    tpu.vector_store %arg13[%swap3A_465], %swap3A_468 {strides = array<i32>} : memref<64xi32, #tpu.memory_space<vmem>>, vector<16xi32>,
    %get3A_469 = arith.constant 144 : index
    %get3A_470 = tpu.vector_load %arg6[%get3A_469] {strides = array<i32>} : memref<10240xi32, #tpu.memory_space<vmem>>, vector<16xi32>,
    %get3A_471 = vector.shape_cast %get3A_470 : vector<16xi32> to vector<16xi32>
    %sub3A_472 = vector.broadcast %min3A_316 : i32 to vector<16xi32>
    %sub3A_473 = arith.subi %get3A_471, %sub3A_472 : vector<16xi32>
    %swap3A_474 = arith.constant 16 : index
    %swap3A_475 = tpu.vector_load %arg12[%swap3A_474] {strides = array<i32>} : memref<64xi32, #tpu.memory_space<vmem>>, vector<16xi32>,
    %swap3A_476 = vector.shape_cast %swap3A_475 : vector<16xi32> to vector<16xi32>
    %swap3A_477 = vector.shape_cast %sub3A_473 : vector<16xi32> to vector<16xi32>
    tpu.vector_store %arg12[%swap3A_474], %swap3A_477 {strides = array<i32>} : memref<64xi32, #tpu.memory_space<vmem>>, vector<16xi32>,
    %get3A_478 = arith.constant 144 : index
    %get3A_479 = tpu.vector_load %arg7[%get3A_478] {strides = array<i32>} : memref<10240xi32, #tpu.memory_space<vmem>>, vector<16xi32>,
    %get3A_480 = vector.shape_cast %get3A_479 : vector<16xi32> to vector<16xi32>
    %swap3A_481 = arith.constant 16 : index
    %swap3A_482 = tpu.vector_load %arg13[%swap3A_481] {strides = array<i32>} : memref<64xi32, #tpu.memory_space<vmem>>, vector<16xi32>,
    %swap3A_483 = vector.shape_cast %swap3A_482 : vector<16xi32> to vector<16xi32>
    %swap3A_484 = vector.shape_cast %get3A_480 : vector<16xi32> to vector<16xi32>
    tpu.vector_store %arg13[%swap3A_481], %swap3A_484 {strides = array<i32>} : memref<64xi32, #tpu.memory_space<vmem>>, vector<16xi32>,
    %get3A_485 = arith.constant 160 : index
    %get3A_486 = tpu.vector_load %arg6[%get3A_485] {strides = array<i32>} : memref<10240xi32, #tpu.memory_space<vmem>>, vector<16xi32>,
    %get3A_487 = vector.shape_cast %get3A_486 : vector<16xi32> to vector<16xi32>
    %sub3A_488 = vector.broadcast %min3A_316 : i32 to vector<16xi32>
    %sub3A_489 = arith.subi %get3A_487, %sub3A_488 : vector<16xi32>
    %swap3A_490 = arith.constant 32 : index
    %swap3A_491 = tpu.vector_load %arg12[%swap3A_490] {strides = array<i32>} : memref<64xi32, #tpu.memory_space<vmem>>, vector<16xi32>,
    %swap3A_492 = vector.shape_cast %swap3A_491 : vector<16xi32> to vector<16xi32>
    %swap3A_493 = vector.shape_cast %sub3A_489 : vector<16xi32> to vector<16xi32>
    tpu.vector_store %arg12[%swap3A_490], %swap3A_493 {strides = array<i32>} : memref<64xi32, #tpu.memory_space<vmem>>, vector<16xi32>,
    %get3A_494 = arith.constant 160 : index
    %get3A_495 = tpu.vector_load %arg7[%get3A_494] {strides = array<i32>} : memref<10240xi32, #tpu.memory_space<vmem>>, vector<16xi32>,
    %get3A_496 = vector.shape_cast %get3A_495 : vector<16xi32> to vector<16xi32>
    %swap3A_497 = arith.constant 32 : index
    %swap3A_498 = tpu.vector_load %arg13[%swap3A_497] {strides = array<i32>} : memref<64xi32, #tpu.memory_space<vmem>>, vector<16xi32>,
    %swap3A_499 = vector.shape_cast %swap3A_498 : vector<16xi32> to vector<16xi32>
    %swap3A_500 = vector.shape_cast %get3A_496 : vector<16xi32> to vector<16xi32>
    tpu.vector_store %arg13[%swap3A_497], %swap3A_500 {strides = array<i32>} : memref<64xi32, #tpu.memory_space<vmem>>, vector<16xi32>,
    %get3A_501 = arith.constant 176 : index
    %get3A_502 = tpu.vector_load %arg6[%get3A_501] {strides = array<i32>} : memref<10240xi32, #tpu.memory_space<vmem>>, vector<16xi32>,
    %get3A_503 = vector.shape_cast %get3A_502 : vector<16xi32> to vector<16xi32>
    %sub3A_504 = vector.broadcast %min3A_316 : i32 to vector<16xi32>
    %sub3A_505 = arith.subi %get3A_503, %sub3A_504 : vector<16xi32>
    %swap3A_506 = arith.constant 48 : index
    %swap3A_507 = tpu.vector_load %arg12[%swap3A_506] {strides = array<i32>} : memref<64xi32, #tpu.memory_space<vmem>>, vector<16xi32>,
    %swap3A_508 = vector.shape_cast %swap3A_507 : vector<16xi32> to vector<16xi32>
    %swap3A_509 = vector.shape_cast %sub3A_505 : vector<16xi32> to vector<16xi32>
    tpu.vector_store %arg12[%swap3A_506], %swap3A_509 {strides = array<i32>} : memref<64xi32, #tpu.memory_space<vmem>>, vector<16xi32>,
    %get3A_510 = arith.constant 176 : index
    %get3A_511 = tpu.vector_load %arg7[%get3A_510] {strides = array<i32>} : memref<10240xi32, #tpu.memory_space<vmem>>, vector<16xi32>,
    %get3A_512 = vector.shape_cast %get3A_511 : vector<16xi32> to vector<16xi32>
    %swap3A_513 = arith.constant 48 : index
    %swap3A_514 = tpu.vector_load %arg13[%swap3A_513] {strides = array<i32>} : memref<64xi32, #tpu.memory_space<vmem>>, vector<16xi32>,
    %swap3A_515 = vector.shape_cast %swap3A_514 : vector<16xi32> to vector<16xi32>
    %swap3A_516 = vector.shape_cast %get3A_512 : vector<16xi32> to vector<16xi32>
    tpu.vector_store %arg13[%swap3A_513], %swap3A_516 {strides = array<i32>} : memref<64xi32, #tpu.memory_space<vmem>>, vector<16xi32>,
    %dma_start3A_517 = arith.constant 0 : i32
    %dma_start3A_518 = arith.constant 0 : i32
    %dma_start3A_519 = tpu.memref_slice %arg4[%dma_start3A_517, %dma_start3A_518] : memref<10240x128xf32, #tpu.memory_space<hbm>> -> memref<10240x128xf32, #tpu.memory_space<hbm>>
    tpu.enqueue_indirect_dma source(%dma_start3A_519 : memref<10240x128xf32, #tpu.memory_space<hbm>>) target(%arg16 : memref<64x128xf32, #tpu.memory_space<vmem>>) offsets(%arg13 : memref<64xi32, #tpu.memory_space<vmem>>) semaphore(%arg23 : memref<!tpu.dma_semaphore, #tpu.memory_space<semaphore_mem>>)
    %dma_wait3A_520 = arith.constant 0 : i32
    %dma_wait3A_521 = arith.constant 0 : i32
    %dma_wait3A_522 = tpu.memref_slice %arg4[%dma_wait3A_520, %dma_wait3A_521] : memref<10240x128xf32, #tpu.memory_space<hbm>> -> memref<10240x128xf32, #tpu.memory_space<hbm>>
    tpu.wait_indirect_dma semaphore(%arg21 : memref<!tpu.dma_semaphore, #tpu.memory_space<semaphore_mem>>) src(%dma_wait3A_522 : memref<10240x128xf32, #tpu.memory_space<hbm>>) dst(%arg14 : memref<64x128xf32, #tpu.memory_space<vmem>>)
    %dma_start3A_523 = arith.constant 0 : i32
    %dma_start3A_524 = arith.constant 0 : i32
    %dma_start3A_525 = tpu.memref_slice %arg20[%dma_start3A_523, %dma_start3A_524] : memref<10240x128xf32, #tpu.memory_space<vmem_shared>> -> memref<10240x128xf32, #tpu.memory_space<vmem_shared>>
    tpu.enqueue_indirect_dma source(%arg14 : memref<64x128xf32, #tpu.memory_space<vmem>>) target(%dma_start3A_525 : memref<10240x128xf32, #tpu.memory_space<vmem_shared>>) offsets(%arg8 : memref<64xi32, #tpu.memory_space<vmem>>) semaphore(%arg24 : memref<!tpu.dma_semaphore, #tpu.memory_space<semaphore_mem>>) {add = true}
    %dma_wait3A_526 = arith.constant 0 : i32
    %dma_wait3A_527 = arith.constant 0 : i32
    %dma_wait3A_528 = tpu.memref_slice %arg20[%dma_wait3A_526, %dma_wait3A_527] : memref<10240x128xf32, #tpu.memory_space<vmem_shared>> -> memref<10240x128xf32, #tpu.memory_space<vmem_shared>>
    tpu.wait_indirect_dma semaphore(%arg24 : memref<!tpu.dma_semaphore, #tpu.memory_space<semaphore_mem>>) src(%arg14 : memref<64x128xf32, #tpu.memory_space<vmem>>) dst(%dma_wait3A_528 : memref<10240x128xf32, #tpu.memory_space<vmem_shared>>)
    %get3A_529 = arith.constant 192 : index
    %get3A_530 = tpu.vector_load %arg6[%get3A_529] {strides = array<i32>} : memref<10240xi32, #tpu.memory_space<vmem>>, vector<16xi32>,
    %get3A_531 = vector.shape_cast %get3A_530 : vector<16xi32> to vector<16xi32>
    %sub3A_532 = vector.broadcast %min3A_316 : i32 to vector<16xi32>
    %sub3A_533 = arith.subi %get3A_531, %sub3A_532 : vector<16xi32>
    %swap3A_534 = arith.constant 0 : index
    %swap3A_535 = tpu.vector_load %arg8[%swap3A_534] {strides = array<i32>} : memref<64xi32, #tpu.memory_space<vmem>>, vector<16xi32>,
    %swap3A_536 = vector.shape_cast %swap3A_535 : vector<16xi32> to vector<16xi32>
    %swap3A_537 = vector.shape_cast %sub3A_533 : vector<16xi32> to vector<16xi32>
    tpu.vector_store %arg8[%swap3A_534], %swap3A_537 {strides = array<i32>} : memref<64xi32, #tpu.memory_space<vmem>>, vector<16xi32>,
    %get3A_538 = arith.constant 192 : index
    %get3A_539 = tpu.vector_load %arg7[%get3A_538] {strides = array<i32>} : memref<10240xi32, #tpu.memory_space<vmem>>, vector<16xi32>,
    %get3A_540 = vector.shape_cast %get3A_539 : vector<16xi32> to vector<16xi32>
    %swap3A_541 = arith.constant 0 : index
    %swap3A_542 = tpu.vector_load %arg9[%swap3A_541] {strides = array<i32>} : memref<64xi32, #tpu.memory_space<vmem>>, vector<16xi32>,
    %swap3A_543 = vector.shape_cast %swap3A_542 : vector<16xi32> to vector<16xi32>
    %swap3A_544 = vector.shape_cast %get3A_540 : vector<16xi32> to vector<16xi32>
    tpu.vector_store %arg9[%swap3A_541], %swap3A_544 {strides = array<i32>} : memref<64xi32, #tpu.memory_space<vmem>>, vector<16xi32>,
    %get3A_545 = arith.constant 208 : index
    %get3A_546 = tpu.vector_load %arg6[%get3A_545] {strides = array<i32>} : memref<10240xi32, #tpu.memory_space<vmem>>, vector<16xi32>,
    %get3A_547 = vector.shape_cast %get3A_546 : vector<16xi32> to vector<16xi32>
    %sub3A_548 = vector.broadcast %min3A_316 : i32 to vector<16xi32>
    %sub3A_549 = arith.subi %get3A_547, %sub3A_548 : vector<16xi32>
    %swap3A_550 = arith.constant 16 : index
    %swap3A_551 = tpu.vector_load %arg8[%swap3A_550] {strides = array<i32>} : memref<64xi32, #tpu.memory_space<vmem>>, vector<16xi32>,
    %swap3A_552 = vector.shape_cast %swap3A_551 : vector<16xi32> to vector<16xi32>
    %swap3A_553 = vector.shape_cast %sub3A_549 : vector<16xi32> to vector<16xi32>
    tpu.vector_store %arg8[%swap3A_550], %swap3A_553 {strides = array<i32>} : memref<64xi32, #tpu.memory_space<vmem>>, vector<16xi32>,
    %get3A_554 = arith.constant 208 : index
    %get3A_555 = tpu.vector_load %arg7[%get3A_554] {strides = array<i32>} : memref<10240xi32, #tpu.memory_space<vmem>>, vector<16xi32>,
    %get3A_556 = vector.shape_cast %get3A_555 : vector<16xi32> to vector<16xi32>
    %swap3A_557 = arith.constant 16 : index
    %swap3A_558 = tpu.vector_load %arg9[%swap3A_557] {strides = array<i32>} : memref<64xi32, #tpu.memory_space<vmem>>, vector<16xi32>,
    %swap3A_559 = vector.shape_cast %swap3A_558 : vector<16xi32> to vector<16xi32>
    %swap3A_560 = vector.shape_cast %get3A_556 : vector<16xi32> to vector<16xi32>
    tpu.vector_store %arg9[%swap3A_557], %swap3A_560 {strides = array<i32>} : memref<64xi32, #tpu.memory_space<vmem>>, vector<16xi32>,
    %get3A_561 = arith.constant 224 : index
    %get3A_562 = tpu.vector_load %arg6[%get3A_561] {strides = array<i32>} : memref<10240xi32, #tpu.memory_space<vmem>>, vector<16xi32>,
    %get3A_563 = vector.shape_cast %get3A_562 : vector<16xi32> to vector<16xi32>
    %sub3A_564 = vector.broadcast %min3A_316 : i32 to vector<16xi32>
    %sub3A_565 = arith.subi %get3A_563, %sub3A_564 : vector<16xi32>
    %swap3A_566 = arith.constant 32 : index
    %swap3A_567 = tpu.vector_load %arg8[%swap3A_566] {strides = array<i32>} : memref<64xi32, #tpu.memory_space<vmem>>, vector<16xi32>,
    %swap3A_568 = vector.shape_cast %swap3A_567 : vector<16xi32> to vector<16xi32>
    %swap3A_569 = vector.shape_cast %sub3A_565 : vector<16xi32> to vector<16xi32>
    tpu.vector_store %arg8[%swap3A_566], %swap3A_569 {strides = array<i32>} : memref<64xi32, #tpu.memory_space<vmem>>, vector<16xi32>,
    %get3A_570 = arith.constant 224 : index
    %get3A_571 = tpu.vector_load %arg7[%get3A_570] {strides = array<i32>} : memref<10240xi32, #tpu.memory_space<vmem>>, vector<16xi32>,
    %get3A_572 = vector.shape_cast %get3A_571 : vector<16xi32> to vector<16xi32>
    %swap3A_573 = arith.constant 32 : index
    %swap3A_574 = tpu.vector_load %arg9[%swap3A_573] {strides = array<i32>} : memref<64xi32, #tpu.memory_space<vmem>>, vector<16xi32>,
    %swap3A_575 = vector.shape_cast %swap3A_574 : vector<16xi32> to vector<16xi32>
    %swap3A_576 = vector.shape_cast %get3A_572 : vector<16xi32> to vector<16xi32>
    tpu.vector_store %arg9[%swap3A_573], %swap3A_576 {strides = array<i32>} : memref<64xi32, #tpu.memory_space<vmem>>, vector<16xi32>,
    %get3A_577 = arith.constant 240 : index
    %get3A_578 = tpu.vector_load %arg6[%get3A_577] {strides = array<i32>} : memref<10240xi32, #tpu.memory_space<vmem>>, vector<16xi32>,
    %get3A_579 = vector.shape_cast %get3A_578 : vector<16xi32> to vector<16xi32>
    %sub3A_580 = vector.broadcast %min3A_316 : i32 to vector<16xi32>
    %sub3A_581 = arith.subi %get3A_579, %sub3A_580 : vector<16xi32>
    %swap3A_582 = arith.constant 48 : index
    %swap3A_583 = tpu.vector_load %arg8[%swap3A_582] {strides = array<i32>} : memref<64xi32, #tpu.memory_space<vmem>>, vector<16xi32>,
    %swap3A_584 = vector.shape_cast %swap3A_583 : vector<16xi32> to vector<16xi32>
    %swap3A_585 = vector.shape_cast %sub3A_581 : vector<16xi32> to vector<16xi32>
    tpu.vector_store %arg8[%swap3A_582], %swap3A_585 {strides = array<i32>} : memref<64xi32, #tpu.memory_space<vmem>>, vector<16xi32>,
    %get3A_586 = arith.constant 240 : index
    %get3A_587 = tpu.vector_load %arg7[%get3A_586] {strides = array<i32>} : memref<10240xi32, #tpu.memory_space<vmem>>, vector<16xi32>,
    %get3A_588 = vector.shape_cast %get3A_587 : vector<16xi32> to vector<16xi32>
    %swap3A_589 = arith.constant 48 : index
    %swap3A_590 = tpu.vector_load %arg9[%swap3A_589] {strides = array<i32>} : memref<64xi32, #tpu.memory_space<vmem>>, vector<16xi32>,
    %swap3A_591 = vector.shape_cast %swap3A_590 : vector<16xi32> to vector<16xi32>
    %swap3A_592 = vector.shape_cast %get3A_588 : vector<16xi32> to vector<16xi32>
    tpu.vector_store %arg9[%swap3A_589], %swap3A_592 {strides = array<i32>} : memref<64xi32, #tpu.memory_space<vmem>>, vector<16xi32>,
    %dma_start3A_593 = arith.constant 0 : i32
    %dma_start3A_594 = arith.constant 0 : i32
    %dma_start3A_595 = tpu.memref_slice %arg4[%dma_start3A_593, %dma_start3A_594] : memref<10240x128xf32, #tpu.memory_space<hbm>> -> memref<10240x128xf32, #tpu.memory_space<hbm>>
    tpu.enqueue_indirect_dma source(%dma_start3A_595 : memref<10240x128xf32, #tpu.memory_space<hbm>>) target(%arg14 : memref<64x128xf32, #tpu.memory_space<vmem>>) offsets(%arg9 : memref<64xi32, #tpu.memory_space<vmem>>) semaphore(%arg21 : memref<!tpu.dma_semaphore, #tpu.memory_space<semaphore_mem>>)
    %dma_wait3A_596 = arith.constant 0 : i32
    %dma_wait3A_597 = arith.constant 0 : i32
    %dma_wait3A_598 = tpu.memref_slice %arg4[%dma_wait3A_596, %dma_wait3A_597] : memref<10240x128xf32, #tpu.memory_space<hbm>> -> memref<10240x128xf32, #tpu.memory_space<hbm>>
    tpu.wait_indirect_dma semaphore(%arg22 : memref<!tpu.dma_semaphore, #tpu.memory_space<semaphore_mem>>) src(%dma_wait3A_598 : memref<10240x128xf32, #tpu.memory_space<hbm>>) dst(%arg15 : memref<64x128xf32, #tpu.memory_space<vmem>>)
    %dma_start3A_599 = arith.constant 0 : i32
    %dma_start3A_600 = arith.constant 0 : i32
    %dma_start3A_601 = tpu.memref_slice %arg20[%dma_start3A_599, %dma_start3A_600] : memref<10240x128xf32, #tpu.memory_space<vmem_shared>> -> memref<10240x128xf32, #tpu.memory_space<vmem_shared>>
    tpu.enqueue_indirect_dma source(%arg15 : memref<64x128xf32, #tpu.memory_space<vmem>>) target(%dma_start3A_601 : memref<10240x128xf32, #tpu.memory_space<vmem_shared>>) offsets(%arg10 : memref<64xi32, #tpu.memory_space<vmem>>) semaphore(%arg25 : memref<!tpu.dma_semaphore, #tpu.memory_space<semaphore_mem>>) {add = true}
    %scan3A_602 = arith.constant 0 : i32
    %scan3A_603 = arith.constant 0 : i32
    %scan3A_604 = arith.constant 52 : i32
    %scan3A_605 = arith.addi %scan3A_603, %scan3A_604 : i32
    %scan3A_606 = arith.constant 1 : i32
    %scan3A_607 = scf.for %scan3A_911 = %scan3A_603 to %scan3A_605 step %scan3A_606 iter_args(%scan3A_912 = %scan3A_602) -> (i32)  : i32 {
      %mul3A_913 = arith.constant 3 : i32
      %mul3A_914 = arith.muli %mul3A_913, %scan3A_911 : i32
      %add3A_915 = arith.constant 4 : i32
      %add3A_916 = arith.addi %mul3A_914, %add3A_915 : i32
      %add3A_917 = arith.constant 0 : i32
      %add3A_918 = arith.addi %add3A_916, %add3A_917 : i32
      %dma_wait3A_919 = arith.constant 0 : i32
      %dma_wait3A_920 = arith.constant 0 : i32
      %dma_wait3A_921 = tpu.memref_slice %arg20[%dma_wait3A_919, %dma_wait3A_920] : memref<10240x128xf32, #tpu.memory_space<vmem_shared>> -> memref<10240x128xf32, #tpu.memory_space<vmem_shared>>
      tpu.wait_indirect_dma semaphore(%arg25 : memref<!tpu.dma_semaphore, #tpu.memory_space<semaphore_mem>>) src(%arg15 : memref<64x128xf32, #tpu.memory_space<vmem>>) dst(%dma_wait3A_921 : memref<10240x128xf32, #tpu.memory_space<vmem_shared>>)
      %mul3A_922 = arith.constant 64 : i32
      %mul3A_923 = arith.muli %add3A_918, %mul3A_922 : i32
      %add3A_924 = arith.constant 0 : i32
      %add3A_925 = arith.addi %mul3A_923, %add3A_924 : i32
      %get3A_926 = arith.index_cast %add3A_925 : i32 to index
      %get3A_927 = tpu.vector_load %arg6[%get3A_926] {strides = array<i32>} : memref<10240xi32, #tpu.memory_space<vmem>>, vector<16xi32>,
      %get3A_928 = vector.shape_cast %get3A_927 : vector<16xi32> to vector<16xi32>
      %sub3A_929 = vector.broadcast %min3A_316 : i32 to vector<16xi32>
      %sub3A_930 = arith.subi %get3A_928, %sub3A_929 : vector<16xi32>
      %swap3A_931 = arith.constant 0 : index
      %swap3A_932 = tpu.vector_load %arg10[%swap3A_931] {strides = array<i32>} : memref<64xi32, #tpu.memory_space<vmem>>, vector<16xi32>,
      %swap3A_933 = vector.shape_cast %swap3A_932 : vector<16xi32> to vector<16xi32>
      %swap3A_934 = vector.shape_cast %sub3A_930 : vector<16xi32> to vector<16xi32>
      tpu.vector_store %arg10[%swap3A_931], %swap3A_934 {strides = array<i32>} : memref<64xi32, #tpu.memory_space<vmem>>, vector<16xi32>,
      %add3A_935 = arith.constant 0 : i32
      %add3A_936 = arith.addi %mul3A_923, %add3A_935 : i32
      %get3A_937 = arith.index_cast %add3A_936 : i32 to index
      %get3A_938 = tpu.vector_load %arg7[%get3A_937] {strides = array<i32>} : memref<10240xi32, #tpu.memory_space<vmem>>, vector<16xi32>,
      %get3A_939 = vector.shape_cast %get3A_938 : vector<16xi32> to vector<16xi32>
      %swap3A_940 = arith.constant 0 : index
      %swap3A_941 = tpu.vector_load %arg11[%swap3A_940] {strides = array<i32>} : memref<64xi32, #tpu.memory_space<vmem>>, vector<16xi32>,
      %swap3A_942 = vector.shape_cast %swap3A_941 : vector<16xi32> to vector<16xi32>
      %swap3A_943 = vector.shape_cast %get3A_939 : vector<16xi32> to vector<16xi32>
      tpu.vector_store %arg11[%swap3A_940], %swap3A_943 {strides = array<i32>} : memref<64xi32, #tpu.memory_space<vmem>>, vector<16xi32>,
      %add3A_944 = arith.constant 16 : i32
      %add3A_945 = arith.addi %mul3A_923, %add3A_944 : i32
      %get3A_946 = arith.index_cast %add3A_945 : i32 to index
      %get3A_947 = tpu.vector_load %arg6[%get3A_946] {strides = array<i32>} : memref<10240xi32, #tpu.memory_space<vmem>>, vector<16xi32>,
      %get3A_948 = vector.shape_cast %get3A_947 : vector<16xi32> to vector<16xi32>
      %sub3A_949 = vector.broadcast %min3A_316 : i32 to vector<16xi32>
      %sub3A_950 = arith.subi %get3A_948, %sub3A_949 : vector<16xi32>
      %swap3A_951 = arith.constant 16 : index
      %swap3A_952 = tpu.vector_load %arg10[%swap3A_951] {strides = array<i32>} : memref<64xi32, #tpu.memory_space<vmem>>, vector<16xi32>,
      %swap3A_953 = vector.shape_cast %swap3A_952 : vector<16xi32> to vector<16xi32>
      %swap3A_954 = vector.shape_cast %sub3A_950 : vector<16xi32> to vector<16xi32>
      tpu.vector_store %arg10[%swap3A_951], %swap3A_954 {strides = array<i32>} : memref<64xi32, #tpu.memory_space<vmem>>, vector<16xi32>,
      %add3A_955 = arith.constant 16 : i32
      %add3A_956 = arith.addi %mul3A_923, %add3A_955 : i32
      %get3A_957 = arith.index_cast %add3A_956 : i32 to index
      %get3A_958 = tpu.vector_load %arg7[%get3A_957] {strides = array<i32>} : memref<10240xi32, #tpu.memory_space<vmem>>, vector<16xi32>,
      %get3A_959 = vector.shape_cast %get3A_958 : vector<16xi32> to vector<16xi32>
      %swap3A_960 = arith.constant 16 : index
      %swap3A_961 = tpu.vector_load %arg11[%swap3A_960] {strides = array<i32>} : memref<64xi32, #tpu.memory_space<vmem>>, vector<16xi32>,
      %swap3A_962 = vector.shape_cast %swap3A_961 : vector<16xi32> to vector<16xi32>
      %swap3A_963 = vector.shape_cast %get3A_959 : vector<16xi32> to vector<16xi32>
      tpu.vector_store %arg11[%swap3A_960], %swap3A_963 {strides = array<i32>} : memref<64xi32, #tpu.memory_space<vmem>>, vector<16xi32>,
      %add3A_964 = arith.constant 32 : i32
      %add3A_965 = arith.addi %mul3A_923, %add3A_964 : i32
      %get3A_966 = arith.index_cast %add3A_965 : i32 to index
      %get3A_967 = tpu.vector_load %arg6[%get3A_966] {strides = array<i32>} : memref<10240xi32, #tpu.memory_space<vmem>>, vector<16xi32>,
      %get3A_968 = vector.shape_cast %get3A_967 : vector<16xi32> to vector<16xi32>
      %sub3A_969 = vector.broadcast %min3A_316 : i32 to vector<16xi32>
      %sub3A_970 = arith.subi %get3A_968, %sub3A_969 : vector<16xi32>
      %swap3A_971 = arith.constant 32 : index
      %swap3A_972 = tpu.vector_load %arg10[%swap3A_971] {strides = array<i32>} : memref<64xi32, #tpu.memory_space<vmem>>, vector<16xi32>,
      %swap3A_973 = vector.shape_cast %swap3A_972 : vector<16xi32> to vector<16xi32>
      %swap3A_974 = vector.shape_cast %sub3A_970 : vector<16xi32> to vector<16xi32>
      tpu.vector_store %arg10[%swap3A_971], %swap3A_974 {strides = array<i32>} : memref<64xi32, #tpu.memory_space<vmem>>, vector<16xi32>,
      %add3A_975 = arith.constant 32 : i32
      %add3A_976 = arith.addi %mul3A_923, %add3A_975 : i32
      %get3A_977 = arith.index_cast %add3A_976 : i32 to index
      %get3A_978 = tpu.vector_load %arg7[%get3A_977] {strides = array<i32>} : memref<10240xi32, #tpu.memory_space<vmem>>, vector<16xi32>,
      %get3A_979 = vector.shape_cast %get3A_978 : vector<16xi32> to vector<16xi32>
      %swap3A_980 = arith.constant 32 : index
      %swap3A_981 = tpu.vector_load %arg11[%swap3A_980] {strides = array<i32>} : memref<64xi32, #tpu.memory_space<vmem>>, vector<16xi32>,
      %swap3A_982 = vector.shape_cast %swap3A_981 : vector<16xi32> to vector<16xi32>
      %swap3A_983 = vector.shape_cast %get3A_979 : vector<16xi32> to vector<16xi32>
      tpu.vector_store %arg11[%swap3A_980], %swap3A_983 {strides = array<i32>} : memref<64xi32, #tpu.memory_space<vmem>>, vector<16xi32>,
      %add3A_984 = arith.constant 48 : i32
      %add3A_985 = arith.addi %mul3A_923, %add3A_984 : i32
      %get3A_986 = arith.index_cast %add3A_985 : i32 to index
      %get3A_987 = tpu.vector_load %arg6[%get3A_986] {strides = array<i32>} : memref<10240xi32, #tpu.memory_space<vmem>>, vector<16xi32>,
      %get3A_988 = vector.shape_cast %get3A_987 : vector<16xi32> to vector<16xi32>
      %sub3A_989 = vector.broadcast %min3A_316 : i32 to vector<16xi32>
      %sub3A_990 = arith.subi %get3A_988, %sub3A_989 : vector<16xi32>
      %swap3A_991 = arith.constant 48 : index
      %swap3A_992 = tpu.vector_load %arg10[%swap3A_991] {strides = array<i32>} : memref<64xi32, #tpu.memory_space<vmem>>, vector<16xi32>,
      %swap3A_993 = vector.shape_cast %swap3A_992 : vector<16xi32> to vector<16xi32>
      %swap3A_994 = vector.shape_cast %sub3A_990 : vector<16xi32> to vector<16xi32>
      tpu.vector_store %arg10[%swap3A_991], %swap3A_994 {strides = array<i32>} : memref<64xi32, #tpu.memory_space<vmem>>, vector<16xi32>,
      %add3A_995 = arith.constant 48 : i32
      %add3A_996 = arith.addi %mul3A_923, %add3A_995 : i32
      %get3A_997 = arith.index_cast %add3A_996 : i32 to index
      %get3A_998 = tpu.vector_load %arg7[%get3A_997] {strides = array<i32>} : memref<10240xi32, #tpu.memory_space<vmem>>, vector<16xi32>,
      %get3A_999 = vector.shape_cast %get3A_998 : vector<16xi32> to vector<16xi32>
      %swap3A_1000 = arith.constant 48 : index
      %swap3A_1001 = tpu.vector_load %arg11[%swap3A_1000] {strides = array<i32>} : memref<64xi32, #tpu.memory_space<vmem>>, vector<16xi32>,
      %swap3A_1002 = vector.shape_cast %swap3A_1001 : vector<16xi32> to vector<16xi32>
      %swap3A_1003 = vector.shape_cast %get3A_999 : vector<16xi32> to vector<16xi32>
      tpu.vector_store %arg11[%swap3A_1000], %swap3A_1003 {strides = array<i32>} : memref<64xi32, #tpu.memory_space<vmem>>, vector<16xi32>,
      %dma_start3A_1004 = arith.constant 0 : i32
      %dma_start3A_1005 = arith.constant 0 : i32
      %dma_start3A_1006 = tpu.memref_slice %arg4[%dma_start3A_1004, %dma_start3A_1005] : memref<10240x128xf32, #tpu.memory_space<hbm>> -> memref<10240x128xf32, #tpu.memory_space<hbm>>
      tpu.enqueue_indirect_dma source(%dma_start3A_1006 : memref<10240x128xf32, #tpu.memory_space<hbm>>) target(%arg15 : memref<64x128xf32, #tpu.memory_space<vmem>>) offsets(%arg11 : memref<64xi32, #tpu.memory_space<vmem>>) semaphore(%arg22 : memref<!tpu.dma_semaphore, #tpu.memory_space<semaphore_mem>>)
      %dma_wait3A_1007 = arith.constant 0 : i32
      %dma_wait3A_1008 = arith.constant 0 : i32
      %dma_wait3A_1009 = tpu.memref_slice %arg4[%dma_wait3A_1007, %dma_wait3A_1008] : memref<10240x128xf32, #tpu.memory_space<hbm>> -> memref<10240x128xf32, #tpu.memory_space<hbm>>
      tpu.wait_indirect_dma semaphore(%arg23 : memref<!tpu.dma_semaphore, #tpu.memory_space<semaphore_mem>>) src(%dma_wait3A_1009 : memref<10240x128xf32, #tpu.memory_space<hbm>>) dst(%arg16 : memref<64x128xf32, #tpu.memory_space<vmem>>)
      %dma_start3A_1010 = arith.constant 0 : i32
      %dma_start3A_1011 = arith.constant 0 : i32
      %dma_start3A_1012 = tpu.memref_slice %arg20[%dma_start3A_1010, %dma_start3A_1011] : memref<10240x128xf32, #tpu.memory_space<vmem_shared>> -> memref<10240x128xf32, #tpu.memory_space<vmem_shared>>
      tpu.enqueue_indirect_dma source(%arg16 : memref<64x128xf32, #tpu.memory_space<vmem>>) target(%dma_start3A_1012 : memref<10240x128xf32, #tpu.memory_space<vmem_shared>>) offsets(%arg12 : memref<64xi32, #tpu.memory_space<vmem>>) semaphore(%arg26 : memref<!tpu.dma_semaphore, #tpu.memory_space<semaphore_mem>>) {add = true}
      %mul3A_1013 = arith.constant 3 : i32
      %mul3A_1014 = arith.muli %mul3A_1013, %scan3A_911 : i32
      %add3A_1015 = arith.constant 4 : i32
      %add3A_1016 = arith.addi %mul3A_1014, %add3A_1015 : i32
      %add3A_1017 = arith.constant 1 : i32
      %add3A_1018 = arith.addi %add3A_1016, %add3A_1017 : i32
      %dma_wait3A_1019 = arith.constant 0 : i32
      %dma_wait3A_1020 = arith.constant 0 : i32
      %dma_wait3A_1021 = tpu.memref_slice %arg20[%dma_wait3A_1019, %dma_wait3A_1020] : memref<10240x128xf32, #tpu.memory_space<vmem_shared>> -> memref<10240x128xf32, #tpu.memory_space<vmem_shared>>
      tpu.wait_indirect_dma semaphore(%arg26 : memref<!tpu.dma_semaphore, #tpu.memory_space<semaphore_mem>>) src(%arg16 : memref<64x128xf32, #tpu.memory_space<vmem>>) dst(%dma_wait3A_1021 : memref<10240x128xf32, #tpu.memory_space<vmem_shared>>)
      %mul3A_1022 = arith.constant 64 : i32
      %mul3A_1023 = arith.muli %add3A_1018, %mul3A_1022 : i32
      %add3A_1024 = arith.constant 0 : i32
      %add3A_1025 = arith.addi %mul3A_1023, %add3A_1024 : i32
      %get3A_1026 = arith.index_cast %add3A_1025 : i32 to index
      %get3A_1027 = tpu.vector_load %arg6[%get3A_1026] {strides = array<i32>} : memref<10240xi32, #tpu.memory_space<vmem>>, vector<16xi32>,
      %get3A_1028 = vector.shape_cast %get3A_1027 : vector<16xi32> to vector<16xi32>
      %sub3A_1029 = vector.broadcast %min3A_316 : i32 to vector<16xi32>
      %sub3A_1030 = arith.subi %get3A_1028, %sub3A_1029 : vector<16xi32>
      %swap3A_1031 = arith.constant 0 : index
      %swap3A_1032 = tpu.vector_load %arg12[%swap3A_1031] {strides = array<i32>} : memref<64xi32, #tpu.memory_space<vmem>>, vector<16xi32>,
      %swap3A_1033 = vector.shape_cast %swap3A_1032 : vector<16xi32> to vector<16xi32>
      %swap3A_1034 = vector.shape_cast %sub3A_1030 : vector<16xi32> to vector<16xi32>
      tpu.vector_store %arg12[%swap3A_1031], %swap3A_1034 {strides = array<i32>} : memref<64xi32, #tpu.memory_space<vmem>>, vector<16xi32>,
      %add3A_1035 = arith.constant 0 : i32
      %add3A_1036 = arith.addi %mul3A_1023, %add3A_1035 : i32
      %get3A_1037 = arith.index_cast %add3A_1036 : i32 to index
      %get3A_1038 = tpu.vector_load %arg7[%get3A_1037] {strides = array<i32>} : memref<10240xi32, #tpu.memory_space<vmem>>, vector<16xi32>,
      %get3A_1039 = vector.shape_cast %get3A_1038 : vector<16xi32> to vector<16xi32>
      %swap3A_1040 = arith.constant 0 : index
      %swap3A_1041 = tpu.vector_load %arg13[%swap3A_1040] {strides = array<i32>} : memref<64xi32, #tpu.memory_space<vmem>>, vector<16xi32>,
      %swap3A_1042 = vector.shape_cast %swap3A_1041 : vector<16xi32> to vector<16xi32>
      %swap3A_1043 = vector.shape_cast %get3A_1039 : vector<16xi32> to vector<16xi32>
      tpu.vector_store %arg13[%swap3A_1040], %swap3A_1043 {strides = array<i32>} : memref<64xi32, #tpu.memory_space<vmem>>, vector<16xi32>,
      %add3A_1044 = arith.constant 16 : i32
      %add3A_1045 = arith.addi %mul3A_1023, %add3A_1044 : i32
      %get3A_1046 = arith.index_cast %add3A_1045 : i32 to index
      %get3A_1047 = tpu.vector_load %arg6[%get3A_1046] {strides = array<i32>} : memref<10240xi32, #tpu.memory_space<vmem>>, vector<16xi32>,
      %get3A_1048 = vector.shape_cast %get3A_1047 : vector<16xi32> to vector<16xi32>
      %sub3A_1049 = vector.broadcast %min3A_316 : i32 to vector<16xi32>
      %sub3A_1050 = arith.subi %get3A_1048, %sub3A_1049 : vector<16xi32>
      %swap3A_1051 = arith.constant 16 : index
      %swap3A_1052 = tpu.vector_load %arg12[%swap3A_1051] {strides = array<i32>} : memref<64xi32, #tpu.memory_space<vmem>>, vector<16xi32>,
      %swap3A_1053 = vector.shape_cast %swap3A_1052 : vector<16xi32> to vector<16xi32>
      %swap3A_1054 = vector.shape_cast %sub3A_1050 : vector<16xi32> to vector<16xi32>
      tpu.vector_store %arg12[%swap3A_1051], %swap3A_1054 {strides = array<i32>} : memref<64xi32, #tpu.memory_space<vmem>>, vector<16xi32>,
      %add3A_1055 = arith.constant 16 : i32
      %add3A_1056 = arith.addi %mul3A_1023, %add3A_1055 : i32
      %get3A_1057 = arith.index_cast %add3A_1056 : i32 to index
      %get3A_1058 = tpu.vector_load %arg7[%get3A_1057] {strides = array<i32>} : memref<10240xi32, #tpu.memory_space<vmem>>, vector<16xi32>,
      %get3A_1059 = vector.shape_cast %get3A_1058 : vector<16xi32> to vector<16xi32>
      %swap3A_1060 = arith.constant 16 : index
      %swap3A_1061 = tpu.vector_load %arg13[%swap3A_1060] {strides = array<i32>} : memref<64xi32, #tpu.memory_space<vmem>>, vector<16xi32>,
      %swap3A_1062 = vector.shape_cast %swap3A_1061 : vector<16xi32> to vector<16xi32>
      %swap3A_1063 = vector.shape_cast %get3A_1059 : vector<16xi32> to vector<16xi32>
      tpu.vector_store %arg13[%swap3A_1060], %swap3A_1063 {strides = array<i32>} : memref<64xi32, #tpu.memory_space<vmem>>, vector<16xi32>,
      %add3A_1064 = arith.constant 32 : i32
      %add3A_1065 = arith.addi %mul3A_1023, %add3A_1064 : i32
      %get3A_1066 = arith.index_cast %add3A_1065 : i32 to index
      %get3A_1067 = tpu.vector_load %arg6[%get3A_1066] {strides = array<i32>} : memref<10240xi32, #tpu.memory_space<vmem>>, vector<16xi32>,
      %get3A_1068 = vector.shape_cast %get3A_1067 : vector<16xi32> to vector<16xi32>
      %sub3A_1069 = vector.broadcast %min3A_316 : i32 to vector<16xi32>
      %sub3A_1070 = arith.subi %get3A_1068, %sub3A_1069 : vector<16xi32>
      %swap3A_1071 = arith.constant 32 : index
      %swap3A_1072 = tpu.vector_load %arg12[%swap3A_1071] {strides = array<i32>} : memref<64xi32, #tpu.memory_space<vmem>>, vector<16xi32>,
      %swap3A_1073 = vector.shape_cast %swap3A_1072 : vector<16xi32> to vector<16xi32>
      %swap3A_1074 = vector.shape_cast %sub3A_1070 : vector<16xi32> to vector<16xi32>
      tpu.vector_store %arg12[%swap3A_1071], %swap3A_1074 {strides = array<i32>} : memref<64xi32, #tpu.memory_space<vmem>>, vector<16xi32>,
      %add3A_1075 = arith.constant 32 : i32
      %add3A_1076 = arith.addi %mul3A_1023, %add3A_1075 : i32
      %get3A_1077 = arith.index_cast %add3A_1076 : i32 to index
      %get3A_1078 = tpu.vector_load %arg7[%get3A_1077] {strides = array<i32>} : memref<10240xi32, #tpu.memory_space<vmem>>, vector<16xi32>,
      %get3A_1079 = vector.shape_cast %get3A_1078 : vector<16xi32> to vector<16xi32>
      %swap3A_1080 = arith.constant 32 : index
      %swap3A_1081 = tpu.vector_load %arg13[%swap3A_1080] {strides = array<i32>} : memref<64xi32, #tpu.memory_space<vmem>>, vector<16xi32>,
      %swap3A_1082 = vector.shape_cast %swap3A_1081 : vector<16xi32> to vector<16xi32>
      %swap3A_1083 = vector.shape_cast %get3A_1079 : vector<16xi32> to vector<16xi32>
      tpu.vector_store %arg13[%swap3A_1080], %swap3A_1083 {strides = array<i32>} : memref<64xi32, #tpu.memory_space<vmem>>, vector<16xi32>,
      %add3A_1084 = arith.constant 48 : i32
      %add3A_1085 = arith.addi %mul3A_1023, %add3A_1084 : i32
      %get3A_1086 = arith.index_cast %add3A_1085 : i32 to index
      %get3A_1087 = tpu.vector_load %arg6[%get3A_1086] {strides = array<i32>} : memref<10240xi32, #tpu.memory_space<vmem>>, vector<16xi32>,
      %get3A_1088 = vector.shape_cast %get3A_1087 : vector<16xi32> to vector<16xi32>
      %sub3A_1089 = vector.broadcast %min3A_316 : i32 to vector<16xi32>
      %sub3A_1090 = arith.subi %get3A_1088, %sub3A_1089 : vector<16xi32>
      %swap3A_1091 = arith.constant 48 : index
      %swap3A_1092 = tpu.vector_load %arg12[%swap3A_1091] {strides = array<i32>} : memref<64xi32, #tpu.memory_space<vmem>>, vector<16xi32>,
      %swap3A_1093 = vector.shape_cast %swap3A_1092 : vector<16xi32> to vector<16xi32>
      %swap3A_1094 = vector.shape_cast %sub3A_1090 : vector<16xi32> to vector<16xi32>
      tpu.vector_store %arg12[%swap3A_1091], %swap3A_1094 {strides = array<i32>} : memref<64xi32, #tpu.memory_space<vmem>>, vector<16xi32>,
      %add3A_1095 = arith.constant 48 : i32
      %add3A_1096 = arith.addi %mul3A_1023, %add3A_1095 : i32
      %get3A_1097 = arith.index_cast %add3A_1096 : i32 to index
      %get3A_1098 = tpu.vector_load %arg7[%get3A_1097] {strides = array<i32>} : memref<10240xi32, #tpu.memory_space<vmem>>, vector<16xi32>,
      %get3A_1099 = vector.shape_cast %get3A_1098 : vector<16xi32> to vector<16xi32>
      %swap3A_1100 = arith.constant 48 : index
      %swap3A_1101 = tpu.vector_load %arg13[%swap3A_1100] {strides = array<i32>} : memref<64xi32, #tpu.memory_space<vmem>>, vector<16xi32>,
      %swap3A_1102 = vector.shape_cast %swap3A_1101 : vector<16xi32> to vector<16xi32>
      %swap3A_1103 = vector.shape_cast %get3A_1099 : vector<16xi32> to vector<16xi32>
      tpu.vector_store %arg13[%swap3A_1100], %swap3A_1103 {strides = array<i32>} : memref<64xi32, #tpu.memory_space<vmem>>, vector<16xi32>,
      %dma_start3A_1104 = arith.constant 0 : i32
      %dma_start3A_1105 = arith.constant 0 : i32
      %dma_start3A_1106 = tpu.memref_slice %arg4[%dma_start3A_1104, %dma_start3A_1105] : memref<10240x128xf32, #tpu.memory_space<hbm>> -> memref<10240x128xf32, #tpu.memory_space<hbm>>
      tpu.enqueue_indirect_dma source(%dma_start3A_1106 : memref<10240x128xf32, #tpu.memory_space<hbm>>) target(%arg16 : memref<64x128xf32, #tpu.memory_space<vmem>>) offsets(%arg13 : memref<64xi32, #tpu.memory_space<vmem>>) semaphore(%arg23 : memref<!tpu.dma_semaphore, #tpu.memory_space<semaphore_mem>>)
      %dma_wait3A_1107 = arith.constant 0 : i32
      %dma_wait3A_1108 = arith.constant 0 : i32
      %dma_wait3A_1109 = tpu.memref_slice %arg4[%dma_wait3A_1107, %dma_wait3A_1108] : memref<10240x128xf32, #tpu.memory_space<hbm>> -> memref<10240x128xf32, #tpu.memory_space<hbm>>
      tpu.wait_indirect_dma semaphore(%arg21 : memref<!tpu.dma_semaphore, #tpu.memory_space<semaphore_mem>>) src(%dma_wait3A_1109 : memref<10240x128xf32, #tpu.memory_space<hbm>>) dst(%arg14 : memref<64x128xf32, #tpu.memory_space<vmem>>)
      %dma_start3A_1110 = arith.constant 0 : i32
      %dma_start3A_1111 = arith.constant 0 : i32
      %dma_start3A_1112 = tpu.memref_slice %arg20[%dma_start3A_1110, %dma_start3A_1111] : memref<10240x128xf32, #tpu.memory_space<vmem_shared>> -> memref<10240x128xf32, #tpu.memory_space<vmem_shared>>
      tpu.enqueue_indirect_dma source(%arg14 : memref<64x128xf32, #tpu.memory_space<vmem>>) target(%dma_start3A_1112 : memref<10240x128xf32, #tpu.memory_space<vmem_shared>>) offsets(%arg8 : memref<64xi32, #tpu.memory_space<vmem>>) semaphore(%arg24 : memref<!tpu.dma_semaphore, #tpu.memory_space<semaphore_mem>>) {add = true}
      %mul3A_1113 = arith.constant 3 : i32
      %mul3A_1114 = arith.muli %mul3A_1113, %scan3A_911 : i32
      %add3A_1115 = arith.constant 4 : i32
      %add3A_1116 = arith.addi %mul3A_1114, %add3A_1115 : i32
      %add3A_1117 = arith.constant 2 : i32
      %add3A_1118 = arith.addi %add3A_1116, %add3A_1117 : i32
      %dma_wait3A_1119 = arith.constant 0 : i32
      %dma_wait3A_1120 = arith.constant 0 : i32
      %dma_wait3A_1121 = tpu.memref_slice %arg20[%dma_wait3A_1119, %dma_wait3A_1120] : memref<10240x128xf32, #tpu.memory_space<vmem_shared>> -> memref<10240x128xf32, #tpu.memory_space<vmem_shared>>
      tpu.wait_indirect_dma semaphore(%arg24 : memref<!tpu.dma_semaphore, #tpu.memory_space<semaphore_mem>>) src(%arg14 : memref<64x128xf32, #tpu.memory_space<vmem>>) dst(%dma_wait3A_1121 : memref<10240x128xf32, #tpu.memory_space<vmem_shared>>)
      %mul3A_1122 = arith.constant 64 : i32
      %mul3A_1123 = arith.muli %add3A_1118, %mul3A_1122 : i32
      %add3A_1124 = arith.constant 0 : i32
      %add3A_1125 = arith.addi %mul3A_1123, %add3A_1124 : i32
      %get3A_1126 = arith.index_cast %add3A_1125 : i32 to index
      %get3A_1127 = tpu.vector_load %arg6[%get3A_1126] {strides = array<i32>} : memref<10240xi32, #tpu.memory_space<vmem>>, vector<16xi32>,
      %get3A_1128 = vector.shape_cast %get3A_1127 : vector<16xi32> to vector<16xi32>
      %sub3A_1129 = vector.broadcast %min3A_316 : i32 to vector<16xi32>
      %sub3A_1130 = arith.subi %get3A_1128, %sub3A_1129 : vector<16xi32>
      %swap3A_1131 = arith.constant 0 : index
      %swap3A_1132 = tpu.vector_load %arg8[%swap3A_1131] {strides = array<i32>} : memref<64xi32, #tpu.memory_space<vmem>>, vector<16xi32>,
      %swap3A_1133 = vector.shape_cast %swap3A_1132 : vector<16xi32> to vector<16xi32>
      %swap3A_1134 = vector.shape_cast %sub3A_1130 : vector<16xi32> to vector<16xi32>
      tpu.vector_store %arg8[%swap3A_1131], %swap3A_1134 {strides = array<i32>} : memref<64xi32, #tpu.memory_space<vmem>>, vector<16xi32>,
      %add3A_1135 = arith.constant 0 : i32
      %add3A_1136 = arith.addi %mul3A_1123, %add3A_1135 : i32
      %get3A_1137 = arith.index_cast %add3A_1136 : i32 to index
      %get3A_1138 = tpu.vector_load %arg7[%get3A_1137] {strides = array<i32>} : memref<10240xi32, #tpu.memory_space<vmem>>, vector<16xi32>,
      %get3A_1139 = vector.shape_cast %get3A_1138 : vector<16xi32> to vector<16xi32>
      %swap3A_1140 = arith.constant 0 : index
      %swap3A_1141 = tpu.vector_load %arg9[%swap3A_1140] {strides = array<i32>} : memref<64xi32, #tpu.memory_space<vmem>>, vector<16xi32>,
      %swap3A_1142 = vector.shape_cast %swap3A_1141 : vector<16xi32> to vector<16xi32>
      %swap3A_1143 = vector.shape_cast %get3A_1139 : vector<16xi32> to vector<16xi32>
      tpu.vector_store %arg9[%swap3A_1140], %swap3A_1143 {strides = array<i32>} : memref<64xi32, #tpu.memory_space<vmem>>, vector<16xi32>,
      %add3A_1144 = arith.constant 16 : i32
      %add3A_1145 = arith.addi %mul3A_1123, %add3A_1144 : i32
      %get3A_1146 = arith.index_cast %add3A_1145 : i32 to index
      %get3A_1147 = tpu.vector_load %arg6[%get3A_1146] {strides = array<i32>} : memref<10240xi32, #tpu.memory_space<vmem>>, vector<16xi32>,
      %get3A_1148 = vector.shape_cast %get3A_1147 : vector<16xi32> to vector<16xi32>
      %sub3A_1149 = vector.broadcast %min3A_316 : i32 to vector<16xi32>
      %sub3A_1150 = arith.subi %get3A_1148, %sub3A_1149 : vector<16xi32>
      %swap3A_1151 = arith.constant 16 : index
      %swap3A_1152 = tpu.vector_load %arg8[%swap3A_1151] {strides = array<i32>} : memref<64xi32, #tpu.memory_space<vmem>>, vector<16xi32>,
      %swap3A_1153 = vector.shape_cast %swap3A_1152 : vector<16xi32> to vector<16xi32>
      %swap3A_1154 = vector.shape_cast %sub3A_1150 : vector<16xi32> to vector<16xi32>
      tpu.vector_store %arg8[%swap3A_1151], %swap3A_1154 {strides = array<i32>} : memref<64xi32, #tpu.memory_space<vmem>>, vector<16xi32>,
      %add3A_1155 = arith.constant 16 : i32
      %add3A_1156 = arith.addi %mul3A_1123, %add3A_1155 : i32
      %get3A_1157 = arith.index_cast %add3A_1156 : i32 to index
      %get3A_1158 = tpu.vector_load %arg7[%get3A_1157] {strides = array<i32>} : memref<10240xi32, #tpu.memory_space<vmem>>, vector<16xi32>,
      %get3A_1159 = vector.shape_cast %get3A_1158 : vector<16xi32> to vector<16xi32>
      %swap3A_1160 = arith.constant 16 : index
      %swap3A_1161 = tpu.vector_load %arg9[%swap3A_1160] {strides = array<i32>} : memref<64xi32, #tpu.memory_space<vmem>>, vector<16xi32>,
      %swap3A_1162 = vector.shape_cast %swap3A_1161 : vector<16xi32> to vector<16xi32>
      %swap3A_1163 = vector.shape_cast %get3A_1159 : vector<16xi32> to vector<16xi32>
      tpu.vector_store %arg9[%swap3A_1160], %swap3A_1163 {strides = array<i32>} : memref<64xi32, #tpu.memory_space<vmem>>, vector<16xi32>,
      %add3A_1164 = arith.constant 32 : i32
      %add3A_1165 = arith.addi %mul3A_1123, %add3A_1164 : i32
      %get3A_1166 = arith.index_cast %add3A_1165 : i32 to index
      %get3A_1167 = tpu.vector_load %arg6[%get3A_1166] {strides = array<i32>} : memref<10240xi32, #tpu.memory_space<vmem>>, vector<16xi32>,
      %get3A_1168 = vector.shape_cast %get3A_1167 : vector<16xi32> to vector<16xi32>
      %sub3A_1169 = vector.broadcast %min3A_316 : i32 to vector<16xi32>
      %sub3A_1170 = arith.subi %get3A_1168, %sub3A_1169 : vector<16xi32>
      %swap3A_1171 = arith.constant 32 : index
      %swap3A_1172 = tpu.vector_load %arg8[%swap3A_1171] {strides = array<i32>} : memref<64xi32, #tpu.memory_space<vmem>>, vector<16xi32>,
      %swap3A_1173 = vector.shape_cast %swap3A_1172 : vector<16xi32> to vector<16xi32>
      %swap3A_1174 = vector.shape_cast %sub3A_1170 : vector<16xi32> to vector<16xi32>
      tpu.vector_store %arg8[%swap3A_1171], %swap3A_1174 {strides = array<i32>} : memref<64xi32, #tpu.memory_space<vmem>>, vector<16xi32>,
      %add3A_1175 = arith.constant 32 : i32
      %add3A_1176 = arith.addi %mul3A_1123, %add3A_1175 : i32
      %get3A_1177 = arith.index_cast %add3A_1176 : i32 to index
      %get3A_1178 = tpu.vector_load %arg7[%get3A_1177] {strides = array<i32>} : memref<10240xi32, #tpu.memory_space<vmem>>, vector<16xi32>,
      %get3A_1179 = vector.shape_cast %get3A_1178 : vector<16xi32> to vector<16xi32>
      %swap3A_1180 = arith.constant 32 : index
      %swap3A_1181 = tpu.vector_load %arg9[%swap3A_1180] {strides = array<i32>} : memref<64xi32, #tpu.memory_space<vmem>>, vector<16xi32>,
      %swap3A_1182 = vector.shape_cast %swap3A_1181 : vector<16xi32> to vector<16xi32>
      %swap3A_1183 = vector.shape_cast %get3A_1179 : vector<16xi32> to vector<16xi32>
      tpu.vector_store %arg9[%swap3A_1180], %swap3A_1183 {strides = array<i32>} : memref<64xi32, #tpu.memory_space<vmem>>, vector<16xi32>,
      %add3A_1184 = arith.constant 48 : i32
      %add3A_1185 = arith.addi %mul3A_1123, %add3A_1184 : i32
      %get3A_1186 = arith.index_cast %add3A_1185 : i32 to index
      %get3A_1187 = tpu.vector_load %arg6[%get3A_1186] {strides = array<i32>} : memref<10240xi32, #tpu.memory_space<vmem>>, vector<16xi32>,
      %get3A_1188 = vector.shape_cast %get3A_1187 : vector<16xi32> to vector<16xi32>
      %sub3A_1189 = vector.broadcast %min3A_316 : i32 to vector<16xi32>
      %sub3A_1190 = arith.subi %get3A_1188, %sub3A_1189 : vector<16xi32>
      %swap3A_1191 = arith.constant 48 : index
      %swap3A_1192 = tpu.vector_load %arg8[%swap3A_1191] {strides = array<i32>} : memref<64xi32, #tpu.memory_space<vmem>>, vector<16xi32>,
      %swap3A_1193 = vector.shape_cast %swap3A_1192 : vector<16xi32> to vector<16xi32>
      %swap3A_1194 = vector.shape_cast %sub3A_1190 : vector<16xi32> to vector<16xi32>
      tpu.vector_store %arg8[%swap3A_1191], %swap3A_1194 {strides = array<i32>} : memref<64xi32, #tpu.memory_space<vmem>>, vector<16xi32>,
      %add3A_1195 = arith.constant 48 : i32
      %add3A_1196 = arith.addi %mul3A_1123, %add3A_1195 : i32
      %get3A_1197 = arith.index_cast %add3A_1196 : i32 to index
      %get3A_1198 = tpu.vector_load %arg7[%get3A_1197] {strides = array<i32>} : memref<10240xi32, #tpu.memory_space<vmem>>, vector<16xi32>,
      %get3A_1199 = vector.shape_cast %get3A_1198 : vector<16xi32> to vector<16xi32>
      %swap3A_1200 = arith.constant 48 : index
      %swap3A_1201 = tpu.vector_load %arg9[%swap3A_1200] {strides = array<i32>} : memref<64xi32, #tpu.memory_space<vmem>>, vector<16xi32>,
      %swap3A_1202 = vector.shape_cast %swap3A_1201 : vector<16xi32> to vector<16xi32>
      %swap3A_1203 = vector.shape_cast %get3A_1199 : vector<16xi32> to vector<16xi32>
      tpu.vector_store %arg9[%swap3A_1200], %swap3A_1203 {strides = array<i32>} : memref<64xi32, #tpu.memory_space<vmem>>, vector<16xi32>,
      %dma_start3A_1204 = arith.constant 0 : i32
      %dma_start3A_1205 = arith.constant 0 : i32
      %dma_start3A_1206 = tpu.memref_slice %arg4[%dma_start3A_1204, %dma_start3A_1205] : memref<10240x128xf32, #tpu.memory_space<hbm>> -> memref<10240x128xf32, #tpu.memory_space<hbm>>
      tpu.enqueue_indirect_dma source(%dma_start3A_1206 : memref<10240x128xf32, #tpu.memory_space<hbm>>) target(%arg14 : memref<64x128xf32, #tpu.memory_space<vmem>>) offsets(%arg9 : memref<64xi32, #tpu.memory_space<vmem>>) semaphore(%arg21 : memref<!tpu.dma_semaphore, #tpu.memory_space<semaphore_mem>>)
      %dma_wait3A_1207 = arith.constant 0 : i32
      %dma_wait3A_1208 = arith.constant 0 : i32
      %dma_wait3A_1209 = tpu.memref_slice %arg4[%dma_wait3A_1207, %dma_wait3A_1208] : memref<10240x128xf32, #tpu.memory_space<hbm>> -> memref<10240x128xf32, #tpu.memory_space<hbm>>
      tpu.wait_indirect_dma semaphore(%arg22 : memref<!tpu.dma_semaphore, #tpu.memory_space<semaphore_mem>>) src(%dma_wait3A_1209 : memref<10240x128xf32, #tpu.memory_space<hbm>>) dst(%arg15 : memref<64x128xf32, #tpu.memory_space<vmem>>)
      %dma_start3A_1210 = arith.constant 0 : i32
      %dma_start3A_1211 = arith.constant 0 : i32
      %dma_start3A_1212 = tpu.memref_slice %arg20[%dma_start3A_1210, %dma_start3A_1211] : memref<10240x128xf32, #tpu.memory_space<vmem_shared>> -> memref<10240x128xf32, #tpu.memory_space<vmem_shared>>
      tpu.enqueue_indirect_dma source(%arg15 : memref<64x128xf32, #tpu.memory_space<vmem>>) target(%dma_start3A_1212 : memref<10240x128xf32, #tpu.memory_space<vmem_shared>>) offsets(%arg10 : memref<64xi32, #tpu.memory_space<vmem>>) semaphore(%arg25 : memref<!tpu.dma_semaphore, #tpu.memory_space<semaphore_mem>>) {add = true}
      %scan3A_1213 = arith.constant 0 : i32
      scf.yield %scan3A_1213 : i32
    }
    %scan3A_608 = arith.constant 52 : i32
    %dma_wait3A_609 = arith.constant 0 : i32
    %dma_wait3A_610 = arith.constant 0 : i32
    %dma_wait3A_611 = tpu.memref_slice %arg4[%dma_wait3A_609, %dma_wait3A_610] : memref<10240x128xf32, #tpu.memory_space<hbm>> -> memref<10240x128xf32, #tpu.memory_space<hbm>>
    tpu.wait_indirect_dma semaphore(%arg23 : memref<!tpu.dma_semaphore, #tpu.memory_space<semaphore_mem>>) src(%dma_wait3A_611 : memref<10240x128xf32, #tpu.memory_space<hbm>>) dst(%arg16 : memref<64x128xf32, #tpu.memory_space<vmem>>)
    %dma_start3A_612 = arith.constant 0 : i32
    %dma_start3A_613 = arith.constant 0 : i32
    %dma_start3A_614 = tpu.memref_slice %arg20[%dma_start3A_612, %dma_start3A_613] : memref<10240x128xf32, #tpu.memory_space<vmem_shared>> -> memref<10240x128xf32, #tpu.memory_space<vmem_shared>>
    tpu.enqueue_indirect_dma source(%arg16 : memref<64x128xf32, #tpu.memory_space<vmem>>) target(%dma_start3A_614 : memref<10240x128xf32, #tpu.memory_space<vmem_shared>>) offsets(%arg12 : memref<64xi32, #tpu.memory_space<vmem>>) semaphore(%arg26 : memref<!tpu.dma_semaphore, #tpu.memory_space<semaphore_mem>>) {add = true}
    %dma_wait3A_615 = arith.constant 0 : i32
    %dma_wait3A_616 = arith.constant 0 : i32
    %dma_wait3A_617 = tpu.memref_slice %arg4[%dma_wait3A_615, %dma_wait3A_616] : memref<10240x128xf32, #tpu.memory_space<hbm>> -> memref<10240x128xf32, #tpu.memory_space<hbm>>
    tpu.wait_indirect_dma semaphore(%arg21 : memref<!tpu.dma_semaphore, #tpu.memory_space<semaphore_mem>>) src(%dma_wait3A_617 : memref<10240x128xf32, #tpu.memory_space<hbm>>) dst(%arg14 : memref<64x128xf32, #tpu.memory_space<vmem>>)
    %dma_start3A_618 = arith.constant 0 : i32
    %dma_start3A_619 = arith.constant 0 : i32
    %dma_start3A_620 = tpu.memref_slice %arg20[%dma_start3A_618, %dma_start3A_619] : memref<10240x128xf32, #tpu.memory_space<vmem_shared>> -> memref<10240x128xf32, #tpu.memory_space<vmem_shared>>
    tpu.enqueue_indirect_dma source(%arg14 : memref<64x128xf32, #tpu.memory_space<vmem>>) target(%dma_start3A_620 : memref<10240x128xf32, #tpu.memory_space<vmem_shared>>) offsets(%arg8 : memref<64xi32, #tpu.memory_space<vmem>>) semaphore(%arg24 : memref<!tpu.dma_semaphore, #tpu.memory_space<semaphore_mem>>) {add = true}
    %dma_wait3A_621 = arith.constant 0 : i32
    %dma_wait3A_622 = arith.constant 0 : i32
    %dma_wait3A_623 = tpu.memref_slice %arg20[%dma_wait3A_621, %dma_wait3A_622] : memref<10240x128xf32, #tpu.memory_space<vmem_shared>> -> memref<10240x128xf32, #tpu.memory_space<vmem_shared>>
    tpu.wait_indirect_dma semaphore(%arg25 : memref<!tpu.dma_semaphore, #tpu.memory_space<semaphore_mem>>) src(%arg15 : memref<64x128xf32, #tpu.memory_space<vmem>>) dst(%dma_wait3A_623 : memref<10240x128xf32, #tpu.memory_space<vmem_shared>>)
    %dma_wait3A_624 = arith.constant 0 : i32
    %dma_wait3A_625 = arith.constant 0 : i32
    %dma_wait3A_626 = tpu.memref_slice %arg20[%dma_wait3A_624, %dma_wait3A_625] : memref<10240x128xf32, #tpu.memory_space<vmem_shared>> -> memref<10240x128xf32, #tpu.memory_space<vmem_shared>>
    tpu.wait_indirect_dma semaphore(%arg26 : memref<!tpu.dma_semaphore, #tpu.memory_space<semaphore_mem>>) src(%arg16 : memref<64x128xf32, #tpu.memory_space<vmem>>) dst(%dma_wait3A_626 : memref<10240x128xf32, #tpu.memory_space<vmem_shared>>)
    %dma_wait3A_627 = arith.constant 0 : i32
    %dma_wait3A_628 = arith.constant 0 : i32
    %dma_wait3A_629 = tpu.memref_slice %arg20[%dma_wait3A_627, %dma_wait3A_628] : memref<10240x128xf32, #tpu.memory_space<vmem_shared>> -> memref<10240x128xf32, #tpu.memory_space<vmem_shared>>
    tpu.wait_indirect_dma semaphore(%arg24 : memref<!tpu.dma_semaphore, #tpu.memory_space<semaphore_mem>>) src(%arg14 : memref<64x128xf32, #tpu.memory_space<vmem>>) dst(%dma_wait3A_629 : memref<10240x128xf32, #tpu.memory_space<vmem_shared>>)
    %barrier3A_630 = arith.constant 0 : index
    tpu.barrier barrier_id(%barrier3A_630)
    %add3A_631 = arith.constant 0 : i32
    %add3A_632 = arith.addi %mul3A_58, %add3A_631 : i32
    %dma_start3A_633 = arith.constant 0 : i32
    %dma_start3A_634 = tpu.memref_slice %arg20[%add3A_632, %dma_start3A_633] : memref<10240x128xf32, #tpu.memory_space<vmem_shared>> -> memref<64x128xf32, #tpu.memory_space<vmem_shared>>
    %dma_start3A_635 = arith.constant 0 : i32
    %dma_start3A_636 = tpu.memref_slice %arg20[%add3A_632, %dma_start3A_635] : memref<10240x128xf32, #tpu.memory_space<vmem_shared>> -> memref<64x128xf32, #tpu.memory_space<vmem_shared>>
    tpu.enqueue_dma source(%dma_start3A_636 : memref<64x128xf32, #tpu.memory_space<vmem_shared>>) target(%arg14 : memref<64x128xf32, #tpu.memory_space<vmem>>) target_semaphore(%arg21 : memref<!tpu.dma_semaphore, #tpu.memory_space<semaphore_mem>>)
    %add3A_637 = arith.constant 64 : i32
    %add3A_638 = arith.addi %mul3A_58, %add3A_637 : i32
    %dma_start3A_639 = arith.constant 0 : i32
    %dma_start3A_640 = tpu.memref_slice %arg20[%add3A_638, %dma_start3A_639] : memref<10240x128xf32, #tpu.memory_space<vmem_shared>> -> memref<64x128xf32, #tpu.memory_space<vmem_shared>>
    %dma_start3A_641 = arith.constant 0 : i32
    %dma_start3A_642 = tpu.memref_slice %arg20[%add3A_638, %dma_start3A_641] : memref<10240x128xf32, #tpu.memory_space<vmem_shared>> -> memref<64x128xf32, #tpu.memory_space<vmem_shared>>
    tpu.enqueue_dma source(%dma_start3A_642 : memref<64x128xf32, #tpu.memory_space<vmem_shared>>) target(%arg15 : memref<64x128xf32, #tpu.memory_space<vmem>>) target_semaphore(%arg22 : memref<!tpu.dma_semaphore, #tpu.memory_space<semaphore_mem>>)
    %add3A_643 = arith.constant 0 : i32
    %add3A_644 = arith.addi %mul3A_58, %add3A_643 : i32
    %dma_wait3A_645 = arith.constant 0 : i32
    %dma_wait3A_646 = tpu.memref_slice %arg20[%add3A_644, %dma_wait3A_645] : memref<10240x128xf32, #tpu.memory_space<vmem_shared>> -> memref<64x128xf32, #tpu.memory_space<vmem_shared>>
    %dma_wait3A_647 = arith.constant 0 : i32
    %dma_wait3A_648 = tpu.memref_slice %arg20[%add3A_644, %dma_wait3A_647] : memref<10240x128xf32, #tpu.memory_space<vmem_shared>> -> memref<64x128xf32, #tpu.memory_space<vmem_shared>>
    tpu.wait_dma2 semaphore(%arg21 : memref<!tpu.dma_semaphore, #tpu.memory_space<semaphore_mem>>) src(%dma_wait3A_648 : memref<64x128xf32, #tpu.memory_space<vmem_shared>>) dst(%arg14 : memref<64x128xf32, #tpu.memory_space<vmem>>)
    %add3A_649 = arith.constant 0 : i32
    %add3A_650 = arith.addi %mul3A_58, %add3A_649 : i32
    %dma_start3A_651 = arith.constant 0 : i32
    %dma_start3A_652 = tpu.memref_slice %arg5[%arg0, %add3A_650, %dma_start3A_651] : memref<2x10240x128xf32, #tpu.memory_space<hbm>> -> memref<1x64x128xf32, #tpu.memory_space<hbm>>
    %dma_start3A_653 = tpu.memref_squeeze %dma_start3A_652 : memref<1x64x128xf32, #tpu.memory_space<hbm>> -> memref<64x128xf32, #tpu.memory_space<hbm>>
    %dma_start3A_654 = arith.constant 0 : i32
    %dma_start3A_655 = tpu.memref_slice %arg5[%arg0, %add3A_650, %dma_start3A_654] : memref<2x10240x128xf32, #tpu.memory_space<hbm>> -> memref<1x64x128xf32, #tpu.memory_space<hbm>>
    %dma_start3A_656 = tpu.memref_squeeze %dma_start3A_655 : memref<1x64x128xf32, #tpu.memory_space<hbm>> -> memref<64x128xf32, #tpu.memory_space<hbm>>
    tpu.enqueue_dma source(%arg14 : memref<64x128xf32, #tpu.memory_space<vmem>>) target(%dma_start3A_656 : memref<64x128xf32, #tpu.memory_space<hbm>>) target_semaphore(%arg24 : memref<!tpu.dma_semaphore, #tpu.memory_space<semaphore_mem>>)
    %add3A_657 = arith.constant 0 : i32
    %add3A_658 = arith.addi %mul3A_58, %add3A_657 : i32
    %dma_wait3A_659 = arith.constant 0 : i32
    %dma_wait3A_660 = tpu.memref_slice %arg5[%arg0, %add3A_658, %dma_wait3A_659] : memref<2x10240x128xf32, #tpu.memory_space<hbm>> -> memref<1x64x128xf32, #tpu.memory_space<hbm>>
    %dma_wait3A_661 = tpu.memref_squeeze %dma_wait3A_660 : memref<1x64x128xf32, #tpu.memory_space<hbm>> -> memref<64x128xf32, #tpu.memory_space<hbm>>
    %dma_wait3A_662 = arith.constant 0 : i32
    %dma_wait3A_663 = tpu.memref_slice %arg5[%arg0, %add3A_658, %dma_wait3A_662] : memref<2x10240x128xf32, #tpu.memory_space<hbm>> -> memref<1x64x128xf32, #tpu.memory_space<hbm>>
    %dma_wait3A_664 = tpu.memref_squeeze %dma_wait3A_663 : memref<1x64x128xf32, #tpu.memory_space<hbm>> -> memref<64x128xf32, #tpu.memory_space<hbm>>
    tpu.wait_dma2 semaphore(%arg24 : memref<!tpu.dma_semaphore, #tpu.memory_space<semaphore_mem>>) src(%arg14 : memref<64x128xf32, #tpu.memory_space<vmem>>) dst(%dma_wait3A_664 : memref<64x128xf32, #tpu.memory_space<hbm>>)
    %add3A_665 = arith.constant 128 : i32
    %add3A_666 = arith.addi %mul3A_58, %add3A_665 : i32
    %dma_start3A_667 = arith.constant 0 : i32
    %dma_start3A_668 = tpu.memref_slice %arg20[%add3A_666, %dma_start3A_667] : memref<10240x128xf32, #tpu.memory_space<vmem_shared>> -> memref<64x128xf32, #tpu.memory_space<vmem_shared>>
    %dma_start3A_669 = arith.constant 0 : i32
    %dma_start3A_670 = tpu.memref_slice %arg20[%add3A_666, %dma_start3A_669] : memref<10240x128xf32, #tpu.memory_space<vmem_shared>> -> memref<64x128xf32, #tpu.memory_space<vmem_shared>>
    tpu.enqueue_dma source(%dma_start3A_670 : memref<64x128xf32, #tpu.memory_space<vmem_shared>>) target(%arg14 : memref<64x128xf32, #tpu.memory_space<vmem>>) target_semaphore(%arg21 : memref<!tpu.dma_semaphore, #tpu.memory_space<semaphore_mem>>)
    %add3A_671 = arith.constant 64 : i32
    %add3A_672 = arith.addi %mul3A_58, %add3A_671 : i32
    %dma_wait3A_673 = arith.constant 0 : i32
    %dma_wait3A_674 = tpu.memref_slice %arg20[%add3A_672, %dma_wait3A_673] : memref<10240x128xf32, #tpu.memory_space<vmem_shared>> -> memref<64x128xf32, #tpu.memory_space<vmem_shared>>
    %dma_wait3A_675 = arith.constant 0 : i32
    %dma_wait3A_676 = tpu.memref_slice %arg20[%add3A_672, %dma_wait3A_675] : memref<10240x128xf32, #tpu.memory_space<vmem_shared>> -> memref<64x128xf32, #tpu.memory_space<vmem_shared>>
    tpu.wait_dma2 semaphore(%arg22 : memref<!tpu.dma_semaphore, #tpu.memory_space<semaphore_mem>>) src(%dma_wait3A_676 : memref<64x128xf32, #tpu.memory_space<vmem_shared>>) dst(%arg15 : memref<64x128xf32, #tpu.memory_space<vmem>>)
    %add3A_677 = arith.constant 64 : i32
    %add3A_678 = arith.addi %mul3A_58, %add3A_677 : i32
    %dma_start3A_679 = arith.constant 0 : i32
    %dma_start3A_680 = tpu.memref_slice %arg5[%arg0, %add3A_678, %dma_start3A_679] : memref<2x10240x128xf32, #tpu.memory_space<hbm>> -> memref<1x64x128xf32, #tpu.memory_space<hbm>>
    %dma_start3A_681 = tpu.memref_squeeze %dma_start3A_680 : memref<1x64x128xf32, #tpu.memory_space<hbm>> -> memref<64x128xf32, #tpu.memory_space<hbm>>
    %dma_start3A_682 = arith.constant 0 : i32
    %dma_start3A_683 = tpu.memref_slice %arg5[%arg0, %add3A_678, %dma_start3A_682] : memref<2x10240x128xf32, #tpu.memory_space<hbm>> -> memref<1x64x128xf32, #tpu.memory_space<hbm>>
    %dma_start3A_684 = tpu.memref_squeeze %dma_start3A_683 : memref<1x64x128xf32, #tpu.memory_space<hbm>> -> memref<64x128xf32, #tpu.memory_space<hbm>>
    tpu.enqueue_dma source(%arg15 : memref<64x128xf32, #tpu.memory_space<vmem>>) target(%dma_start3A_684 : memref<64x128xf32, #tpu.memory_space<hbm>>) target_semaphore(%arg25 : memref<!tpu.dma_semaphore, #tpu.memory_space<semaphore_mem>>)
    %add3A_685 = arith.constant 64 : i32
    %add3A_686 = arith.addi %mul3A_58, %add3A_685 : i32
    %dma_wait3A_687 = arith.constant 0 : i32
    %dma_wait3A_688 = tpu.memref_slice %arg5[%arg0, %add3A_686, %dma_wait3A_687] : memref<2x10240x128xf32, #tpu.memory_space<hbm>> -> memref<1x64x128xf32, #tpu.memory_space<hbm>>
    %dma_wait3A_689 = tpu.memref_squeeze %dma_wait3A_688 : memref<1x64x128xf32, #tpu.memory_space<hbm>> -> memref<64x128xf32, #tpu.memory_space<hbm>>
    %dma_wait3A_690 = arith.constant 0 : i32
    %dma_wait3A_691 = tpu.memref_slice %arg5[%arg0, %add3A_686, %dma_wait3A_690] : memref<2x10240x128xf32, #tpu.memory_space<hbm>> -> memref<1x64x128xf32, #tpu.memory_space<hbm>>
    %dma_wait3A_692 = tpu.memref_squeeze %dma_wait3A_691 : memref<1x64x128xf32, #tpu.memory_space<hbm>> -> memref<64x128xf32, #tpu.memory_space<hbm>>
    tpu.wait_dma2 semaphore(%arg25 : memref<!tpu.dma_semaphore, #tpu.memory_space<semaphore_mem>>) src(%arg15 : memref<64x128xf32, #tpu.memory_space<vmem>>) dst(%dma_wait3A_692 : memref<64x128xf32, #tpu.memory_space<hbm>>)
    %add3A_693 = arith.constant 192 : i32
    %add3A_694 = arith.addi %mul3A_58, %add3A_693 : i32
    %dma_start3A_695 = arith.constant 0 : i32
    %dma_start3A_696 = tpu.memref_slice %arg20[%add3A_694, %dma_start3A_695] : memref<10240x128xf32, #tpu.memory_space<vmem_shared>> -> memref<64x128xf32, #tpu.memory_space<vmem_shared>>
    %dma_start3A_697 = arith.constant 0 : i32
    %dma_start3A_698 = tpu.memref_slice %arg20[%add3A_694, %dma_start3A_697] : memref<10240x128xf32, #tpu.memory_space<vmem_shared>> -> memref<64x128xf32, #tpu.memory_space<vmem_shared>>
    tpu.enqueue_dma source(%dma_start3A_698 : memref<64x128xf32, #tpu.memory_space<vmem_shared>>) target(%arg15 : memref<64x128xf32, #tpu.memory_space<vmem>>) target_semaphore(%arg22 : memref<!tpu.dma_semaphore, #tpu.memory_space<semaphore_mem>>)
    %add3A_699 = arith.constant 128 : i32
    %add3A_700 = arith.addi %mul3A_58, %add3A_699 : i32
    %dma_wait3A_701 = arith.constant 0 : i32
    %dma_wait3A_702 = tpu.memref_slice %arg20[%add3A_700, %dma_wait3A_701] : memref<10240x128xf32, #tpu.memory_space<vmem_shared>> -> memref<64x128xf32, #tpu.memory_space<vmem_shared>>
    %dma_wait3A_703 = arith.constant 0 : i32
    %dma_wait3A_704 = tpu.memref_slice %arg20[%add3A_700, %dma_wait3A_703] : memref<10240x128xf32, #tpu.memory_space<vmem_shared>> -> memref<64x128xf32, #tpu.memory_space<vmem_shared>>
    tpu.wait_dma2 semaphore(%arg21 : memref<!tpu.dma_semaphore, #tpu.memory_space<semaphore_mem>>) src(%dma_wait3A_704 : memref<64x128xf32, #tpu.memory_space<vmem_shared>>) dst(%arg14 : memref<64x128xf32, #tpu.memory_space<vmem>>)
    %add3A_705 = arith.constant 128 : i32
    %add3A_706 = arith.addi %mul3A_58, %add3A_705 : i32
    %dma_start3A_707 = arith.constant 0 : i32
    %dma_start3A_708 = tpu.memref_slice %arg5[%arg0, %add3A_706, %dma_start3A_707] : memref<2x10240x128xf32, #tpu.memory_space<hbm>> -> memref<1x64x128xf32, #tpu.memory_space<hbm>>
    %dma_start3A_709 = tpu.memref_squeeze %dma_start3A_708 : memref<1x64x128xf32, #tpu.memory_space<hbm>> -> memref<64x128xf32, #tpu.memory_space<hbm>>
    %dma_start3A_710 = arith.constant 0 : i32
    %dma_start3A_711 = tpu.memref_slice %arg5[%arg0, %add3A_706, %dma_start3A_710] : memref<2x10240x128xf32, #tpu.memory_space<hbm>> -> memref<1x64x128xf32, #tpu.memory_space<hbm>>
    %dma_start3A_712 = tpu.memref_squeeze %dma_start3A_711 : memref<1x64x128xf32, #tpu.memory_space<hbm>> -> memref<64x128xf32, #tpu.memory_space<hbm>>
    tpu.enqueue_dma source(%arg14 : memref<64x128xf32, #tpu.memory_space<vmem>>) target(%dma_start3A_712 : memref<64x128xf32, #tpu.memory_space<hbm>>) target_semaphore(%arg24 : memref<!tpu.dma_semaphore, #tpu.memory_space<semaphore_mem>>)
    %add3A_713 = arith.constant 128 : i32
    %add3A_714 = arith.addi %mul3A_58, %add3A_713 : i32
    %dma_wait3A_715 = arith.constant 0 : i32
    %dma_wait3A_716 = tpu.memref_slice %arg5[%arg0, %add3A_714, %dma_wait3A_715] : memref<2x10240x128xf32, #tpu.memory_space<hbm>> -> memref<1x64x128xf32, #tpu.memory_space<hbm>>
    %dma_wait3A_717 = tpu.memref_squeeze %dma_wait3A_716 : memref<1x64x128xf32, #tpu.memory_space<hbm>> -> memref<64x128xf32, #tpu.memory_space<hbm>>
    %dma_wait3A_718 = arith.constant 0 : i32
    %dma_wait3A_719 = tpu.memref_slice %arg5[%arg0, %add3A_714, %dma_wait3A_718] : memref<2x10240x128xf32, #tpu.memory_space<hbm>> -> memref<1x64x128xf32, #tpu.memory_space<hbm>>
    %dma_wait3A_720 = tpu.memref_squeeze %dma_wait3A_719 : memref<1x64x128xf32, #tpu.memory_space<hbm>> -> memref<64x128xf32, #tpu.memory_space<hbm>>
    tpu.wait_dma2 semaphore(%arg24 : memref<!tpu.dma_semaphore, #tpu.memory_space<semaphore_mem>>) src(%arg14 : memref<64x128xf32, #tpu.memory_space<vmem>>) dst(%dma_wait3A_720 : memref<64x128xf32, #tpu.memory_space<hbm>>)
    %add3A_721 = arith.constant 256 : i32
    %add3A_722 = arith.addi %mul3A_58, %add3A_721 : i32
    %dma_start3A_723 = arith.constant 0 : i32
    %dma_start3A_724 = tpu.memref_slice %arg20[%add3A_722, %dma_start3A_723] : memref<10240x128xf32, #tpu.memory_space<vmem_shared>> -> memref<64x128xf32, #tpu.memory_space<vmem_shared>>
    %dma_start3A_725 = arith.constant 0 : i32
    %dma_start3A_726 = tpu.memref_slice %arg20[%add3A_722, %dma_start3A_725] : memref<10240x128xf32, #tpu.memory_space<vmem_shared>> -> memref<64x128xf32, #tpu.memory_space<vmem_shared>>
    tpu.enqueue_dma source(%dma_start3A_726 : memref<64x128xf32, #tpu.memory_space<vmem_shared>>) target(%arg14 : memref<64x128xf32, #tpu.memory_space<vmem>>) target_semaphore(%arg21 : memref<!tpu.dma_semaphore, #tpu.memory_space<semaphore_mem>>)
    %add3A_727 = arith.constant 192 : i32
    %add3A_728 = arith.addi %mul3A_58, %add3A_727 : i32
    %dma_wait3A_729 = arith.constant 0 : i32
    %dma_wait3A_730 = tpu.memref_slice %arg20[%add3A_728, %dma_wait3A_729] : memref<10240x128xf32, #tpu.memory_space<vmem_shared>> -> memref<64x128xf32, #tpu.memory_space<vmem_shared>>
    %dma_wait3A_731 = arith.constant 0 : i32
    %dma_wait3A_732 = tpu.memref_slice %arg20[%add3A_728, %dma_wait3A_731] : memref<10240x128xf32, #tpu.memory_space<vmem_shared>> -> memref<64x128xf32, #tpu.memory_space<vmem_shared>>
    tpu.wait_dma2 semaphore(%arg22 : memref<!tpu.dma_semaphore, #tpu.memory_space<semaphore_mem>>) src(%dma_wait3A_732 : memref<64x128xf32, #tpu.memory_space<vmem_shared>>) dst(%arg15 : memref<64x128xf32, #tpu.memory_space<vmem>>)
    %add3A_733 = arith.constant 192 : i32
    %add3A_734 = arith.addi %mul3A_58, %add3A_733 : i32
    %dma_start3A_735 = arith.constant 0 : i32
    %dma_start3A_736 = tpu.memref_slice %arg5[%arg0, %add3A_734, %dma_start3A_735] : memref<2x10240x128xf32, #tpu.memory_space<hbm>> -> memref<1x64x128xf32, #tpu.memory_space<hbm>>
    %dma_start3A_737 = tpu.memref_squeeze %dma_start3A_736 : memref<1x64x128xf32, #tpu.memory_space<hbm>> -> memref<64x128xf32, #tpu.memory_space<hbm>>
    %dma_start3A_738 = arith.constant 0 : i32
    %dma_start3A_739 = tpu.memref_slice %arg5[%arg0, %add3A_734, %dma_start3A_738] : memref<2x10240x128xf32, #tpu.memory_space<hbm>> -> memref<1x64x128xf32, #tpu.memory_space<hbm>>
    %dma_start3A_740 = tpu.memref_squeeze %dma_start3A_739 : memref<1x64x128xf32, #tpu.memory_space<hbm>> -> memref<64x128xf32, #tpu.memory_space<hbm>>
    tpu.enqueue_dma source(%arg15 : memref<64x128xf32, #tpu.memory_space<vmem>>) target(%dma_start3A_740 : memref<64x128xf32, #tpu.memory_space<hbm>>) target_semaphore(%arg25 : memref<!tpu.dma_semaphore, #tpu.memory_space<semaphore_mem>>)
    %add3A_741 = arith.constant 192 : i32
    %add3A_742 = arith.addi %mul3A_58, %add3A_741 : i32
    %dma_wait3A_743 = arith.constant 0 : i32
    %dma_wait3A_744 = tpu.memref_slice %arg5[%arg0, %add3A_742, %dma_wait3A_743] : memref<2x10240x128xf32, #tpu.memory_space<hbm>> -> memref<1x64x128xf32, #tpu.memory_space<hbm>>
    %dma_wait3A_745 = tpu.memref_squeeze %dma_wait3A_744 : memref<1x64x128xf32, #tpu.memory_space<hbm>> -> memref<64x128xf32, #tpu.memory_space<hbm>>
    %dma_wait3A_746 = arith.constant 0 : i32
    %dma_wait3A_747 = tpu.memref_slice %arg5[%arg0, %add3A_742, %dma_wait3A_746] : memref<2x10240x128xf32, #tpu.memory_space<hbm>> -> memref<1x64x128xf32, #tpu.memory_space<hbm>>
    %dma_wait3A_748 = tpu.memref_squeeze %dma_wait3A_747 : memref<1x64x128xf32, #tpu.memory_space<hbm>> -> memref<64x128xf32, #tpu.memory_space<hbm>>
    tpu.wait_dma2 semaphore(%arg25 : memref<!tpu.dma_semaphore, #tpu.memory_space<semaphore_mem>>) src(%arg15 : memref<64x128xf32, #tpu.memory_space<vmem>>) dst(%dma_wait3A_748 : memref<64x128xf32, #tpu.memory_space<hbm>>)
    %add3A_749 = arith.constant 320 : i32
    %add3A_750 = arith.addi %mul3A_58, %add3A_749 : i32
    %dma_start3A_751 = arith.constant 0 : i32
    %dma_start3A_752 = tpu.memref_slice %arg20[%add3A_750, %dma_start3A_751] : memref<10240x128xf32, #tpu.memory_space<vmem_shared>> -> memref<64x128xf32, #tpu.memory_space<vmem_shared>>
    %dma_start3A_753 = arith.constant 0 : i32
    %dma_start3A_754 = tpu.memref_slice %arg20[%add3A_750, %dma_start3A_753] : memref<10240x128xf32, #tpu.memory_space<vmem_shared>> -> memref<64x128xf32, #tpu.memory_space<vmem_shared>>
    tpu.enqueue_dma source(%dma_start3A_754 : memref<64x128xf32, #tpu.memory_space<vmem_shared>>) target(%arg15 : memref<64x128xf32, #tpu.memory_space<vmem>>) target_semaphore(%arg22 : memref<!tpu.dma_semaphore, #tpu.memory_space<semaphore_mem>>)
    %add3A_755 = arith.constant 256 : i32
    %add3A_756 = arith.addi %mul3A_58, %add3A_755 : i32
    %dma_wait3A_757 = arith.constant 0 : i32
    %dma_wait3A_758 = tpu.memref_slice %arg20[%add3A_756, %dma_wait3A_757] : memref<10240x128xf32, #tpu.memory_space<vmem_shared>> -> memref<64x128xf32, #tpu.memory_space<vmem_shared>>
    %dma_wait3A_759 = arith.constant 0 : i32
    %dma_wait3A_760 = tpu.memref_slice %arg20[%add3A_756, %dma_wait3A_759] : memref<10240x128xf32, #tpu.memory_space<vmem_shared>> -> memref<64x128xf32, #tpu.memory_space<vmem_shared>>
    tpu.wait_dma2 semaphore(%arg21 : memref<!tpu.dma_semaphore, #tpu.memory_space<semaphore_mem>>) src(%dma_wait3A_760 : memref<64x128xf32, #tpu.memory_space<vmem_shared>>) dst(%arg14 : memref<64x128xf32, #tpu.memory_space<vmem>>)
    %add3A_761 = arith.constant 256 : i32
    %add3A_762 = arith.addi %mul3A_58, %add3A_761 : i32
    %dma_start3A_763 = arith.constant 0 : i32
    %dma_start3A_764 = tpu.memref_slice %arg5[%arg0, %add3A_762, %dma_start3A_763] : memref<2x10240x128xf32, #tpu.memory_space<hbm>> -> memref<1x64x128xf32, #tpu.memory_space<hbm>>
    %dma_start3A_765 = tpu.memref_squeeze %dma_start3A_764 : memref<1x64x128xf32, #tpu.memory_space<hbm>> -> memref<64x128xf32, #tpu.memory_space<hbm>>
    %dma_start3A_766 = arith.constant 0 : i32
    %dma_start3A_767 = tpu.memref_slice %arg5[%arg0, %add3A_762, %dma_start3A_766] : memref<2x10240x128xf32, #tpu.memory_space<hbm>> -> memref<1x64x128xf32, #tpu.memory_space<hbm>>
    %dma_start3A_768 = tpu.memref_squeeze %dma_start3A_767 : memref<1x64x128xf32, #tpu.memory_space<hbm>> -> memref<64x128xf32, #tpu.memory_space<hbm>>
    tpu.enqueue_dma source(%arg14 : memref<64x128xf32, #tpu.memory_space<vmem>>) target(%dma_start3A_768 : memref<64x128xf32, #tpu.memory_space<hbm>>) target_semaphore(%arg24 : memref<!tpu.dma_semaphore, #tpu.memory_space<semaphore_mem>>)
    %add3A_769 = arith.constant 256 : i32
    %add3A_770 = arith.addi %mul3A_58, %add3A_769 : i32
    %dma_wait3A_771 = arith.constant 0 : i32
    %dma_wait3A_772 = tpu.memref_slice %arg5[%arg0, %add3A_770, %dma_wait3A_771] : memref<2x10240x128xf32, #tpu.memory_space<hbm>> -> memref<1x64x128xf32, #tpu.memory_space<hbm>>
    %dma_wait3A_773 = tpu.memref_squeeze %dma_wait3A_772 : memref<1x64x128xf32, #tpu.memory_space<hbm>> -> memref<64x128xf32, #tpu.memory_space<hbm>>
    %dma_wait3A_774 = arith.constant 0 : i32
    %dma_wait3A_775 = tpu.memref_slice %arg5[%arg0, %add3A_770, %dma_wait3A_774] : memref<2x10240x128xf32, #tpu.memory_space<hbm>> -> memref<1x64x128xf32, #tpu.memory_space<hbm>>
    %dma_wait3A_776 = tpu.memref_squeeze %dma_wait3A_775 : memref<1x64x128xf32, #tpu.memory_space<hbm>> -> memref<64x128xf32, #tpu.memory_space<hbm>>
    tpu.wait_dma2 semaphore(%arg24 : memref<!tpu.dma_semaphore, #tpu.memory_space<semaphore_mem>>) src(%arg14 : memref<64x128xf32, #tpu.memory_space<vmem>>) dst(%dma_wait3A_776 : memref<64x128xf32, #tpu.memory_space<hbm>>)
    %add3A_777 = arith.constant 384 : i32
    %add3A_778 = arith.addi %mul3A_58, %add3A_777 : i32
    %dma_start3A_779 = arith.constant 0 : i32
    %dma_start3A_780 = tpu.memref_slice %arg20[%add3A_778, %dma_start3A_779] : memref<10240x128xf32, #tpu.memory_space<vmem_shared>> -> memref<64x128xf32, #tpu.memory_space<vmem_shared>>
    %dma_start3A_781 = arith.constant 0 : i32
    %dma_start3A_782 = tpu.memref_slice %arg20[%add3A_778, %dma_start3A_781] : memref<10240x128xf32, #tpu.memory_space<vmem_shared>> -> memref<64x128xf32, #tpu.memory_space<vmem_shared>>
    tpu.enqueue_dma source(%dma_start3A_782 : memref<64x128xf32, #tpu.memory_space<vmem_shared>>) target(%arg14 : memref<64x128xf32, #tpu.memory_space<vmem>>) target_semaphore(%arg21 : memref<!tpu.dma_semaphore, #tpu.memory_space<semaphore_mem>>)
    %add3A_783 = arith.constant 320 : i32
    %add3A_784 = arith.addi %mul3A_58, %add3A_783 : i32
    %dma_wait3A_785 = arith.constant 0 : i32
    %dma_wait3A_786 = tpu.memref_slice %arg20[%add3A_784, %dma_wait3A_785] : memref<10240x128xf32, #tpu.memory_space<vmem_shared>> -> memref<64x128xf32, #tpu.memory_space<vmem_shared>>
    %dma_wait3A_787 = arith.constant 0 : i32
    %dma_wait3A_788 = tpu.memref_slice %arg20[%add3A_784, %dma_wait3A_787] : memref<10240x128xf32, #tpu.memory_space<vmem_shared>> -> memref<64x128xf32, #tpu.memory_space<vmem_shared>>
    tpu.wait_dma2 semaphore(%arg22 : memref<!tpu.dma_semaphore, #tpu.memory_space<semaphore_mem>>) src(%dma_wait3A_788 : memref<64x128xf32, #tpu.memory_space<vmem_shared>>) dst(%arg15 : memref<64x128xf32, #tpu.memory_space<vmem>>)
    %add3A_789 = arith.constant 320 : i32
    %add3A_790 = arith.addi %mul3A_58, %add3A_789 : i32
    %dma_start3A_791 = arith.constant 0 : i32
    %dma_start3A_792 = tpu.memref_slice %arg5[%arg0, %add3A_790, %dma_start3A_791] : memref<2x10240x128xf32, #tpu.memory_space<hbm>> -> memref<1x64x128xf32, #tpu.memory_space<hbm>>
    %dma_start3A_793 = tpu.memref_squeeze %dma_start3A_792 : memref<1x64x128xf32, #tpu.memory_space<hbm>> -> memref<64x128xf32, #tpu.memory_space<hbm>>
    %dma_start3A_794 = arith.constant 0 : i32
    %dma_start3A_795 = tpu.memref_slice %arg5[%arg0, %add3A_790, %dma_start3A_794] : memref<2x10240x128xf32, #tpu.memory_space<hbm>> -> memref<1x64x128xf32, #tpu.memory_space<hbm>>
    %dma_start3A_796 = tpu.memref_squeeze %dma_start3A_795 : memref<1x64x128xf32, #tpu.memory_space<hbm>> -> memref<64x128xf32, #tpu.memory_space<hbm>>
    tpu.enqueue_dma source(%arg15 : memref<64x128xf32, #tpu.memory_space<vmem>>) target(%dma_start3A_796 : memref<64x128xf32, #tpu.memory_space<hbm>>) target_semaphore(%arg25 : memref<!tpu.dma_semaphore, #tpu.memory_space<semaphore_mem>>)
    %add3A_797 = arith.constant 320 : i32
    %add3A_798 = arith.addi %mul3A_58, %add3A_797 : i32
    %dma_wait3A_799 = arith.constant 0 : i32
    %dma_wait3A_800 = tpu.memref_slice %arg5[%arg0, %add3A_798, %dma_wait3A_799] : memref<2x10240x128xf32, #tpu.memory_space<hbm>> -> memref<1x64x128xf32, #tpu.memory_space<hbm>>
    %dma_wait3A_801 = tpu.memref_squeeze %dma_wait3A_800 : memref<1x64x128xf32, #tpu.memory_space<hbm>> -> memref<64x128xf32, #tpu.memory_space<hbm>>
    %dma_wait3A_802 = arith.constant 0 : i32
    %dma_wait3A_803 = tpu.memref_slice %arg5[%arg0, %add3A_798, %dma_wait3A_802] : memref<2x10240x128xf32, #tpu.memory_space<hbm>> -> memref<1x64x128xf32, #tpu.memory_space<hbm>>
    %dma_wait3A_804 = tpu.memref_squeeze %dma_wait3A_803 : memref<1x64x128xf32, #tpu.memory_space<hbm>> -> memref<64x128xf32, #tpu.memory_space<hbm>>
    tpu.wait_dma2 semaphore(%arg25 : memref<!tpu.dma_semaphore, #tpu.memory_space<semaphore_mem>>) src(%arg15 : memref<64x128xf32, #tpu.memory_space<vmem>>) dst(%dma_wait3A_804 : memref<64x128xf32, #tpu.memory_space<hbm>>)
    %add3A_805 = arith.constant 448 : i32
    %add3A_806 = arith.addi %mul3A_58, %add3A_805 : i32
    %dma_start3A_807 = arith.constant 0 : i32
    %dma_start3A_808 = tpu.memref_slice %arg20[%add3A_806, %dma_start3A_807] : memref<10240x128xf32, #tpu.memory_space<vmem_shared>> -> memref<64x128xf32, #tpu.memory_space<vmem_shared>>
    %dma_start3A_809 = arith.constant 0 : i32
    %dma_start3A_810 = tpu.memref_slice %arg20[%add3A_806, %dma_start3A_809] : memref<10240x128xf32, #tpu.memory_space<vmem_shared>> -> memref<64x128xf32, #tpu.memory_space<vmem_shared>>
    tpu.enqueue_dma source(%dma_start3A_810 : memref<64x128xf32, #tpu.memory_space<vmem_shared>>) target(%arg15 : memref<64x128xf32, #tpu.memory_space<vmem>>) target_semaphore(%arg22 : memref<!tpu.dma_semaphore, #tpu.memory_space<semaphore_mem>>)
    %add3A_811 = arith.constant 384 : i32
    %add3A_812 = arith.addi %mul3A_58, %add3A_811 : i32
    %dma_wait3A_813 = arith.constant 0 : i32
    %dma_wait3A_814 = tpu.memref_slice %arg20[%add3A_812, %dma_wait3A_813] : memref<10240x128xf32, #tpu.memory_space<vmem_shared>> -> memref<64x128xf32, #tpu.memory_space<vmem_shared>>
    %dma_wait3A_815 = arith.constant 0 : i32
    %dma_wait3A_816 = tpu.memref_slice %arg20[%add3A_812, %dma_wait3A_815] : memref<10240x128xf32, #tpu.memory_space<vmem_shared>> -> memref<64x128xf32, #tpu.memory_space<vmem_shared>>
    tpu.wait_dma2 semaphore(%arg21 : memref<!tpu.dma_semaphore, #tpu.memory_space<semaphore_mem>>) src(%dma_wait3A_816 : memref<64x128xf32, #tpu.memory_space<vmem_shared>>) dst(%arg14 : memref<64x128xf32, #tpu.memory_space<vmem>>)
    %add3A_817 = arith.constant 384 : i32
    %add3A_818 = arith.addi %mul3A_58, %add3A_817 : i32
    %dma_start3A_819 = arith.constant 0 : i32
    %dma_start3A_820 = tpu.memref_slice %arg5[%arg0, %add3A_818, %dma_start3A_819] : memref<2x10240x128xf32, #tpu.memory_space<hbm>> -> memref<1x64x128xf32, #tpu.memory_space<hbm>>
    %dma_start3A_821 = tpu.memref_squeeze %dma_start3A_820 : memref<1x64x128xf32, #tpu.memory_space<hbm>> -> memref<64x128xf32, #tpu.memory_space<hbm>>
    %dma_start3A_822 = arith.constant 0 : i32
    %dma_start3A_823 = tpu.memref_slice %arg5[%arg0, %add3A_818, %dma_start3A_822] : memref<2x10240x128xf32, #tpu.memory_space<hbm>> -> memref<1x64x128xf32, #tpu.memory_space<hbm>>
    %dma_start3A_824 = tpu.memref_squeeze %dma_start3A_823 : memref<1x64x128xf32, #tpu.memory_space<hbm>> -> memref<64x128xf32, #tpu.memory_space<hbm>>
    tpu.enqueue_dma source(%arg14 : memref<64x128xf32, #tpu.memory_space<vmem>>) target(%dma_start3A_824 : memref<64x128xf32, #tpu.memory_space<hbm>>) target_semaphore(%arg24 : memref<!tpu.dma_semaphore, #tpu.memory_space<semaphore_mem>>)
    %add3A_825 = arith.constant 384 : i32
    %add3A_826 = arith.addi %mul3A_58, %add3A_825 : i32
    %dma_wait3A_827 = arith.constant 0 : i32
    %dma_wait3A_828 = tpu.memref_slice %arg5[%arg0, %add3A_826, %dma_wait3A_827] : memref<2x10240x128xf32, #tpu.memory_space<hbm>> -> memref<1x64x128xf32, #tpu.memory_space<hbm>>
    %dma_wait3A_829 = tpu.memref_squeeze %dma_wait3A_828 : memref<1x64x128xf32, #tpu.memory_space<hbm>> -> memref<64x128xf32, #tpu.memory_space<hbm>>
    %dma_wait3A_830 = arith.constant 0 : i32
    %dma_wait3A_831 = tpu.memref_slice %arg5[%arg0, %add3A_826, %dma_wait3A_830] : memref<2x10240x128xf32, #tpu.memory_space<hbm>> -> memref<1x64x128xf32, #tpu.memory_space<hbm>>
    %dma_wait3A_832 = tpu.memref_squeeze %dma_wait3A_831 : memref<1x64x128xf32, #tpu.memory_space<hbm>> -> memref<64x128xf32, #tpu.memory_space<hbm>>
    tpu.wait_dma2 semaphore(%arg24 : memref<!tpu.dma_semaphore, #tpu.memory_space<semaphore_mem>>) src(%arg14 : memref<64x128xf32, #tpu.memory_space<vmem>>) dst(%dma_wait3A_832 : memref<64x128xf32, #tpu.memory_space<hbm>>)
    %add3A_833 = arith.constant 512 : i32
    %add3A_834 = arith.addi %mul3A_58, %add3A_833 : i32
    %dma_start3A_835 = arith.constant 0 : i32
    %dma_start3A_836 = tpu.memref_slice %arg20[%add3A_834, %dma_start3A_835] : memref<10240x128xf32, #tpu.memory_space<vmem_shared>> -> memref<64x128xf32, #tpu.memory_space<vmem_shared>>
    %dma_start3A_837 = arith.constant 0 : i32
    %dma_start3A_838 = tpu.memref_slice %arg20[%add3A_834, %dma_start3A_837] : memref<10240x128xf32, #tpu.memory_space<vmem_shared>> -> memref<64x128xf32, #tpu.memory_space<vmem_shared>>
    tpu.enqueue_dma source(%dma_start3A_838 : memref<64x128xf32, #tpu.memory_space<vmem_shared>>) target(%arg14 : memref<64x128xf32, #tpu.memory_space<vmem>>) target_semaphore(%arg21 : memref<!tpu.dma_semaphore, #tpu.memory_space<semaphore_mem>>)
    %add3A_839 = arith.constant 448 : i32
    %add3A_840 = arith.addi %mul3A_58, %add3A_839 : i32
    %dma_wait3A_841 = arith.constant 0 : i32
    %dma_wait3A_842 = tpu.memref_slice %arg20[%add3A_840, %dma_wait3A_841] : memref<10240x128xf32, #tpu.memory_space<vmem_shared>> -> memref<64x128xf32, #tpu.memory_space<vmem_shared>>
    %dma_wait3A_843 = arith.constant 0 : i32
    %dma_wait3A_844 = tpu.memref_slice %arg20[%add3A_840, %dma_wait3A_843] : memref<10240x128xf32, #tpu.memory_space<vmem_shared>> -> memref<64x128xf32, #tpu.memory_space<vmem_shared>>
    tpu.wait_dma2 semaphore(%arg22 : memref<!tpu.dma_semaphore, #tpu.memory_space<semaphore_mem>>) src(%dma_wait3A_844 : memref<64x128xf32, #tpu.memory_space<vmem_shared>>) dst(%arg15 : memref<64x128xf32, #tpu.memory_space<vmem>>)
    %add3A_845 = arith.constant 448 : i32
    %add3A_846 = arith.addi %mul3A_58, %add3A_845 : i32
    %dma_start3A_847 = arith.constant 0 : i32
    %dma_start3A_848 = tpu.memref_slice %arg5[%arg0, %add3A_846, %dma_start3A_847] : memref<2x10240x128xf32, #tpu.memory_space<hbm>> -> memref<1x64x128xf32, #tpu.memory_space<hbm>>
    %dma_start3A_849 = tpu.memref_squeeze %dma_start3A_848 : memref<1x64x128xf32, #tpu.memory_space<hbm>> -> memref<64x128xf32, #tpu.memory_space<hbm>>
    %dma_start3A_850 = arith.constant 0 : i32
    %dma_start3A_851 = tpu.memref_slice %arg5[%arg0, %add3A_846, %dma_start3A_850] : memref<2x10240x128xf32, #tpu.memory_space<hbm>> -> memref<1x64x128xf32, #tpu.memory_space<hbm>>
    %dma_start3A_852 = tpu.memref_squeeze %dma_start3A_851 : memref<1x64x128xf32, #tpu.memory_space<hbm>> -> memref<64x128xf32, #tpu.memory_space<hbm>>
    tpu.enqueue_dma source(%arg15 : memref<64x128xf32, #tpu.memory_space<vmem>>) target(%dma_start3A_852 : memref<64x128xf32, #tpu.memory_space<hbm>>) target_semaphore(%arg25 : memref<!tpu.dma_semaphore, #tpu.memory_space<semaphore_mem>>)
    %add3A_853 = arith.constant 448 : i32
    %add3A_854 = arith.addi %mul3A_58, %add3A_853 : i32
    %dma_wait3A_855 = arith.constant 0 : i32
    %dma_wait3A_856 = tpu.memref_slice %arg5[%arg0, %add3A_854, %dma_wait3A_855] : memref<2x10240x128xf32, #tpu.memory_space<hbm>> -> memref<1x64x128xf32, #tpu.memory_space<hbm>>
    %dma_wait3A_857 = tpu.memref_squeeze %dma_wait3A_856 : memref<1x64x128xf32, #tpu.memory_space<hbm>> -> memref<64x128xf32, #tpu.memory_space<hbm>>
    %dma_wait3A_858 = arith.constant 0 : i32
    %dma_wait3A_859 = tpu.memref_slice %arg5[%arg0, %add3A_854, %dma_wait3A_858] : memref<2x10240x128xf32, #tpu.memory_space<hbm>> -> memref<1x64x128xf32, #tpu.memory_space<hbm>>
    %dma_wait3A_860 = tpu.memref_squeeze %dma_wait3A_859 : memref<1x64x128xf32, #tpu.memory_space<hbm>> -> memref<64x128xf32, #tpu.memory_space<hbm>>
    tpu.wait_dma2 semaphore(%arg25 : memref<!tpu.dma_semaphore, #tpu.memory_space<semaphore_mem>>) src(%arg15 : memref<64x128xf32, #tpu.memory_space<vmem>>) dst(%dma_wait3A_860 : memref<64x128xf32, #tpu.memory_space<hbm>>)
    %add3A_861 = arith.constant 576 : i32
    %add3A_862 = arith.addi %mul3A_58, %add3A_861 : i32
    %dma_start3A_863 = arith.constant 0 : i32
    %dma_start3A_864 = tpu.memref_slice %arg20[%add3A_862, %dma_start3A_863] : memref<10240x128xf32, #tpu.memory_space<vmem_shared>> -> memref<64x128xf32, #tpu.memory_space<vmem_shared>>
    %dma_start3A_865 = arith.constant 0 : i32
    %dma_start3A_866 = tpu.memref_slice %arg20[%add3A_862, %dma_start3A_865] : memref<10240x128xf32, #tpu.memory_space<vmem_shared>> -> memref<64x128xf32, #tpu.memory_space<vmem_shared>>
    tpu.enqueue_dma source(%dma_start3A_866 : memref<64x128xf32, #tpu.memory_space<vmem_shared>>) target(%arg15 : memref<64x128xf32, #tpu.memory_space<vmem>>) target_semaphore(%arg22 : memref<!tpu.dma_semaphore, #tpu.memory_space<semaphore_mem>>)
    %add3A_867 = arith.constant 512 : i32
    %add3A_868 = arith.addi %mul3A_58, %add3A_867 : i32
    %dma_wait3A_869 = arith.constant 0 : i32
    %dma_wait3A_870 = tpu.memref_slice %arg20[%add3A_868, %dma_wait3A_869] : memref<10240x128xf32, #tpu.memory_space<vmem_shared>> -> memref<64x128xf32, #tpu.memory_space<vmem_shared>>
    %dma_wait3A_871 = arith.constant 0 : i32
    %dma_wait3A_872 = tpu.memref_slice %arg20[%add3A_868, %dma_wait3A_871] : memref<10240x128xf32, #tpu.memory_space<vmem_shared>> -> memref<64x128xf32, #tpu.memory_space<vmem_shared>>
    tpu.wait_dma2 semaphore(%arg21 : memref<!tpu.dma_semaphore, #tpu.memory_space<semaphore_mem>>) src(%dma_wait3A_872 : memref<64x128xf32, #tpu.memory_space<vmem_shared>>) dst(%arg14 : memref<64x128xf32, #tpu.memory_space<vmem>>)
    %add3A_873 = arith.constant 512 : i32
    %add3A_874 = arith.addi %mul3A_58, %add3A_873 : i32
    %dma_start3A_875 = arith.constant 0 : i32
    %dma_start3A_876 = tpu.memref_slice %arg5[%arg0, %add3A_874, %dma_start3A_875] : memref<2x10240x128xf32, #tpu.memory_space<hbm>> -> memref<1x64x128xf32, #tpu.memory_space<hbm>>
    %dma_start3A_877 = tpu.memref_squeeze %dma_start3A_876 : memref<1x64x128xf32, #tpu.memory_space<hbm>> -> memref<64x128xf32, #tpu.memory_space<hbm>>
    %dma_start3A_878 = arith.constant 0 : i32
    %dma_start3A_879 = tpu.memref_slice %arg5[%arg0, %add3A_874, %dma_start3A_878] : memref<2x10240x128xf32, #tpu.memory_space<hbm>> -> memref<1x64x128xf32, #tpu.memory_space<hbm>>
    %dma_start3A_880 = tpu.memref_squeeze %dma_start3A_879 : memref<1x64x128xf32, #tpu.memory_space<hbm>> -> memref<64x128xf32, #tpu.memory_space<hbm>>
    tpu.enqueue_dma source(%arg14 : memref<64x128xf32, #tpu.memory_space<vmem>>) target(%dma_start3A_880 : memref<64x128xf32, #tpu.memory_space<hbm>>) target_semaphore(%arg24 : memref<!tpu.dma_semaphore, #tpu.memory_space<semaphore_mem>>)
    %add3A_881 = arith.constant 512 : i32
    %add3A_882 = arith.addi %mul3A_58, %add3A_881 : i32
    %dma_wait3A_883 = arith.constant 0 : i32
    %dma_wait3A_884 = tpu.memref_slice %arg5[%arg0, %add3A_882, %dma_wait3A_883] : memref<2x10240x128xf32, #tpu.memory_space<hbm>> -> memref<1x64x128xf32, #tpu.memory_space<hbm>>
    %dma_wait3A_885 = tpu.memref_squeeze %dma_wait3A_884 : memref<1x64x128xf32, #tpu.memory_space<hbm>> -> memref<64x128xf32, #tpu.memory_space<hbm>>
    %dma_wait3A_886 = arith.constant 0 : i32
    %dma_wait3A_887 = tpu.memref_slice %arg5[%arg0, %add3A_882, %dma_wait3A_886] : memref<2x10240x128xf32, #tpu.memory_space<hbm>> -> memref<1x64x128xf32, #tpu.memory_space<hbm>>
    %dma_wait3A_888 = tpu.memref_squeeze %dma_wait3A_887 : memref<1x64x128xf32, #tpu.memory_space<hbm>> -> memref<64x128xf32, #tpu.memory_space<hbm>>
    tpu.wait_dma2 semaphore(%arg24 : memref<!tpu.dma_semaphore, #tpu.memory_space<semaphore_mem>>) src(%arg14 : memref<64x128xf32, #tpu.memory_space<vmem>>) dst(%dma_wait3A_888 : memref<64x128xf32, #tpu.memory_space<hbm>>)
    %add3A_889 = arith.constant 576 : i32
    %add3A_890 = arith.addi %mul3A_58, %add3A_889 : i32
    %dma_wait3A_891 = arith.constant 0 : i32
    %dma_wait3A_892 = tpu.memref_slice %arg20[%add3A_890, %dma_wait3A_891] : memref<10240x128xf32, #tpu.memory_space<vmem_shared>> -> memref<64x128xf32, #tpu.memory_space<vmem_shared>>
    %dma_wait3A_893 = arith.constant 0 : i32
    %dma_wait3A_894 = tpu.memref_slice %arg20[%add3A_890, %dma_wait3A_893] : memref<10240x128xf32, #tpu.memory_space<vmem_shared>> -> memref<64x128xf32, #tpu.memory_space<vmem_shared>>
    tpu.wait_dma2 semaphore(%arg22 : memref<!tpu.dma_semaphore, #tpu.memory_space<semaphore_mem>>) src(%dma_wait3A_894 : memref<64x128xf32, #tpu.memory_space<vmem_shared>>) dst(%arg15 : memref<64x128xf32, #tpu.memory_space<vmem>>)
    %add3A_895 = arith.constant 576 : i32
    %add3A_896 = arith.addi %mul3A_58, %add3A_895 : i32
    %dma_start3A_897 = arith.constant 0 : i32
    %dma_start3A_898 = tpu.memref_slice %arg5[%arg0, %add3A_896, %dma_start3A_897] : memref<2x10240x128xf32, #tpu.memory_space<hbm>> -> memref<1x64x128xf32, #tpu.memory_space<hbm>>
    %dma_start3A_899 = tpu.memref_squeeze %dma_start3A_898 : memref<1x64x128xf32, #tpu.memory_space<hbm>> -> memref<64x128xf32, #tpu.memory_space<hbm>>
    %dma_start3A_900 = arith.constant 0 : i32
    %dma_start3A_901 = tpu.memref_slice %arg5[%arg0, %add3A_896, %dma_start3A_900] : memref<2x10240x128xf32, #tpu.memory_space<hbm>> -> memref<1x64x128xf32, #tpu.memory_space<hbm>>
    %dma_start3A_902 = tpu.memref_squeeze %dma_start3A_901 : memref<1x64x128xf32, #tpu.memory_space<hbm>> -> memref<64x128xf32, #tpu.memory_space<hbm>>
    tpu.enqueue_dma source(%arg15 : memref<64x128xf32, #tpu.memory_space<vmem>>) target(%dma_start3A_902 : memref<64x128xf32, #tpu.memory_space<hbm>>) target_semaphore(%arg25 : memref<!tpu.dma_semaphore, #tpu.memory_space<semaphore_mem>>)
    %add3A_903 = arith.constant 576 : i32
    %add3A_904 = arith.addi %mul3A_58, %add3A_903 : i32
    %dma_wait3A_905 = arith.constant 0 : i32
    %dma_wait3A_906 = tpu.memref_slice %arg5[%arg0, %add3A_904, %dma_wait3A_905] : memref<2x10240x128xf32, #tpu.memory_space<hbm>> -> memref<1x64x128xf32, #tpu.memory_space<hbm>>
    %dma_wait3A_907 = tpu.memref_squeeze %dma_wait3A_906 : memref<1x64x128xf32, #tpu.memory_space<hbm>> -> memref<64x128xf32, #tpu.memory_space<hbm>>
    %dma_wait3A_908 = arith.constant 0 : i32
    %dma_wait3A_909 = tpu.memref_slice %arg5[%arg0, %add3A_904, %dma_wait3A_908] : memref<2x10240x128xf32, #tpu.memory_space<hbm>> -> memref<1x64x128xf32, #tpu.memory_space<hbm>>
    %dma_wait3A_910 = tpu.memref_squeeze %dma_wait3A_909 : memref<1x64x128xf32, #tpu.memory_space<hbm>> -> memref<64x128xf32, #tpu.memory_space<hbm>>
    tpu.wait_dma2 semaphore(%arg25 : memref<!tpu.dma_semaphore, #tpu.memory_space<semaphore_mem>>) src(%arg15 : memref<64x128xf32, #tpu.memory_space<vmem>>) dst(%dma_wait3A_910 : memref<64x128xf32, #tpu.memory_space<hbm>>)
    return
  }
}

module attributes {stable_mosaic.version = 14 : i64} {
  func.func @_merge_body(%arg0: i32, %arg1: memref<2x2000x128xf32, #tpu.memory_space<vmem>>, %arg2: memref<1x128xf32, #tpu.memory_space<vmem>>, %arg3: memref<2000x128xf32, #tpu.memory_space<vmem>>) attributes {dimension_semantics = [#tpu.dimension_semantics<arbitrary>], iteration_bounds = array<i64: 5>, scalar_prefetch = 0 : i64, scratch_operands = 0 : i64, tpu.core_type = #tpu.core_type<tc>, window_params = [{transform_indices = @transform_0, window_bounds = array<i64: 2, 2000, 128>}, {pipeline_mode = #tpu.pipeline_mode<synchronous>, transform_indices = @transform_1, window_bounds = array<i64: 1, 128>}, {transform_indices = @transform_2, window_bounds = array<i64: 2000, 128>}]} {
    %get3A = arith.constant 0 : index
    %get3A_0 = arith.constant 0 : index
    %get3A_1 = arith.constant 0 : index
    %get3A_2 = vector.load %arg1[%get3A, %get3A_0, %get3A_1] : memref<2x2000x128xf32, #tpu.memory_space<vmem>>, vector<1x2000x128xf32>
    %get3A_3 = vector.shape_cast %get3A_2 : vector<1x2000x128xf32> to vector<2000x128xf32>
    %get3A_4 = arith.constant 1 : index
    %get3A_5 = arith.constant 0 : index
    %get3A_6 = arith.constant 0 : index
    %get3A_7 = vector.load %arg1[%get3A_4, %get3A_5, %get3A_6] : memref<2x2000x128xf32, #tpu.memory_space<vmem>>, vector<1x2000x128xf32>
    %get3A_8 = vector.shape_cast %get3A_7 : vector<1x2000x128xf32> to vector<2000x128xf32>
    %add3A = arith.addf %get3A_3, %get3A_8 : vector<2000x128xf32>
    %get3A_9 = arith.constant 0 : index
    %get3A_10 = arith.constant 0 : index
    %get3A_11 = vector.load %arg2[%get3A_9, %get3A_10] : memref<1x128xf32, #tpu.memory_space<vmem>>, vector<1x128xf32>
    %add3A_12 = vector.broadcast %get3A_11 : vector<1x128xf32> to vector<2000x128xf32>
    %add3A_13 = arith.addf %add3A, %add3A_12 : vector<2000x128xf32>
    %swap3A = arith.constant 0 : index
    %swap3A_14 = arith.constant 0 : index
    %swap3A_15 = vector.load %arg3[%swap3A, %swap3A_14] : memref<2000x128xf32, #tpu.memory_space<vmem>>, vector<2000x128xf32>
    tpu.vector_store %arg3[%swap3A, %swap3A_14], %add3A_13 {strides = array<i32>} : memref<2000x128xf32, #tpu.memory_space<vmem>>, vector<2000x128xf32>,
    return
  }
  func.func @transform_0(%arg0: i32) -> (i32, i32, i32) {
    %c0_i32 = arith.constant 0 : i32
    %c0_i32_0 = arith.constant 0 : i32
    %c0_i32_1 = arith.constant 0 : i32
    return %c0_i32, %arg0, %c0_i32_0 : i32, i32, i32
  }
  func.func @transform_1(%arg0: i32) -> (i32, i32) {
    %c0_i32 = arith.constant 0 : i32
    %c0_i32_0 = arith.constant 0 : i32
    %c0_i32_1 = arith.constant 0 : i32
    return %c0_i32, %c0_i32_0 : i32, i32
  }
  func.func @transform_2(%arg0: i32) -> (i32, i32) {
    %c0_i32 = arith.constant 0 : i32
    %c0_i32_0 = arith.constant 0 : i32
    return %arg0, %c0_i32 : i32, i32
  }
}

</mosaic_0001>

<sc_bundles>
// kernel: _impl.4.cloned.1.call-start
scs
__scs_entry_jumppad:
0x0: {  	(pc) =	sbr.rel $0x88, $3  }
0x1: {  	(tag) =	ssettag $0x0;
	lr =	simm.s32 $0x1  }
0x2: {  	[smem:$0x3F9E] =	sst lr;
	_ =	strace $0xD0000000  }
0x3: {  	_ = 	snop  }
0x4: {  	_ = 	snop  }
0x5: {  	_ = 	snop  }
0x6: {  	_ = 	snop  }
0x7: {  	_ = 	snop  }
__scs_overlays_trampoline_lowered:
0x8: {  	[smem:$0x3FAD] =	sst s0  }
0x9: {  	[smem:$0x3FAE] =	sst s1  }
0xa: {  	[smem:$0x3FAF] =	sst s2  }
0xb: {  	[smem:$0x3FB0] =	sst s3  }
0xc: {  	[smem:$0x3FB1] =	sst s4  }
0xd: {  	[smem:$0x3FB2] =	sst s5  }
0xe: {  	[smem:$0x3FB3] =	sst s6  }
0xf: {  	[smem:$0x3FB4] =	sst s7  }
0x10: {  	[smem:$0x3FB5] =	sst s8  }
0x11: {  	[smem:$0x3FB6] =	sst s9;
	s0 =	simm.s32 @!p0 $0x0  }
0x12: {  	s1 =	sld [smem:$0x3F9C];
	s0 =	simm.s32 @p0 $0x1  }
0x13: {  	[smem:$0x3FB7] =	sst s0;
	s0 =	simm.s32 @!p1 $0x0  }
0x14: {  	s2 =	sld [smem:$0x3F9B];
	s0 =	simm.s32 @p1 $0x1  }
0x15: {  	[smem:$0x3FB8] =	sst s0;
	s0 =	simm.s32 @!p2 $0x0  }
0x16: {  	s3 =	sld [smem:$0x3FDB];
	s0 =	simm.s32 @p2 $0x1  }
0x17: {  	s4 =	simm.s32 $0x1BF5;
	[smem:$0x3FBA] =	sst s0  }
0x18: {  	s0 =	sld [smem:$0x3F9D];
	_ =	swait.ge [sflag:s4], $0x0  }
0x19: {  	s7 =	sld [smem:$0x3F9E]  }
0x1a: {  	s8 =	sadd.s32 $0xFFFFE003, lr  }
0x1b: {  	s9 =	sadd.s32 $0xFFFFFEF7, lr;
	s5 =	simm.s32 $0xFFFFFFFF;
	p2 =	slt.u32 s8, $0xFFFFF086  }
0x1c: {  	p1 =	slt.u32 s9, $0xF7A;
	s5 =	simm.s32 @!p2 $0x0  }
0x1d: {  	s5 =	simm.s32 @p1 $0x1;
	p0 =	seq.s32 s7, s2  }
0x1e: {  	s7 =	smul.u32 @!p0 $0xF7A, s2;
	p2 =	seq.s32 @!p0 s5, $0x0  }
0x1f: {  	s9 =	smul.u32 $0xF7A, s1;
	s8 =	simm.s32 @!p0 $0x1BF5;
	p2 =	por !p2, p0  }
0x20: {  	[sflag:s8] =	ssyncset.s32 @!p0 $0xFFFFF086;
	s6 =	sadd.s32 @!p0 s3, s7;
	s7 =	simm.s32 @!p0 $0x108  }
0x21: {  	s3 =	sadd.s32 s3, s9;
	s6 =	sadd.s32 @!p0 $0x88, s6;
	s7 =	simm.s32 @p2 $0x1082  }
0x22: {  	[simem:s7], [sflag:s8] =	dma.local @!p0 [hbm:s6], $0xF7A  }
0x23: {  	s9 =	sor.u32 $0xD0000000, s2;
	s6 =	simm.s32 $0x108;
	_ =	swait.ge @!p0 [sflag:s8], $0x0  }
0x24: {  	s3 =	sadd.s32 $0x88, s3;
	s6 =	simm.s32 @!p1 $0x1082;
	[sflag:s4] =	ssyncset.s32 $0xFFFFF086  }
0x25: {  	[simem:s6], [sflag:s4] =	dma.local [hbm:s3], $0xF7A  }
0x26: {  	[smem:$0x3F9E] =	sst s1;
	(tag) =	ssettag s2;
	_ =	strace s9  }
0x27: {  	s1 =	sld [smem:$0x3FAE]  }
0x28: {  	s2 =	sld [smem:$0x3FAF]  }
0x29: {  	s4 =	sld [smem:$0x3FB1]  }
0x2a: {  	p0 =	seq.s32 s5, $0x0;
	s5 =	sld [smem:$0x3FB2]  }
0x2b: {  	s6 =	sld [smem:$0x3FB3]  }
0x2c: {  	s7 =	sld [smem:$0x3FB4]  }
0x2d: {  	s3 =	simm.s32 $0x108;
	s8 =	sld [smem:$0x3FB5]  }
0x2e: {  	s3 =	simm.s32 @!p0 $0x1082;
	s9 =	sld [smem:$0x3FB6]  }
0x2f: {  	lr =	sadd.s32 s0, s3;
	s0 =	sld [smem:$0x3FAD]  }
0x30: {  	s3 =	sld [smem:$0x3FB0]  }
0x31: {  	[smem:$0x3FB9] =	sst s10  }
0x32: {  	s10 =	sld [smem:$0x3FB7];
	_ =	sdelay $0x3  }
0x33: {  	p0 =	seq.s32 s10, $0x1;
	s10 =	sld [smem:$0x3FB9];
	_ =	sdelay $0x3  }
0x34: {  	[smem:$0x3FB9] =	sst s10  }
0x35: {  	s10 =	sld [smem:$0x3FB8];
	_ =	sdelay $0x3  }
0x36: {  	p1 =	seq.s32 s10, $0x1;
	s10 =	sld [smem:$0x3FB9];
	_ =	sdelay $0x3  }
0x37: {  	[smem:$0x3FB9] =	sst s10  }
0x38: {  	s10 =	sld [smem:$0x3FBA]  }
0x39: {  	_ = 	snop;
	(pc) =	sbr.ind lr, $3  }
0x3a: {  	_ = 	snop  }
0x3b: {  	_ = 	snop  }
0x3c: {  	p2 =	seq.s32 s10, $0x1;
	s10 =	sld [smem:$0x3FB9]  }
0x3d: {  	_ =	shalt  }
0x3e: {  	_ =	shalt  }
0x3f: {  	_ =	shalt  }
0x40: {  	_ =	shalt  }
0x41: {  	_ =	shalt  }
0x42: {  	_ =	shalt  }
0x43: {  	_ =	shalt  }
0x44: {  	_ =	shalt  }
0x45: {  	_ =	shalt  }
0x46: {  	_ =	shalt  }
0x47: {  	_ =	shalt  }
0x48: {  	_ =	shalt  }
0x49: {  	_ =	shalt  }
0x4a: {  	_ =	shalt  }
0x4b: {  	_ =	shalt  }
0x4c: {  	_ =	shalt  }
0x4d: {  	_ =	shalt  }
0x4e: {  	_ =	shalt  }
0x4f: {  	_ =	shalt  }
0x50: {  	_ =	shalt  }
0x51: {  	_ =	shalt  }
0x52: {  	_ =	shalt  }
0x53: {  	_ =	shalt  }
0x54: {  	_ =	shalt  }
0x55: {  	_ =	shalt  }
0x56: {  	_ =	shalt  }
0x57: {  	_ =	shalt  }
0x58: {  	_ =	shalt  }
0x59: {  	_ =	shalt  }
0x5a: {  	_ =	shalt  }
0x5b: {  	_ =	shalt  }
0x5c: {  	_ =	shalt  }
0x5d: {  	_ =	shalt  }
0x5e: {  	_ =	shalt  }
0x5f: {  	_ =	shalt  }
0x60: {  	_ =	shalt  }
0x61: {  	_ =	shalt  }
0x62: {  	_ =	shalt  }
0x63: {  	_ =	shalt  }
0x64: {  	_ =	shalt  }
0x65: {  	_ =	shalt  }
0x66: {  	_ =	shalt  }
0x67: {  	_ =	shalt  }
0x68: {  	_ =	shalt  }
0x69: {  	_ =	shalt  }
0x6a: {  	_ =	shalt  }
0x6b: {  	_ =	shalt  }
0x6c: {  	_ =	shalt  }
0x6d: {  	_ =	shalt  }
0x6e: {  	_ =	shalt  }
0x6f: {  	_ =	shalt  }
0x70: {  	_ =	shalt  }
0x71: {  	_ =	shalt  }
0x72: {  	_ =	shalt  }
0x73: {  	_ =	shalt  }
0x74: {  	_ =	shalt  }
0x75: {  	_ =	shalt  }
0x76: {  	_ =	shalt  }
0x77: {  	_ =	shalt  }
0x78: {  	_ =	shalt  }
0x79: {  	_ =	shalt  }
0x7a: {  	_ =	shalt  }
0x7b: {  	_ =	shalt  }
0x7c: {  	_ =	shalt  }
0x7d: {  	_ =	shalt  }
0x7e: {  	_ =	shalt  }
0x7f: {  	_ =	shalt  }
0x80: {  	_ =	shalt  }
0x81: {  	_ =	shalt  }
0x82: {  	_ =	shalt  }
0x83: {  	_ =	shalt  }
0x84: {  	_ =	shalt  }
0x85: {  	_ =	shalt  }
0x86: {  	_ =	shalt  }
0x87: {  	_ =	shalt  }
.Lfunc_end0:
.L_simem_size_0:
called_computation_lowered:
.L_overlay_start_0:
0x88: {  	s2 =	sld [smem:$0x3FD9]  }
0x89: {  	s3 =	sld [smem:$0x3FFE];
	_ =	sdelay $0x1  }
0x8a: {  	s1 =	srdreg.scid  }
0x8b: {  	s0 =	sand.u32 $0x1, s1  }
0x8c: {  	s17 =	sshll.u32 s0, $0xA;
	s2 =	sadd.s32 s3, s2  }
0x8d: {  	s2 =	sadd.s32 s2, s17  }
0x8e: {  	[smem:$0x3FC5] =	sst s2  }
0x8f: {  	_ = 	snop  }
0x90: {  	s2 =	sld [smem:$0x3FD0];
	(tm) =	ssettm $0x1  }
0x91: {  	s18 =	sld [smem:$0x3FFB];
	_ =	sdelay $0x3  }
0x92: {  	_ =	strace s18  }
0x93: {  	s3 =	sld [smem:$0x3FFC];
	_ =	sdelay $0x3  }
0x94: {  	_ =	strace s3  }
0x95: {  	s3 =	sld [smem:$0x3FFD];
	_ =	sdelay $0x3  }
0x96: {  	_ =	strace s3  }
0x97: {  	_ =	strace $0x8FFFFFFF  }
0x98: {  	s19 =	sld [smem:$0x3FDB];
	_ =	sdelay $0x1  }
0x99: {  	s4 =	simm.s32 $_scs_section_size  }
0x9a: {  	s5 =	simm.s32 $_size__tile_overlayer_lowered;
	s6 =	simm.s32 $_tile_overlayer_lowered  }
0x9b: {  	s22 =	simm.s32 $0x1BFF;
	s21 =	sshll.u32 s6, $0x1;
	s3 =	sadd.s32 s4, s19  }
0x9c: {  	s7 =	simm.s32 $0x0;
	s20 =	sshll.u32 s5, $0x1;
	s5 =	sadd.s32 s21, s3  }
0x9d: {  	[timem:s7], [sflag:s22] =	dma.local [hbm:s5], s20  }
0x9e: {  	_ =	swait.ge [sflag:s22], s20  }
0x9f: {  	s4 =	ssub.s32 $0x0, s20;
	[sflag:s22] =	ssyncset.done $0x0  }
0xa0: {  	[sflag:s22] =	ssyncadd.s32 s4;
	_ =	sdelay $0x1  }
0xa1: {  	s23 =	simm.s32 $0x1B8B  }
0xa2: {  	_ =	swait.ge [sflag:s23], $0x1  }
0xa3: {  	[sflag:s23] =	ssyncset.done $0x0  }
0xa4: {  	s25 =	simm.s32 $0x1B8E;
	s24 =	sld [smem:$0x3FFE];
	[sflag:s23] =	ssyncadd.s32 $0xFFFFFFFF  }
0xa5: {  	s26 =	simm.s32 $execute0_lowered;
	[smem:$0x3FD2] =	sst s25  }
0xa6: {  	s5 =	sshll.u32 s26, $0x1;
	_ =	strace $0x80000046;
	[dreg:$0x1] =	wrdreg $0xFFFFFFFF  }
0xa7: {  	s28 =	simm.s32 $_size_execute0_lowered;
	s3 =	sadd.s32 s3, s5;
	[dreg:$0x0] =	wrdreg $0x0  }
0xa8: {  	s5 =	sshll.u32 s28, $0x1;
	[dreg:$0x2] =	wrdreg s3  }
0xa9: {  	[dreg:$0x3] =	wrdreg s5  }
0xaa: {  	[dreg:$0x4] =	wrdreg $0xC0  }
0xab: {  	_ =	task [dreg:s7], $0x5FFFF  }
0xac: {  	[dreg:$0x1] =	wrdreg $0xFFFFFFFF  }
0xad: {  	[dreg:$0x0] =	wrdreg $0x60  }
0xae: {  	[dreg:$0x2] =	wrdreg s2  }
0xaf: {  	[dreg:$0x3] =	wrdreg s24  }
0xb0: {  	[dreg:$0x4] =	wrdreg $0xBB800  }
0xb1: {  	[dreg:$0x5] =	wrdreg $0xBB900  }
0xb2: {  	[dreg:$0x6] =	wrdreg $0x9  }
0xb3: {  	_ =	task.clear_ibuf [dreg:s7], $0x7FFFF;
	_ =	strace $0x90000046  }
0xb4: {  	s29 =	simm.s32 $0x9;
	_ =	strace $0x80000048  }
0xb5: {  	_ =	swait.ge [sflag:s29], $0x1  }
0xb6: {  	[sflag:s29] =	ssyncadd.s32 $0xFFFFFFFF  }
0xb7: {  	_ =	strace $0x90000048  }
0xb8: {  	_ =	sfence  }
0xb9: {  	s30 =	sld [smem:$0x0];
	_ =	sdelay $0x2  }
0xba: {  	s31 =	sshll.u32 s1, $0xD;
	s1 =	sshrl.u32 s1, $0x2  }
0xbb: {  	s3 =	sand.u32 $0x4000, s31;
	s1 =	sadd.s32 s1, s30  }
0xbc: {  	s0 =	sor.u32 s3, s0;
	s1 =	sshll.u32 s1, $0x11  }
0xbd: {  	s0 =	sor.u32 s1, s0  }
0xbe: {  	s0 =	sadd.s32 $0x8F2B, s0  }
0xbf: {  	[sflag:s0] =	ssyncadd.remote.s32 $0x1  }
0xc0: {  	_ =	sfence.sel $0xFFFF  }
0xc1: {  	[dreg:$0x0] =	wrdreg $0xFFFFFFFF;
	(pc) =	sbr.abs _section_cstart, $3  }
0xc2: {  	[dreg:$0x1] =	wrdreg $0xFFFFFFFF  }
0xc3: {  	_ =	task.clear_ibuf [dreg:s7], $0x2FFFF;
	_ =	strace $0x9FFFFFFF  }
0xc4: {  	(tm) =	ssettm $0x7FFFFFFF  }
0xc5: {  	_ =	shalt  }
tec
execute0_lowered:
.L_overlay_start_1:
0x0: {  	(tag) =	ssettag $0x1  }
0x1: {  	s2 =	rddreg [dreg:$0x1];
	s1 =	simm.s32 $0x0  }
0x2: {  	s0 =	srdreg.scid;
	s19 =	stileid.u32;
	s31 =	simm.s32 $0x0  }
0x3: {  	[smem:$0x7FF] =	sst s1;
	s3 =	sand.u32 $0x1, s0;
	s7 =	smul.u32 $0x14000, s19  }
0x4: {  	s8 =	sadd.s32 $0x32800, s2;
	s4 =	sshll.u32 s3, $0x4;
	s0 =	ssub.s32 $0x2, s3  }
0x5: {  	s3 =	smul.u32 $0x140000, s3;
	s5 =	sshrl.u32 s0, $0x1;
	s6 =	ssub.s32 s19, s4  }
0x6: {  	s9 =	sadd.s32 $0x4000, s7;
	s10 =	sadd.s32 $0x6000, s7;
	s11 =	sadd.s32 $0x8000, s7  }
0x7: {  	s12 =	sadd.s32 $0xA000, s7;
	s13 =	sadd.s32 $0xC000, s7;
	s15 =	sadd.s32 $0xE000, s7  }
0x8: {  	s16 =	sadd.s32 $0x10000, s7;
	s0 =	ssub.s32 s0, s5;
	s5 =	smul.u32 $0x2800, s6  }
0x9: {  	s6 =	sor.u32 $0x2000, s7;
	s14 =	sadd.s32 s7, s3;
	s7 =	sadd.s32 $0x12000, s7  }
0xa: {  	s23 =	sadd.s32 s3, s9;
	s24 =	sadd.s32 s3, s10;
	s18 =	sadd.s32 s3, s11  }
0xb: {  	s28 =	sadd.s32 s3, s12;
	s29 =	sadd.s32 s3, s13;
	s30 =	sadd.s32 s3, s15  }
0xc: {  	s14 =	sshrl.u32 s14, $0x3;
	s17 =	sadd.s32 s3, s6;
	s26 =	sshrl.u32 s18, $0x3  }
0xd: {  	s21 =	sshrl.u32 s30, $0x3;
	s30 =	sshll.u32 s19, $0x7;
	s14 =	sadd.s32 s8, s14  }
0xe: {  	s22 =	sshrl.u32 s17, $0x3;
	s17 =	sshrl.u32 s24, $0x3;
	s24 =	rddreg [dreg:$0x2]  }
0xf: {  	s0 =	smax.u32 s0, $0x1;
	[dreg:$0x5] =	wrdreg s14;
	s14 =	sadd.s32 s8, s22  }
0x10: {  	s25 =	sadd.s32 s8, s17;
	s17 =	sshrl.u32 s29, $0x3;
	[dreg:$0x6] =	wrdreg s14  }
0x11: {  	s22 =	sadd.s32 s3, s16;
	s3 =	sadd.s32 s3, s7;
	[dreg:$0x8] =	wrdreg s25  }
0x12: {  	s14 =	sshrl.u32 s23, $0x3;
	s20 =	sadd.s32 s8, s17;
	s23 =	rddreg [dreg:$0x0]  }
0x13: {  	s18 =	sadd.s32 s30, s24;
	s14 =	sadd.s32 s8, s14;
	[dreg:$0xb] =	wrdreg s20  }
0x14: {  	s3 =	sshrl.u32 s3, $0x3;
	[dreg:$0x7] =	wrdreg s14;
	s14 =	sadd.s32 s8, s26  }
0x15: {  	s3 =	sadd.s32 s8, s3;
	[dreg:$0x9] =	wrdreg s14;
	s14 =	sshrl.u32 s28, $0x3  }
0x16: {  	s25 =	sor.u32 s19, s4;
	[dreg:$0xe] =	wrdreg s3;
	s14 =	sadd.s32 s8, s14  }
0x17: {  	s17 =	sadd.s32 $0xA800, s2;
	[dreg:$0xa] =	wrdreg s14;
	s14 =	sadd.s32 s8, s21  }
0x18: {  	s26 =	sadd.s32 $0x28000, s5;
	[dreg:$0xc] =	wrdreg s14;
	s14 =	sshrl.u32 s22, $0x3  }
0x19: {  	s3 =	smul.u32 $0x500, s25;
	s5 =	simm.s32 $0x4;
	s14 =	sadd.s32 s8, s14  }
0x1a: {  	s4 =	sshrl.u32 s26, $0x3;
	s28 =	smul.u32 $0x50000, s19;
	[dreg:$0xd] =	wrdreg s14  }
0x1b: {  	s4 =	sadd.s32 s23, s4;
	s29 =	sadd.s32 s23, s3;
	s14 =	rddreg [dreg:$0x3]  }
0x1c: {  	s3 =	sadd.s32 s3, s2;
	_ =	strace $0x80000047;
	[dreg:$0xf] =	wrdreg s4  }
0x1d: {  	s2 =	simm.s32 $0x5080;
	s19 =	sshrl.u32 s28, $0x2;
	[dreg:$0x10] =	wrdreg s29  }
0x1e: {  	s3 =	sadd.s32 $0x800, s3;
	s8 =	simm.s32 $0x7300;
	[dreg:$0x11] =	wrdreg s18  }
0x1f: {  	[dreg:$0x12] =	wrdreg s3;
	s22 =	sadd.s32 s19, s14;
	s23 =	sadd.s32 s6, s14  }
0x20: {  	s24 =	sadd.s32 s9, s14;
	s25 =	sadd.s32 s10, s14;
	s20 =	sadd.s32 s11, s14  }
0x21: {  	s21 =	sadd.s32 s12, s14;
	s26 =	sadd.s32 s13, s14;
	s28 =	sadd.s32 s15, s14  }
0x22: {  	s29 =	sadd.s32 s16, s14;
	s30 =	sadd.s32 s7, s14;
	[dreg:$0x19] =	wrdreg s0  }
0x23: {  	s12 =	simm.s32 $0x7;
	s13 =	simm.s32 $0x40;
	s3 =	simm.s32 $0x5300  }
0x24: {  	s4 =	simm.s32 $0x1;
	s6 =	simm.s32 $0x2;
	[dreg:$0x13] =	wrdreg s20  }
0x25: {  	s7 =	simm.s32 $0x5180;
	s9 =	simm.s32 $0x5280;
	[dreg:$0x14] =	wrdreg s21  }
0x26: {  	s10 =	simm.s32 $0x9300;
	s11 =	simm.s32 $0x5000;
	[dreg:$0x15] =	wrdreg s26  }
0x27: {  	v3 =	vlaneseq.u32;
	s15 =	simm.s32 $0x5100;
	s16 =	simm.s32 $0x5;
	[dreg:$0x16] =	wrdreg s28  }
0x28: {  	v0 =	vor.u32 $0x2710, v3;
	s18 =	simm.s32 $0x3;
	s0 =	simm.s32 $0x5200;
	[dreg:$0x17] =	wrdreg s29  }
0x29: {  	v1 =	vor.u32 $0x2720, v3;
	v2 =	vor.u32 $0x2730, v3;
	v3 =	vor.u32 $0x2740, v3;
	s19 =	simm.s32 $0x6;
	[dreg:$0x18] =	wrdreg s30;
	s26 =	simm.s32 $0x2800  }
.LBB2_1:
0x2a: {  	s20 =	rddreg [dreg:$0x10]  }
0x2b: {  	[tilespmem:s1], [sflag:$0x7] =	stream.linear.gather [hbm4b:s20+s1], $0x2800, $0x38;
	[tilespmem:$0x1FB90] =	vst v63  }
0x2c: {  	_ =	swait.ge [sflag:s12], $0x2800  }
0x2d: {  	[sflag:s12] =	ssyncset.done $0x0  }
0x2e: {  	s30 =	rddreg [dreg:$0xf];
	[sflag:s12] =	ssyncadd.s32 $0xFFFFD800  }
0x2f: {  	[tilespmem:s26], [sflag:$0x7] =	stream.linear.gather [hbm4b:s30+s1], $0x2800, $0x38;
	[tilespmem:$0x1FB90] =	vst v63  }
0x30: {  	_ =	swait.ge [sflag:s12], $0x2800  }
0x31: {  	[sflag:s12] =	ssyncset.done $0x0  }
0x32: {  	s21 =	simm.s32 $0x0;
	[sflag:s12] =	ssyncadd.s32 $0xFFFFD800  }
0x33: {  	v6 =	vld [tilespmem:s21+$0x0]  }
0x34: {  	v9 =	vld [tilespmem:s21+$0x2800]  }
0x35: {  	v7 =	vld [tilespmem:s21+$0x10]  }
0x36: {  	v10 =	vld [tilespmem:s21+$0x2810]  }
0x37: {  	v5 =	vld [tilespmem:s21+$0x20]  }
0x38: {  	v8 =	vld [tilespmem:s21+$0x2820]  }
0x39: {  	v4 =	vld [tilespmem:s21+$0x30];
	vm0 =	vlt.s32 v6, v9  }
0x3a: {  	v12 =	vimm.s32 $0x7FFFFFFF;
	s20 =	simm.s32 $0x40;
	v11 =	vsel vm0, v6, v9;
	v9 =	vld [tilespmem:s21+$0x2830]  }
0x3b: {  	vm1 =	vlt.s32 v7, v10;
	v6 =	vld [tilespmem:s20+$0x0];
	s21 =	simm.s32 $0x200;
	vm0 =	vlt.s32 v12, v11  }
.LBB2_2:
0x3c: {  	p0 =	sne.s32 s21, $0x9F00;
	v13 =	vld [tilespmem:s20+$0x2800];
	v11 =	vsel vm0, v12, v11;
	v12 =	vsel vm1, v7, v10  }
0x3d: {  	v7 =	vld [tilespmem:s20+$0x10];
	vm0 =	vlt.s32 v11, v12;
	vm1 =	vlt.s32 v5, v8  }
0x3e: {  	v10 =	vld [tilespmem:s20+$0x2810];
	v11 =	vsel vm0, v11, v12;
	v12 =	vsel vm1, v5, v8  }
.Ltmp0:
0x3f: {  	v5 =	vld [tilespmem:s20+$0x20];
	vm0 =	vlt.s32 v11, v12;
	vm1 =	vlt.s32 v4, v9;
	(pc) =	sbr.rel @p0 .LBB2_2-.Ltmp0, $4  }
0x40: {  	v8 =	vld [tilespmem:s20+$0x2820];
	v12 =	vsel vm0, v11, v12;
	v14 =	vsel vm1, v4, v9  }
0x41: {  	vm0 =	vlt.s32 v6, v13;
	v4 =	vld [tilespmem:s20+$0x30];
	vm1 =	vlt.s32 v12, v14  }
0x42: {  	v11 =	vsel vm0, v6, v13;
	v9 =	vld [tilespmem:s20+$0x2830];
	s20 =	sshra.s32 s21, $0x2;
	v12 =	vsel vm1, v12, v14  }
0x43: {  	s21 =	sadd.s32 $0x100, s21;
	v6 =	vld [tilespmem:s20+$0x0];
	vm0 =	vlt.s32 v12, v11;
	vm1 =	vlt.s32 v7, v10  }
0x44: {  	v13 =	vld [tilespmem:s20+$0x2800];
	v11 =	vsel vm0, v12, v11;
	v7 =	vsel vm1, v7, v10  }
0x45: {  	v47 =	vld [tilespmem:s20+$0x10];
	vm0 =	vlt.s32 v11, v7;
	vm9 =	vlt.s32 v5, v8  }
0x46: {  	v48 =	vld [tilespmem:s20+$0x2810];
	v7 =	vsel vm0, v11, v7;
	v5 =	vsel vm9, v5, v8  }
0x47: {  	v49 =	vld [tilespmem:s20+$0x20];
	vm0 =	vlt.s32 v7, v5;
	vm10 =	vlt.s32 v4, v9  }
0x48: {  	v50 =	vld [tilespmem:s20+$0x2820];
	v5 =	vsel vm0, v7, v5;
	v4 =	vsel vm10, v4, v9  }
0x49: {  	v51 =	vld [tilespmem:s20+$0x2830];
	vm11 =	vlt.s32 v6, v13;
	vm1 =	vlt.s32 v5, v4  }
0x4a: {  	v7 =	vld [tilespmem:s20+$0x30];
	v6 =	vsel vm11, v6, v13;
	v4 =	vsel vm1, v5, v4  }
0x4b: {  	vm12 =	vlt.s32 v47, v48;
	vm0 =	vlt.s32 v4, v6  }
0x4c: {  	v5 =	vsel vm12, v47, v48;
	v4 =	vsel vm0, v4, v6  }
0x4d: {  	vm13 =	vlt.s32 v49, v50;
	vm0 =	vlt.s32 v4, v5  }
0x4e: {  	v4 =	vsel vm0, v4, v5;
	v5 =	vsel vm13, v49, v50  }
0x4f: {  	vm14 =	vlt.s32 v7, v51;
	vm0 =	vlt.s32 v4, v5  }
0x50: {  	v4 =	vsel vm0, v4, v5;
	v5 =	vsel vm14, v7, v51  }
0x51: {  	vm0 =	vlt.s32 v4, v5  }
0x52: {  	v4 =	vsel vm0, v4, v5  }
0x53: {  	s21 =	simm.s32 $0xB300;
	s20 =	rddreg [dreg:$0x11];
	[tilespmem:$0xB300] =	vst v4  }
0x54: {  	[spmem:s20] =	stream.linear.scatter [tilespmem:s21], [sflag:$0x7], $0x80, $0x38;
	[tilespmem:$0x1FB90] =	vst v63  }
0x55: {  	_ =	swait.ge [sflag:s12], $0x80  }
0x56: {  	[sflag:s12] =	ssyncset.done $0x0  }
0x57: {  	s20 =	simm.s32 $0x0;
	s21 =	rddreg [dreg:$0x12];
	[sflag:s12] =	ssyncadd.s32 $0xFFFFFF80  }
0x58: {  	[tilespmem:s26], [sflag:$0x2] =	stream.linear.gather [hbm4b:s21+s20], $0x2800, $0x38;
	[tilespmem:$0x1FB90] =	vst v63  }
0x59: {  	[tilespmem:$0x5080] =	vst v0  }
0x5a: {  	[tilespmem:$0x5090] =	vst v1  }
0x5b: {  	[tilespmem:$0x50A0] =	vst v2  }
0x5c: {  	[tilespmem:$0x50B0] =	vst v3  }
0x5d: {  	[tilespmem:s3], [sflag:$0x1] =	stream.indirect.gather [hbm4b:s17+s13], $0x80, s2, s13, $0xb8;
	[tilespmem:$0x1FB90] =	vst v63  }
0x5e: {  	_ =	swait.ge [sflag:s4], $0x2000  }
0x5f: {  	[sflag:s4] =	ssyncset.done $0x0  }
0x60: {  	[sflag:s4] =	ssyncadd.s32 $0xFFFFE000  }
0x61: {  	[spmem:s22] =	stream.linear.scatter [tilespmem:s3], [sflag:$0x4], $0x2000, $0x38;
	[tilespmem:$0x1FB90] =	vst v63  }
0x62: {  	_ = 	snop  }
0x63: {  	[spmem:s23] =	stream.linear.scatter [tilespmem:s3], [sflag:$0x4], $0x2000, $0x38;
	[tilespmem:$0x1FB90] =	vst v63  }
0x64: {  	_ = 	snop  }
0x65: {  	[spmem:s24] =	stream.linear.scatter [tilespmem:s3], [sflag:$0x4], $0x2000, $0x38;
	[tilespmem:$0x1FB90] =	vst v63  }
0x66: {  	_ = 	snop  }
0x67: {  	[spmem:s25] =	stream.linear.scatter [tilespmem:s3], [sflag:$0x4], $0x2000, $0x38;
	[tilespmem:$0x1FB90] =	vst v63  }
0x68: {  	s26 =	smov.u32 s22;
	s22 =	rddreg [dreg:$0x13]  }
0x69: {  	[spmem:s22] =	stream.linear.scatter [tilespmem:s3], [sflag:$0x4], $0x2000, $0x38;
	[tilespmem:$0x1FB90] =	vst v63  }
0x6a: {  	s28 =	smov.u32 s23;
	s23 =	rddreg [dreg:$0x14]  }
0x6b: {  	[spmem:s23] =	stream.linear.scatter [tilespmem:s3], [sflag:$0x4], $0x2000, $0x38;
	[tilespmem:$0x1FB90] =	vst v63  }
0x6c: {  	s29 =	smov.u32 s24;
	s24 =	rddreg [dreg:$0x15]  }
0x6d: {  	[spmem:s24] =	stream.linear.scatter [tilespmem:s3], [sflag:$0x4], $0x2000, $0x38;
	[tilespmem:$0x1FB90] =	vst v63  }
0x6e: {  	s30 =	smov.u32 s25;
	s25 =	rddreg [dreg:$0x16]  }
0x6f: {  	[spmem:s25] =	stream.linear.scatter [tilespmem:s3], [sflag:$0x4], $0x2000, $0x38;
	[tilespmem:$0x1FB90] =	vst v63  }
0x70: {  	s22 =	rddreg [dreg:$0x17]  }
0x71: {  	[spmem:s22] =	stream.linear.scatter [tilespmem:s3], [sflag:$0x4], $0x2000, $0x38;
	[tilespmem:$0x1FB90] =	vst v63  }
0x72: {  	s23 =	rddreg [dreg:$0x18]  }
0x73: {  	[spmem:s23] =	stream.linear.scatter [tilespmem:s3], [sflag:$0x4], $0x2000, $0x38;
	[tilespmem:$0x1FB90] =	vst v63  }
0x74: {  	_ =	swait.ge [sflag:s5], $0x2000  }
0x75: {  	[sflag:s5] =	ssyncset.done $0x0  }
0x76: {  	[sflag:s5] =	ssyncadd.s32 $0xFFFFE000  }
0x77: {  	_ =	swait.ge [sflag:s5], $0x2000  }
0x78: {  	[sflag:s5] =	ssyncset.done $0x0  }
0x79: {  	[sflag:s5] =	ssyncadd.s32 $0xFFFFE000  }
0x7a: {  	_ =	swait.ge [sflag:s5], $0x2000  }
0x7b: {  	[sflag:s5] =	ssyncset.done $0x0  }
0x7c: {  	[sflag:s5] =	ssyncadd.s32 $0xFFFFE000  }
0x7d: {  	_ =	swait.ge [sflag:s5], $0x2000  }
0x7e: {  	[sflag:s5] =	ssyncset.done $0x0  }
0x7f: {  	[sflag:s5] =	ssyncadd.s32 $0xFFFFE000  }
0x80: {  	_ =	swait.ge [sflag:s5], $0x2000  }
0x81: {  	[sflag:s5] =	ssyncset.done $0x0  }
0x82: {  	[sflag:s5] =	ssyncadd.s32 $0xFFFFE000  }
0x83: {  	_ =	swait.ge [sflag:s5], $0x2000  }
0x84: {  	[sflag:s5] =	ssyncset.done $0x0  }
0x85: {  	[sflag:s5] =	ssyncadd.s32 $0xFFFFE000  }
0x86: {  	_ =	swait.ge [sflag:s5], $0x2000  }
0x87: {  	[sflag:s5] =	ssyncset.done $0x0  }
0x88: {  	[sflag:s5] =	ssyncadd.s32 $0xFFFFE000  }
0x89: {  	_ =	swait.ge [sflag:s5], $0x2000  }
0x8a: {  	[sflag:s5] =	ssyncset.done $0x0  }
0x8b: {  	[sflag:s5] =	ssyncadd.s32 $0xFFFFE000  }
0x8c: {  	_ =	swait.ge [sflag:s5], $0x2000  }
0x8d: {  	[sflag:s5] =	ssyncset.done $0x0  }
0x8e: {  	[sflag:s5] =	ssyncadd.s32 $0xFFFFE000  }
0x8f: {  	_ =	swait.ge [sflag:s5], $0x2000  }
0x90: {  	[sflag:s5] =	ssyncset.done $0x0  }
0x91: {  	[sflag:s5] =	ssyncadd.s32 $0xFFFFE000  }
0x92: {  	[bflag:$0x0] =	sbarrier.arrive $0xFFFF  }
0x93: {  	s25 =	simm.s32 $0xB380;
	s24 =	rddreg [dreg:$0x2]  }
0x94: {  	[tilespmem:s25], [sflag:$0x7] =	stream.linear.gather [spmem:s24], $0x800, $0x38;
	[tilespmem:$0x1FB90] =	vst v63  }
0x95: {  	_ =	swait.ge [sflag:s12], $0x800  }
0x96: {  	[sflag:s12] =	ssyncset.done $0x0  }
0x97: {  	[sflag:s12] =	ssyncadd.s32 $0xFFFFF800  }
0x98: {  	v4 =	vld [tilespmem:$0xB380]  }
0x99: {  	v5 =	vld [tilespmem:$0xB400];
	_ =	sdelay $0x1  }
0x9a: {  	v6 =	vld [tilespmem:$0xB480];
	_ =	sdelay $0x1  }
0x9b: {  	v7 =	vld [tilespmem:$0xB500]  }
0x9c: {  	vm15 =	vlt.s32 v4, v5  }
0x9d: {  	v4 =	vsel vm15, v4, v5;
	v5 =	vld [tilespmem:$0xB580]  }
0x9e: {  	vm0 =	vlt.s32 v4, v6  }
0x9f: {  	v4 =	vsel vm0, v4, v6;
	v6 =	vld [tilespmem:$0xB600]  }
0xa0: {  	vm0 =	vlt.s32 v4, v7  }
0xa1: {  	v4 =	vsel vm0, v4, v7;
	v7 =	vld [tilespmem:$0xB680]  }
0xa2: {  	vm0 =	vlt.s32 v4, v5  }
0xa3: {  	v4 =	vsel vm0, v4, v5;
	v5 =	vld [tilespmem:$0xB700]  }
0xa4: {  	vm0 =	vlt.s32 v4, v6  }
0xa5: {  	v4 =	vsel vm0, v4, v6;
	v6 =	vld [tilespmem:$0xB780]  }
0xa6: {  	vm0 =	vlt.s32 v4, v7  }
0xa7: {  	v4 =	vsel vm0, v4, v7;
	v7 =	vld [tilespmem:$0xB800]  }
0xa8: {  	vm0 =	vlt.s32 v4, v5  }
0xa9: {  	v4 =	vsel vm0, v4, v5;
	v5 =	vld [tilespmem:$0xB880]  }
0xaa: {  	vm0 =	vlt.s32 v4, v6  }
0xab: {  	v4 =	vsel vm0, v4, v6;
	v6 =	vld [tilespmem:$0xB900]  }
0xac: {  	vm0 =	vlt.s32 v4, v7  }
0xad: {  	v4 =	vsel vm0, v4, v7;
	v7 =	vld [tilespmem:$0xB980]  }
0xae: {  	vm0 =	vlt.s32 v4, v5  }
0xaf: {  	v4 =	vsel vm0, v4, v5;
	v5 =	vld [tilespmem:$0xBA00]  }
0xb0: {  	vm0 =	vlt.s32 v4, v6  }
0xb1: {  	v4 =	vsel vm0, v4, v6;
	v6 =	vld [tilespmem:$0xBA80]  }
0xb2: {  	vm0 =	vlt.s32 v4, v7  }
0xb3: {  	v4 =	vsel vm0, v4, v7;
	v7 =	vld [tilespmem:$0xBB00]  }
0xb4: {  	vm0 =	vlt.s32 v4, v5  }
0xb5: {  	v4 =	vsel vm0, v4, v5  }
0xb6: {  	vm0 =	vlt.s32 v4, v6  }
0xb7: {  	v4 =	vsel vm0, v4, v6  }
0xb8: {  	vm0 =	vlt.s32 v4, v7  }
0xb9: {  	v4 =	vsel vm0, v4, v7  }
0xba: {  	(v2sf) =	vpush v4, $0x0  }
0xbb: {  	(v2sf) =	vpush v4, $0x1;
	_ =	sdelay $0x1  }
0xbc: {  	(v2sf) =	vpush v4, $0x2;
	_ =	sdelay $0x1  }
0xbd: {  	(v2sf) =	vpush v4, $0x3;
	_ =	sdelay $0x1  }
0xbe: {  	(v2sf) =	vpush v4, $0x4;
	_ =	sdelay $0x1  }
0xbf: {  	(v2sf) =	vpush v4, $0x5;
	_ =	sdelay $0x2  }
0xc0: {  	(v2sf) =	vpush v4, $0x6;
	_ =	sdelay $0x1  }
0xc1: {  	(v2sf) =	vpush v4, $0x7  }
0xc2: {  	s21 =	spop (v2sf)  }
0xc3: {  	(v2sf) =	vpush v4, $0x8;
	s22 =	spop (v2sf)  }
0xc4: {  	p0 =	slt.s32 s21, s22  }
0xc5: {  	(v2sf) =	vpush v4, $0x9;
	s22 =	smov.u32 @p0 s21;
	s21 =	spop (v2sf)  }
0xc6: {  	(v2sf) =	vpush v4, $0xA;
	p0 =	slt.s32 s22, s21  }
0xc7: {  	s21 =	smov.u32 @p0 s22;
	s22 =	spop (v2sf);
	(v2sf) =	vpush v4, $0xB  }
0xc8: {  	p0 =	slt.s32 s21, s22;
	(v2sf) =	vpush v4, $0xC  }
0xc9: {  	s22 =	smov.u32 @p0 s21;
	s21 =	spop (v2sf);
	(v2sf) =	vpush v4, $0xD  }
0xca: {  	p0 =	slt.s32 s22, s21;
	(v2sf) =	vpush v4, $0xE  }
0xcb: {  	s21 =	smov.u32 @p0 s22;
	s22 =	spop (v2sf);
	(v2sf) =	vpush v4, $0xF;
	_ =	sdelay $0x1  }
0xcc: {  	p0 =	slt.s32 s21, s22  }
0xcd: {  	s23 =	spop (v2sf);
	s22 =	smov.u32 @p0 s21  }
0xce: {  	p0 =	slt.s32 s22, s23  }
0xcf: {  	s21 =	spop (v2sf);
	s23 =	smov.u32 @p0 s22  }
0xd0: {  	p0 =	slt.s32 s23, s21  }
0xd1: {  	s22 =	spop (v2sf);
	s21 =	smov.u32 @p0 s23  }
0xd2: {  	p0 =	slt.s32 s21, s22  }
0xd3: {  	s23 =	spop (v2sf);
	s22 =	smov.u32 @p0 s21  }
0xd4: {  	p0 =	slt.s32 s22, s23;
	s21 =	spop (v2sf)  }
0xd5: {  	s23 =	smov.u32 @p0 s22;
	s22 =	spop (v2sf)  }
0xd6: {  	p0 =	slt.s32 s23, s21;
	s24 =	spop (v2sf)  }
0xd7: {  	s21 =	smov.u32 @p0 s23;
	s23 =	spop (v2sf)  }
0xd8: {  	p0 =	slt.s32 s21, s22;
	s25 =	spop (v2sf)  }
0xd9: {  	s22 =	smov.u32 @p0 s21;
	s21 =	spop (v2sf)  }
0xda: {  	p0 =	slt.s32 s22, s24;
	_ =	swait.ge [sflag:s6], $0x2800  }
0xdb: {  	s24 =	smov.u32 @p0 s22;
	[sflag:s6] =	ssyncset.done $0x0  }
0xdc: {  	p0 =	slt.s32 s24, s23;
	[sflag:s6] =	ssyncadd.s32 $0xFFFFD800  }
0xdd: {  	s23 =	smov.u32 @p0 s24;
	v5 =	vld [tilespmem:$0x0]  }
0xde: {  	p0 =	slt.s32 s23, s25;
	v6 =	vld [tilespmem:$0x2800]  }
0xdf: {  	v7 =	vld [tilespmem:$0x10];
	s25 =	smov.u32 @p0 s23  }
0xe0: {  	p0 =	slt.s32 s25, s21  }
0xe1: {  	v52 =	vld [tilespmem:$0x2810];
	s21 =	smov.u32 @p0 s25  }
0xe2: {  	v53 =	vld [tilespmem:$0x20];
	v4 =	vmov s21  }
0xe3: {  	v54 =	vld [tilespmem:$0x2820];
	v5 =	vsub.s32 v5, v4;
	[tilespmem:$0x5080] =	vst v6  }
0xe4: {  	v6 =	vsub.s32 v7, v4;
	[tilespmem:$0x5000] =	vst v5;
	v5 =	vld [tilespmem:$0x30]  }
0xe5: {  	[tilespmem:$0x5010] =	vst v6;
	v6 =	vld [tilespmem:$0x2830];
	_ =	sdelay $0x1  }
0xe6: {  	[tilespmem:$0x5090] =	vst v52  }
0xe7: {  	v7 =	vsub.s32 v53, v4;
	[tilespmem:$0x50A0] =	vst v54  }
0xe8: {  	[tilespmem:$0x5020] =	vst v7  }
0xe9: {  	v5 =	vsub.s32 v5, v4;
	[tilespmem:$0x50B0] =	vst v6  }
0xea: {  	[tilespmem:$0x5030] =	vst v5  }
0xeb: {  	[tilespmem:s3], [sflag:$0x1] =	stream.indirect.gather [hbm4b:s17+s13], $0x80, s2, s13, $0xb8;
	[tilespmem:$0x1FB90] =	vst v63  }
0xec: {  	v5 =	vld [tilespmem:$0x40]  }
0xed: {  	v6 =	vld [tilespmem:$0x2840]  }
0xee: {  	v7 =	vld [tilespmem:$0x50];
	_ =	sdelay $0x1  }
0xef: {  	v55 =	vld [tilespmem:$0x2850]  }
0xf0: {  	v56 =	vld [tilespmem:$0x60]  }
0xf1: {  	v57 =	vld [tilespmem:$0x2860];
	v5 =	vsub.s32 v5, v4;
	[tilespmem:$0x5180] =	vst v6  }
0xf2: {  	v6 =	vsub.s32 v7, v4;
	[tilespmem:$0x5100] =	vst v5;
	v5 =	vld [tilespmem:$0x70]  }
0xf3: {  	[tilespmem:$0x5110] =	vst v6;
	v6 =	vld [tilespmem:$0x2870];
	_ =	sdelay $0x1  }
0xf4: {  	[tilespmem:$0x5190] =	vst v55  }
0xf5: {  	v7 =	vsub.s32 v56, v4;
	[tilespmem:$0x51A0] =	vst v57  }
0xf6: {  	[tilespmem:$0x5120] =	vst v7  }
0xf7: {  	v5 =	vsub.s32 v5, v4;
	[tilespmem:$0x51B0] =	vst v6  }
0xf8: {  	[tilespmem:$0x5130] =	vst v5  }
0xf9: {  	[tilespmem:s8], [sflag:$0x2] =	stream.indirect.gather [hbm4b:s17+s13], $0x80, s7, s13, $0xb8;
	[tilespmem:$0x1FB90] =	vst v63  }
0xfa: {  	v5 =	vld [tilespmem:$0x80]  }
0xfb: {  	v6 =	vld [tilespmem:$0x2880]  }
0xfc: {  	v7 =	vld [tilespmem:$0x90];
	_ =	sdelay $0x1  }
0xfd: {  	v58 =	vld [tilespmem:$0x2890]  }
0xfe: {  	v59 =	vld [tilespmem:$0xA0]  }
0xff: {  	v60 =	vld [tilespmem:$0x28A0];
	v5 =	vsub.s32 v5, v4;
	[tilespmem:$0x5280] =	vst v6  }
0x100: {  	v6 =	vsub.s32 v7, v4;
	[tilespmem:$0x5200] =	vst v5;
	v5 =	vld [tilespmem:$0xB0]  }
0x101: {  	[tilespmem:$0x5210] =	vst v6;
	v6 =	vld [tilespmem:$0x28B0];
	_ =	sdelay $0x1  }
0x102: {  	[tilespmem:$0x5290] =	vst v58  }
0x103: {  	v7 =	vsub.s32 v59, v4;
	[tilespmem:$0x52A0] =	vst v60  }
0x104: {  	[tilespmem:$0x5220] =	vst v7  }
0x105: {  	v5 =	vsub.s32 v5, v4;
	[tilespmem:$0x52B0] =	vst v6  }
0x106: {  	[tilespmem:$0x5230] =	vst v5  }
0x107: {  	[tilespmem:s10], [sflag:$0x3] =	stream.indirect.gather [hbm4b:s17+s13], $0x80, s9, s13, $0xb8;
	[tilespmem:$0x1FB90] =	vst v63  }
0x108: {  	_ =	swait.ge [sflag:s4], $0x2000  }
0x109: {  	[sflag:s4] =	ssyncset.done $0x0  }
0x10a: {  	[sflag:s4] =	ssyncadd.s32 $0xFFFFE000  }
0x10b: {  	[spmem:s14] =	stream.indirect.scatter.add.f32 [tilespmem:s3], [sflag:$0x4], $0x80, s11, s13, $0xb8;
	[tilespmem:$0x1FB90] =	vst v63  }
0x10c: {  	_ =	swait.ge [sflag:s5], $0x2000  }
0x10d: {  	[sflag:s5] =	ssyncset.done $0x0  }
0x10e: {  	[sflag:s5] =	ssyncadd.s32 $0xFFFFE000  }
0x10f: {  	v5 =	vld [tilespmem:$0xC0]  }
0x110: {  	v6 =	vld [tilespmem:$0x28C0]  }
0x111: {  	v7 =	vld [tilespmem:$0xD0];
	_ =	sdelay $0x1  }
0x112: {  	v61 =	vld [tilespmem:$0x28D0]  }
0x113: {  	v62 =	vld [tilespmem:$0xE0]  }
0x114: {  	v63 =	vld [tilespmem:$0x28E0];
	v5 =	vsub.s32 v5, v4;
	[tilespmem:$0x5080] =	vst v6  }
0x115: {  	v6 =	vsub.s32 v7, v4;
	[tilespmem:$0x5000] =	vst v5;
	v5 =	vld [tilespmem:$0xF0]  }
0x116: {  	[tilespmem:$0x5010] =	vst v6;
	v6 =	vld [tilespmem:$0x28F0];
	_ =	sdelay $0x1  }
0x117: {  	[tilespmem:$0x5090] =	vst v61  }
0x118: {  	v7 =	vsub.s32 v62, v4;
	[tilespmem:$0x50A0] =	vst v63  }
0x119: {  	[tilespmem:$0x5020] =	vst v7  }
0x11a: {  	v5 =	vsub.s32 v5, v4;
	[tilespmem:$0x50B0] =	vst v6  }
0x11b: {  	[tilespmem:$0x5030] =	vst v5  }
0x11c: {  	[tilespmem:s3], [sflag:$0x1] =	stream.indirect.gather [hbm4b:s17+s13], $0x80, s2, s13, $0xb8;
	[tilespmem:$0x1FB90] =	vst v63  }
0x11d: {  	_ =	swait.ge [sflag:s6], $0x2000  }
0x11e: {  	[sflag:s6] =	ssyncset.done $0x0  }
0x11f: {  	[sflag:s6] =	ssyncadd.s32 $0xFFFFE000  }
0x120: {  	[spmem:s14] =	stream.indirect.scatter.add.f32 [tilespmem:s8], [sflag:$0x5], $0x80, s15, s13, $0xb8;
	[tilespmem:$0x1FB90] =	vst v63  }
0x121: {  	_ =	swait.ge [sflag:s16], $0x2000  }
0x122: {  	[sflag:s16] =	ssyncset.done $0x0  }
0x123: {  	s23 =	sand.u32 $0x3FC0, s20;
	[sflag:s16] =	ssyncadd.s32 $0xFFFFE000  }
0x124: {  	v5 =	vld [tilespmem:s23+$0x100];
	_ =	sdelay $0x4  }
0x125: {  	v5 =	vsub.s32 v5, v4  }
0x126: {  	[tilespmem:$0x5100] =	vst v5  }
0x127: {  	v5 =	vld [tilespmem:s23+$0x2900];
	_ =	sdelay $0x4  }
0x128: {  	s24 =	simm.s32 $0x1B0;
	[tilespmem:$0x5180] =	vst v5  }
0x129: {  	v5 =	vld [tilespmem:s24+$0xFFFFFF60];
	_ =	sdelay $0x4  }
0x12a: {  	v5 =	vsub.s32 v5, v4  }
0x12b: {  	s25 =	simm.s32 $0x29B0;
	[tilespmem:$0x5110] =	vst v5  }
0x12c: {  	v5 =	vld [tilespmem:s25+$0xFFFFFF60];
	_ =	sdelay $0x4  }
0x12d: {  	[tilespmem:$0x5190] =	vst v5  }
0x12e: {  	v5 =	vld [tilespmem:s24+$0xFFFFFF70];
	_ =	sdelay $0x4  }
0x12f: {  	v5 =	vsub.s32 v5, v4  }
0x130: {  	[tilespmem:$0x5120] =	vst v5  }
0x131: {  	v5 =	vld [tilespmem:s25+$0xFFFFFF70];
	_ =	sdelay $0x4  }
0x132: {  	[tilespmem:$0x51A0] =	vst v5  }
0x133: {  	v5 =	vld [tilespmem:s24+$0xFFFFFF80];
	_ =	sdelay $0x4  }
0x134: {  	v5 =	vsub.s32 v5, v4  }
0x135: {  	[tilespmem:$0x5130] =	vst v5  }
0x136: {  	v5 =	vld [tilespmem:s25+$0xFFFFFF80];
	_ =	sdelay $0x4  }
0x137: {  	[tilespmem:$0x51B0] =	vst v5  }
0x138: {  	[tilespmem:s8], [sflag:$0x2] =	stream.indirect.gather [hbm4b:s17+s13], $0x80, s7, s13, $0xb8;
	[tilespmem:$0x1FB90] =	vst v63  }
0x139: {  	_ =	swait.ge [sflag:s18], $0x2000  }
0x13a: {  	[sflag:s18] =	ssyncset.done $0x0  }
0x13b: {  	[sflag:s18] =	ssyncadd.s32 $0xFFFFE000  }
0x13c: {  	[spmem:s14] =	stream.indirect.scatter.add.f32 [tilespmem:s10], [sflag:$0x6], $0x80, s0, s13, $0xb8;
	[tilespmem:$0x1FB90] =	vst v63  }
0x13d: {  	_ =	swait.ge [sflag:s19], $0x2000  }
0x13e: {  	[sflag:s19] =	ssyncset.done $0x0  }
0x13f: {  	[sflag:s19] =	ssyncadd.s32 $0xFFFFE000  }
0x140: {  	v5 =	vld [tilespmem:s24+$0xFFFFFF90];
	_ =	sdelay $0x4  }
0x141: {  	v5 =	vsub.s32 v5, v4  }
0x142: {  	[tilespmem:$0x5200] =	vst v5  }
0x143: {  	v5 =	vld [tilespmem:s25+$0xFFFFFF90];
	_ =	sdelay $0x4  }
0x144: {  	[tilespmem:$0x5280] =	vst v5  }
0x145: {  	v5 =	vld [tilespmem:s24+$0xFFFFFFA0];
	_ =	sdelay $0x4  }
0x146: {  	v5 =	vsub.s32 v5, v4  }
0x147: {  	[tilespmem:$0x5210] =	vst v5  }
0x148: {  	v5 =	vld [tilespmem:s25+$0xFFFFFFA0];
	_ =	sdelay $0x4  }
0x149: {  	[tilespmem:$0x5290] =	vst v5  }
0x14a: {  	v5 =	vld [tilespmem:s24+$0xFFFFFFB0];
	_ =	sdelay $0x4  }
0x14b: {  	v5 =	vsub.s32 v5, v4  }
0x14c: {  	[tilespmem:$0x5220] =	vst v5  }
0x14d: {  	v5 =	vld [tilespmem:s25+$0xFFFFFFB0];
	_ =	sdelay $0x4  }
0x14e: {  	[tilespmem:$0x52A0] =	vst v5  }
0x14f: {  	v5 =	vld [tilespmem:s24+$0xFFFFFFC0];
	_ =	sdelay $0x4  }
0x150: {  	v5 =	vsub.s32 v5, v4  }
0x151: {  	[tilespmem:$0x5230] =	vst v5  }
0x152: {  	v5 =	vld [tilespmem:s25+$0xFFFFFFC0];
	_ =	sdelay $0x4  }
0x153: {  	[tilespmem:$0x52B0] =	vst v5  }
0x154: {  	[tilespmem:s10], [sflag:$0x3] =	stream.indirect.gather [hbm4b:s17+s13], $0x80, s9, s13, $0xb8;
	[tilespmem:$0x1FB90] =	vst v63  }
0x155: {  	_ =	swait.ge [sflag:s4], $0x2000  }
0x156: {  	[sflag:s4] =	ssyncset.done $0x0  }
0x157: {  	[sflag:s4] =	ssyncadd.s32 $0xFFFFE000  }
0x158: {  	[spmem:s14] =	stream.indirect.scatter.add.f32 [tilespmem:s3], [sflag:$0x4], $0x80, s11, s13, $0xb8;
	[tilespmem:$0x1FB90] =	vst v63  }
0x159: {  	_ =	swait.ge [sflag:s5], $0x2000  }
0x15a: {  	[sflag:s5] =	ssyncset.done $0x0  }
0x15b: {  	[sflag:s5] =	ssyncadd.s32 $0xFFFFE000  }
0x15c: {  	v5 =	vld [tilespmem:s23+$0x180];
	_ =	sdelay $0x4  }
0x15d: {  	v5 =	vsub.s32 v5, v4  }
0x15e: {  	[tilespmem:$0x5000] =	vst v5  }
0x15f: {  	v5 =	vld [tilespmem:s23+$0x2980];
	_ =	sdelay $0x4  }
0x160: {  	[tilespmem:$0x5080] =	vst v5  }
0x161: {  	v5 =	vld [tilespmem:s24+$0xFFFFFFE0];
	_ =	sdelay $0x4  }
0x162: {  	v5 =	vsub.s32 v5, v4  }
0x163: {  	[tilespmem:$0x5010] =	vst v5  }
0x164: {  	v5 =	vld [tilespmem:s25+$0xFFFFFFE0];
	_ =	sdelay $0x4  }
0x165: {  	[tilespmem:$0x5090] =	vst v5  }
0x166: {  	v5 =	vld [tilespmem:s24+$0xFFFFFFF0];
	_ =	sdelay $0x4  }
0x167: {  	v5 =	vsub.s32 v5, v4  }
0x168: {  	[tilespmem:$0x5020] =	vst v5  }
0x169: {  	v5 =	vld [tilespmem:s25+$0xFFFFFFF0];
	_ =	sdelay $0x4  }
0x16a: {  	[tilespmem:$0x50A0] =	vst v5  }
0x16b: {  	v5 =	vld [tilespmem:s24+$0x0];
	_ =	sdelay $0x4  }
0x16c: {  	v5 =	vsub.s32 v5, v4  }
0x16d: {  	[tilespmem:$0x5030] =	vst v5  }
0x16e: {  	v5 =	vld [tilespmem:s25+$0x0];
	_ =	sdelay $0x4  }
0x16f: {  	[tilespmem:$0x50B0] =	vst v5  }
0x170: {  	[tilespmem:s3], [sflag:$0x1] =	stream.indirect.gather [hbm4b:s17+s13], $0x80, s2, s13, $0xb8;
	[tilespmem:$0x1FB90] =	vst v63  }
0x171: {  	_ =	swait.ge [sflag:s6], $0x2000  }
0x172: {  	s22 =	simm.s32 $0x270;
	[sflag:s6] =	ssyncset.done $0x0  }
0x173: {  	s20 =	simm.s32 $0xC0;
	s21 =	simm.s32 $0x2A70;
	[sflag:s6] =	ssyncadd.s32 $0xFFFFE000  }
.LBB2_4:
0x174: {  	[spmem:s14] =	stream.indirect.scatter.add.f32 [tilespmem:s8], [sflag:$0x5], $0x80, s15, s13, $0xb8;
	[tilespmem:$0x1FB90] =	vst v63  }
0x175: {  	s23 =	smov.u32 s20  }
0x176: {  	p0 =	sne.s32 s20, $0x2640;
	s20 =	sadd.s32 $0xC0, s20;
	_ =	swait.ge [sflag:s16], $0x2000  }
0x177: {  	[sflag:s16] =	ssyncset.done $0x0  }
0x178: {  	s23 =	sand.u32 $0x3FC0, s23;
	[sflag:s16] =	ssyncadd.s32 $0xFFFFE000  }
0x179: {  	v5 =	vld [tilespmem:s23+$0x100];
	_ =	sdelay $0x4  }
0x17a: {  	v5 =	vsub.s32 v5, v4  }
0x17b: {  	[tilespmem:$0x5100] =	vst v5  }
0x17c: {  	v5 =	vld [tilespmem:s23+$0x2900];
	_ =	sdelay $0x4  }
0x17d: {  	[tilespmem:$0x5180] =	vst v5  }
0x17e: {  	v5 =	vld [tilespmem:s22+$0xFFFFFF60];
	_ =	sdelay $0x4  }
0x17f: {  	v5 =	vsub.s32 v5, v4  }
0x180: {  	[tilespmem:$0x5110] =	vst v5  }
0x181: {  	v5 =	vld [tilespmem:s21+$0xFFFFFF60];
	_ =	sdelay $0x4  }
0x182: {  	[tilespmem:$0x5190] =	vst v5  }
0x183: {  	v5 =	vld [tilespmem:s22+$0xFFFFFF70];
	_ =	sdelay $0x4  }
0x184: {  	v5 =	vsub.s32 v5, v4  }
0x185: {  	[tilespmem:$0x5120] =	vst v5  }
0x186: {  	v5 =	vld [tilespmem:s21+$0xFFFFFF70];
	_ =	sdelay $0x4  }
0x187: {  	[tilespmem:$0x51A0] =	vst v5  }
0x188: {  	v5 =	vld [tilespmem:s22+$0xFFFFFF80];
	_ =	sdelay $0x4  }
0x189: {  	v5 =	vsub.s32 v5, v4  }
0x18a: {  	[tilespmem:$0x5130] =	vst v5  }
0x18b: {  	v5 =	vld [tilespmem:s21+$0xFFFFFF80];
	_ =	sdelay $0x4  }
0x18c: {  	[tilespmem:$0x51B0] =	vst v5  }
0x18d: {  	[tilespmem:s8], [sflag:$0x2] =	stream.indirect.gather [hbm4b:s17+s13], $0x80, s7, s13, $0xb8;
	[tilespmem:$0x1FB90] =	vst v63  }
0x18e: {  	_ =	swait.ge [sflag:s18], $0x2000  }
0x18f: {  	[sflag:s18] =	ssyncset.done $0x0  }
0x190: {  	[sflag:s18] =	ssyncadd.s32 $0xFFFFE000  }
0x191: {  	[spmem:s14] =	stream.indirect.scatter.add.f32 [tilespmem:s10], [sflag:$0x6], $0x80, s0, s13, $0xb8;
	[tilespmem:$0x1FB90] =	vst v63  }
0x192: {  	_ =	swait.ge [sflag:s19], $0x2000  }
0x193: {  	[sflag:s19] =	ssyncset.done $0x0  }
0x194: {  	[sflag:s19] =	ssyncadd.s32 $0xFFFFE000  }
0x195: {  	v5 =	vld [tilespmem:s22+$0xFFFFFF90];
	_ =	sdelay $0x4  }
0x196: {  	v5 =	vsub.s32 v5, v4  }
0x197: {  	[tilespmem:$0x5200] =	vst v5  }
0x198: {  	v5 =	vld [tilespmem:s21+$0xFFFFFF90];
	_ =	sdelay $0x4  }
0x199: {  	[tilespmem:$0x5280] =	vst v5  }
0x19a: {  	v5 =	vld [tilespmem:s22+$0xFFFFFFA0];
	_ =	sdelay $0x4  }
0x19b: {  	v5 =	vsub.s32 v5, v4  }
0x19c: {  	[tilespmem:$0x5210] =	vst v5  }
0x19d: {  	v5 =	vld [tilespmem:s21+$0xFFFFFFA0];
	_ =	sdelay $0x4  }
0x19e: {  	[tilespmem:$0x5290] =	vst v5  }
0x19f: {  	v5 =	vld [tilespmem:s22+$0xFFFFFFB0];
	_ =	sdelay $0x4  }
0x1a0: {  	v5 =	vsub.s32 v5, v4  }
0x1a1: {  	[tilespmem:$0x5220] =	vst v5  }
0x1a2: {  	v5 =	vld [tilespmem:s21+$0xFFFFFFB0];
	_ =	sdelay $0x4  }
0x1a3: {  	[tilespmem:$0x52A0] =	vst v5  }
0x1a4: {  	v5 =	vld [tilespmem:s22+$0xFFFFFFC0];
	_ =	sdelay $0x4  }
0x1a5: {  	v5 =	vsub.s32 v5, v4  }
0x1a6: {  	[tilespmem:$0x5230] =	vst v5  }
0x1a7: {  	v5 =	vld [tilespmem:s21+$0xFFFFFFC0];
	_ =	sdelay $0x4  }
0x1a8: {  	[tilespmem:$0x52B0] =	vst v5  }
0x1a9: {  	[tilespmem:s10], [sflag:$0x3] =	stream.indirect.gather [hbm4b:s17+s13], $0x80, s9, s13, $0xb8;
	[tilespmem:$0x1FB90] =	vst v63  }
0x1aa: {  	_ =	swait.ge [sflag:s4], $0x2000  }
0x1ab: {  	[sflag:s4] =	ssyncset.done $0x0  }
0x1ac: {  	[sflag:s4] =	ssyncadd.s32 $0xFFFFE000  }
0x1ad: {  	[spmem:s14] =	stream.indirect.scatter.add.f32 [tilespmem:s3], [sflag:$0x4], $0x80, s11, s13, $0xb8;
	[tilespmem:$0x1FB90] =	vst v63  }
0x1ae: {  	_ =	swait.ge [sflag:s5], $0x2000  }
0x1af: {  	[sflag:s5] =	ssyncset.done $0x0  }
0x1b0: {  	[sflag:s5] =	ssyncadd.s32 $0xFFFFE000  }
0x1b1: {  	v5 =	vld [tilespmem:s23+$0x180];
	_ =	sdelay $0x4  }
0x1b2: {  	v5 =	vsub.s32 v5, v4  }
0x1b3: {  	[tilespmem:$0x5000] =	vst v5  }
0x1b4: {  	v5 =	vld [tilespmem:s23+$0x2980];
	_ =	sdelay $0x4  }
0x1b5: {  	[tilespmem:$0x5080] =	vst v5  }
0x1b6: {  	v5 =	vld [tilespmem:s22+$0xFFFFFFE0];
	_ =	sdelay $0x4  }
0x1b7: {  	v5 =	vsub.s32 v5, v4  }
0x1b8: {  	[tilespmem:$0x5010] =	vst v5  }
0x1b9: {  	v5 =	vld [tilespmem:s21+$0xFFFFFFE0];
	_ =	sdelay $0x4  }
0x1ba: {  	[tilespmem:$0x5090] =	vst v5  }
0x1bb: {  	v5 =	vld [tilespmem:s22+$0xFFFFFFF0];
	_ =	sdelay $0x4  }
0x1bc: {  	v5 =	vsub.s32 v5, v4  }
0x1bd: {  	[tilespmem:$0x5020] =	vst v5  }
0x1be: {  	v5 =	vld [tilespmem:s21+$0xFFFFFFF0];
	_ =	sdelay $0x4  }
0x1bf: {  	[tilespmem:$0x50A0] =	vst v5  }
0x1c0: {  	v5 =	vld [tilespmem:s22+$0x0];
	_ =	sdelay $0x4  }
0x1c1: {  	v5 =	vsub.s32 v5, v4  }
0x1c2: {  	[tilespmem:$0x5030] =	vst v5  }
0x1c3: {  	v5 =	vld [tilespmem:s21+$0x0];
	_ =	sdelay $0x4  }
.Ltmp1:
0x1c4: {  	[tilespmem:$0x50B0] =	vst v5;
	(pc) =	sbr.rel @p0 .LBB2_4-.Ltmp1, $4  }
0x1c5: {  	[tilespmem:s3], [sflag:$0x1] =	stream.indirect.gather [hbm4b:s17+s13], $0x80, s2, s13, $0xb8;
	[tilespmem:$0x1FB90] =	vst v63  }
0x1c6: {  	_ =	swait.ge [sflag:s6], $0x2000  }
0x1c7: {  	[sflag:s6] =	ssyncset.done $0x0  }
0x1c8: {  	s22 =	sadd.s32 $0xC0, s22;
	s21 =	sadd.s32 $0xC0, s21;
	[sflag:s6] =	ssyncadd.s32 $0xFFFFE000  }
0x1c9: {  	[spmem:s14] =	stream.indirect.scatter.add.f32 [tilespmem:s8], [sflag:$0x5], $0x80, s15, s13, $0xb8;
	[tilespmem:$0x1FB90] =	vst v63  }
0x1ca: {  	_ =	swait.ge [sflag:s18], $0x2000  }
0x1cb: {  	[sflag:s18] =	ssyncset.done $0x0  }
0x1cc: {  	[sflag:s18] =	ssyncadd.s32 $0xFFFFE000  }
0x1cd: {  	[spmem:s14] =	stream.indirect.scatter.add.f32 [tilespmem:s10], [sflag:$0x6], $0x80, s0, s13, $0xb8;
	[tilespmem:$0x1FB90] =	vst v63  }
0x1ce: {  	_ =	swait.ge [sflag:s4], $0x2000  }
0x1cf: {  	[sflag:s4] =	ssyncset.done $0x0  }
0x1d0: {  	[sflag:s4] =	ssyncadd.s32 $0xFFFFE000  }
0x1d1: {  	[spmem:s14] =	stream.indirect.scatter.add.f32 [tilespmem:s3], [sflag:$0x4], $0x80, s11, s13, $0xb8;
	[tilespmem:$0x1FB90] =	vst v63  }
0x1d2: {  	_ =	swait.ge [sflag:s16], $0x2000  }
0x1d3: {  	[sflag:s16] =	ssyncset.done $0x0  }
0x1d4: {  	[sflag:s16] =	ssyncadd.s32 $0xFFFFE000  }
0x1d5: {  	_ =	swait.ge [sflag:s19], $0x2000  }
0x1d6: {  	[sflag:s19] =	ssyncset.done $0x0  }
0x1d7: {  	[sflag:s19] =	ssyncadd.s32 $0xFFFFE000  }
0x1d8: {  	_ =	swait.ge [sflag:s5], $0x2000  }
0x1d9: {  	[sflag:s5] =	ssyncset.done $0x0  }
0x1da: {  	[sflag:s5] =	ssyncadd.s32 $0xFFFFE000  }
0x1db: {  	[bflag:$0x0] =	sbarrier.arrive $0xFFFF  }
0x1dc: {  	[tilespmem:s3], [sflag:$0x1] =	stream.linear.gather [spmem:s26], $0x2000, $0x38;
	[tilespmem:$0x1FB90] =	vst v63  }
0x1dd: {  	_ = 	snop  }
0x1de: {  	[tilespmem:s8], [sflag:$0x2] =	stream.linear.gather [spmem:s28], $0x2000, $0x38;
	[tilespmem:$0x1FB90] =	vst v63  }
0x1df: {  	_ =	swait.ge [sflag:s4], $0x2000  }
0x1e0: {  	[sflag:s4] =	ssyncset.done $0x0  }
0x1e1: {  	s20 =	rddreg [dreg:$0x5];
	[sflag:s4] =	ssyncadd.s32 $0xFFFFE000  }
0x1e2: {  	[hbm4b:s20+s1] =	stream.linear.scatter [tilespmem:s3], [sflag:$0x4], $0x2000, $0x38;
	[tilespmem:$0x1FB90] =	vst v63  }
0x1e3: {  	_ =	swait.ge [sflag:s5], $0x2000  }
0x1e4: {  	[sflag:s5] =	ssyncset.done $0x0  }
0x1e5: {  	[sflag:s5] =	ssyncadd.s32 $0xFFFFE000  }
0x1e6: {  	[tilespmem:s3], [sflag:$0x1] =	stream.linear.gather [spmem:s29], $0x2000, $0x38;
	[tilespmem:$0x1FB90] =	vst v63  }
0x1e7: {  	_ =	swait.ge [sflag:s6], $0x2000  }
0x1e8: {  	[sflag:s6] =	ssyncset.done $0x0  }
0x1e9: {  	s24 =	smov.u32 s29;
	s29 =	rddreg [dreg:$0x6];
	[sflag:s6] =	ssyncadd.s32 $0xFFFFE000  }
0x1ea: {  	[hbm4b:s29+s1] =	stream.linear.scatter [tilespmem:s8], [sflag:$0x5], $0x2000, $0x38;
	[tilespmem:$0x1FB90] =	vst v63  }
0x1eb: {  	_ =	swait.ge [sflag:s16], $0x2000  }
0x1ec: {  	[sflag:s16] =	ssyncset.done $0x0  }
0x1ed: {  	[sflag:s16] =	ssyncadd.s32 $0xFFFFE000  }
0x1ee: {  	[tilespmem:s8], [sflag:$0x2] =	stream.linear.gather [spmem:s30], $0x2000, $0x38;
	[tilespmem:$0x1FB90] =	vst v63  }
0x1ef: {  	_ =	swait.ge [sflag:s4], $0x2000  }
0x1f0: {  	[sflag:s4] =	ssyncset.done $0x0  }
0x1f1: {  	s21 =	rddreg [dreg:$0x7];
	[sflag:s4] =	ssyncadd.s32 $0xFFFFE000  }
0x1f2: {  	[hbm4b:s21+s1] =	stream.linear.scatter [tilespmem:s3], [sflag:$0x4], $0x2000, $0x38;
	[tilespmem:$0x1FB90] =	vst v63  }
0x1f3: {  	_ =	swait.ge [sflag:s5], $0x2000  }
0x1f4: {  	[sflag:s5] =	ssyncset.done $0x0  }
0x1f5: {  	s22 =	smov.u32 s26;
	s26 =	rddreg [dreg:$0x13];
	[sflag:s5] =	ssyncadd.s32 $0xFFFFE000  }
0x1f6: {  	[tilespmem:s3], [sflag:$0x1] =	stream.linear.gather [spmem:s26], $0x2000, $0x38;
	[tilespmem:$0x1FB90] =	vst v63  }
0x1f7: {  	_ =	swait.ge [sflag:s6], $0x2000  }
0x1f8: {  	[sflag:s6] =	ssyncset.done $0x0  }
0x1f9: {  	s23 =	smov.u32 s28;
	s28 =	rddreg [dreg:$0x8];
	[sflag:s6] =	ssyncadd.s32 $0xFFFFE000  }
0x1fa: {  	[hbm4b:s28+s1] =	stream.linear.scatter [tilespmem:s8], [sflag:$0x5], $0x2000, $0x38;
	[tilespmem:$0x1FB90] =	vst v63  }
0x1fb: {  	_ =	swait.ge [sflag:s16], $0x2000  }
0x1fc: {  	[sflag:s16] =	ssyncset.done $0x0  }
0x1fd: {  	s29 =	rddreg [dreg:$0x14];
	[sflag:s16] =	ssyncadd.s32 $0xFFFFE000  }
0x1fe: {  	[tilespmem:s8], [sflag:$0x2] =	stream.linear.gather [spmem:s29], $0x2000, $0x38;
	[tilespmem:$0x1FB90] =	vst v63  }
0x1ff: {  	_ =	swait.ge [sflag:s4], $0x2000  }
0x200: {  	[sflag:s4] =	ssyncset.done $0x0  }
0x201: {  	s25 =	smov.u32 s30;
	s30 =	rddreg [dreg:$0x9];
	[sflag:s4] =	ssyncadd.s32 $0xFFFFE000  }
0x202: {  	[hbm4b:s30+s1] =	stream.linear.scatter [tilespmem:s3], [sflag:$0x4], $0x2000, $0x38;
	[tilespmem:$0x1FB90] =	vst v63  }
0x203: {  	_ =	swait.ge [sflag:s5], $0x2000  }
0x204: {  	[sflag:s5] =	ssyncset.done $0x0  }
0x205: {  	s21 =	rddreg [dreg:$0x15];
	[sflag:s5] =	ssyncadd.s32 $0xFFFFE000  }
0x206: {  	[tilespmem:s3], [sflag:$0x1] =	stream.linear.gather [spmem:s21], $0x2000, $0x38;
	[tilespmem:$0x1FB90] =	vst v63  }
0x207: {  	_ =	swait.ge [sflag:s6], $0x2000  }
0x208: {  	[sflag:s6] =	ssyncset.done $0x0  }
0x209: {  	s26 =	rddreg [dreg:$0xa];
	[sflag:s6] =	ssyncadd.s32 $0xFFFFE000  }
0x20a: {  	[hbm4b:s26+s1] =	stream.linear.scatter [tilespmem:s8], [sflag:$0x5], $0x2000, $0x38;
	[tilespmem:$0x1FB90] =	vst v63  }
0x20b: {  	_ =	swait.ge [sflag:s16], $0x2000  }
0x20c: {  	[sflag:s16] =	ssyncset.done $0x0  }
0x20d: {  	s28 =	rddreg [dreg:$0x16];
	[sflag:s16] =	ssyncadd.s32 $0xFFFFE000  }
0x20e: {  	[tilespmem:s8], [sflag:$0x2] =	stream.linear.gather [spmem:s28], $0x2000, $0x38;
	[tilespmem:$0x1FB90] =	vst v63  }
0x20f: {  	_ =	swait.ge [sflag:s4], $0x2000  }
0x210: {  	[sflag:s4] =	ssyncset.done $0x0  }
0x211: {  	s29 =	rddreg [dreg:$0xb];
	[sflag:s4] =	ssyncadd.s32 $0xFFFFE000  }
0x212: {  	[hbm4b:s29+s1] =	stream.linear.scatter [tilespmem:s3], [sflag:$0x4], $0x2000, $0x38;
	[tilespmem:$0x1FB90] =	vst v63  }
0x213: {  	_ =	swait.ge [sflag:s5], $0x2000  }
0x214: {  	[sflag:s5] =	ssyncset.done $0x0  }
0x215: {  	s30 =	rddreg [dreg:$0x17];
	[sflag:s5] =	ssyncadd.s32 $0xFFFFE000  }
0x216: {  	[tilespmem:s3], [sflag:$0x1] =	stream.linear.gather [spmem:s30], $0x2000, $0x38;
	[tilespmem:$0x1FB90] =	vst v63  }
0x217: {  	_ =	swait.ge [sflag:s6], $0x2000  }
0x218: {  	[sflag:s6] =	ssyncset.done $0x0  }
0x219: {  	s21 =	rddreg [dreg:$0xc];
	[sflag:s6] =	ssyncadd.s32 $0xFFFFE000  }
0x21a: {  	[hbm4b:s21+s1] =	stream.linear.scatter [tilespmem:s8], [sflag:$0x5], $0x2000, $0x38;
	[tilespmem:$0x1FB90] =	vst v63  }
0x21b: {  	_ =	swait.ge [sflag:s16], $0x2000  }
0x21c: {  	[sflag:s16] =	ssyncset.done $0x0  }
0x21d: {  	s26 =	rddreg [dreg:$0x18];
	[sflag:s16] =	ssyncadd.s32 $0xFFFFE000  }
0x21e: {  	[tilespmem:s8], [sflag:$0x2] =	stream.linear.gather [spmem:s26], $0x2000, $0x38;
	[tilespmem:$0x1FB90] =	vst v63  }
0x21f: {  	_ =	swait.ge [sflag:s4], $0x2000  }
0x220: {  	[sflag:s4] =	ssyncset.done $0x0  }
0x221: {  	s28 =	rddreg [dreg:$0xd];
	[sflag:s4] =	ssyncadd.s32 $0xFFFFE000  }
0x222: {  	[hbm4b:s28+s1] =	stream.linear.scatter [tilespmem:s3], [sflag:$0x4], $0x2000, $0x38;
	[tilespmem:$0x1FB90] =	vst v63  }
0x223: {  	_ =	swait.ge [sflag:s5], $0x2000  }
0x224: {  	[sflag:s5] =	ssyncset.done $0x0  }
0x225: {  	[sflag:s5] =	ssyncadd.s32 $0xFFFFE000  }
0x226: {  	_ =	swait.ge [sflag:s6], $0x2000  }
0x227: {  	[sflag:s6] =	ssyncset.done $0x0  }
0x228: {  	s29 =	rddreg [dreg:$0xe];
	[sflag:s6] =	ssyncadd.s32 $0xFFFFE000  }
0x229: {  	[hbm4b:s29+s1] =	stream.linear.scatter [tilespmem:s8], [sflag:$0x5], $0x2000, $0x38;
	[tilespmem:$0x1FB90] =	vst v63  }
0x22a: {  	_ =	swait.ge [sflag:s16], $0x2000  }
0x22b: {  	s31 =	sadd.s32 $0x1, s31;
	s30 =	rddreg [dreg:$0x19]  }
0x22c: {  	p0 =	sne.s32 s31, s30  }
.Ltmp2:
0x22d: {  	_ = 	snop;
	(pc) =	sbr.rel @p0 .LBB2_1-.Ltmp2, $3  }
0x22e: {  	_ =	sdelay $0x1  }
0x22f: {  	[sflag:s16] =	ssyncset.done $0x0  }
0x230: {  	s26 =	simm.s32 $0x2800;
	[sflag:s16] =	ssyncadd.s32 $0xFFFFE000  }
0x231: {  	_ =	sfence.sel $0x180000  }
0x232: {  	[bflag:$0x0] =	sbarrier.arrive $0xFFFF  }
0x233: {  	_ =	strace $0x90000047  }
0x234: {  	s0 =	stileid.u32;
	[bflag:$0x2] =	sbarrier.arrive $0xFFFF  }
0x235: {  	p0 =	sne.s32 s0, $0x0;
	s0 =	rddreg [dreg:$0x4]  }
0x236: {  	s0 =	sadd.s32 @!p0 $0x100000, s0  }
0x237: {  	[sflag:s0] =	ssyncadd.tile.s32 @!p0 $0x1;
	_ =	shalt  }
.Lfunc_end2:
_tile_overlayer_lowered:
.L_overlay_start_2:
0x238: {  	(tag) =	ssettag $0x2  }
0x239: {  	s0 =	rddreg [dreg:$0x0];
	s2 =	stileid.u32  }
0x23a: {  	s1 =	rddreg [dreg:$0x1];
	p0 =	sne.s32 s2, $0x0  }
0x23b: {  	s3 =	rddreg [dreg:$0x2];
	[bflag:$0x3] =	sbarrier.arrive $0xFFFF;
	s2 =	simm.s32 @!p0 $0x1C07  }
0x23c: {  	[timem:s3], [sflag:s2] =	dma.local @!p0 [hbm:s0], s1  }
0x23d: {  	s0 =	simm.s32 @!p0 $0x7  }
0x23e: {  	_ =	swait.ge @!p0 [sflag:s0], s1  }
0x23f: {  	s1 =	ssub.s32 @!p0 $0x0, s1;
	[sflag:s0] =	ssyncset.done @!p0 $0x0  }
0x240: {  	[sflag:s0] =	ssyncadd.s32 @!p0 s1  }
0x241: {  	[bflag:$0x3] =	sbarrier.arrive $0xFFFF  }
0x242: {  	_ =	shalt  }

</sc_bundles>
